<compile_context>
chip_gen: v7x
topology: tpu7x:2x2x1
jax: 0.10.2.dev20260603
libtpu: 0.0.44.dev20260713+nightly
codegen_flags: <defaults>
</compile_context>

<pallas_src>
import functools

import jax
import jax.numpy as jnp
from jax import lax
from jax.experimental import pallas as pl
from jax.experimental.pallas import tpu as pltpu
from jax.experimental.pallas import tpu_sc as plsc

_N = 200
_E = 20000
_NP = 256
_NT = 32
_RPG = 5
_ROWS = 2 * _RPG
_EPT = 128 * _RPG
_EPAD = _NT * _EPT
_ASZ = _NP * _NP
_ACC = 2 * _ASZ
_SLC = _ACC // 16


def _sc_build_adj(src, dst, ew, zeros_slice):
    mesh = plsc.VectorSubcoreMesh(core_axis_name="c", subcore_axis_name="s")

    @functools.partial(
        pl.kernel,
        mesh=mesh,
        out_type=jax.ShapeDtypeStruct((2, _ACC), jnp.float32),
        scratch_types=[
            pltpu.VMEM((_ROWS, 128), jnp.int32),
            pltpu.VMEM((_ROWS, 128), jnp.int32),
            pltpu.VMEM((_ROWS, 128), jnp.float32),
            pltpu.VMEM((_ROWS, 128), jnp.int32),
            pltpu.VMEM_SHARED((_ACC,), jnp.float32),
            pltpu.SemaphoreType.DMA,
        ],
    )
    def k(src_hbm, dst_hbm, ew_hbm, zero_hbm, out_hbm, src_v, dst_v, ew_v,
          idx_v, acc, sem):
        cid = lax.axis_index("c")
        sid = lax.axis_index("s")
        wid = sid * 2 + cid
        stage = [
            pltpu.async_copy(zero_hbm, acc.at[pl.ds(sid * _SLC, _SLC)], sem),
            pltpu.async_copy(src_hbm.at[wid], src_v, sem),
            pltpu.async_copy(dst_hbm.at[wid], dst_v, sem),
            pltpu.async_copy(ew_hbm.at[wid], ew_v, sem),
        ]
        for cp in stage:
            cp.wait()
        for c in range(_ROWS):
            goff = 0 if c < _RPG else _ASZ
            for j in range(8):
                s16 = src_v[c, pl.ds(j * 16, 16)]
                d16 = dst_v[c, pl.ds(j * 16, 16)]
                idx_v[c, pl.ds(j * 16, 16)] = d16 * _NP + s16 + goff
        plsc.subcore_barrier()
        adds = [pltpu.async_copy(ew_v.at[c], acc.at[idx_v.at[c]], sem,
                                 add=True) for c in range(_ROWS)]
        for cp in adds:
            cp.wait()
        plsc.subcore_barrier()
        pltpu.sync_copy(acc.at[pl.ds(sid * _SLC, _SLC)],
                        out_hbm.at[cid, pl.ds(sid * _SLC, _SLC)])

    return k(src, dst, ew, zeros_slice)


def _tc_forward(parts, x1, x2, W1, b1, W2, b2, Wc1p, bc1, Wc2, bc2, Wc3,
                bc3):
    def body(parts_ref, x1_ref, x2_ref, W1_ref, b1_ref, W2_ref, b2_ref,
             Wc1_ref, bc1_ref, Wc2_ref, bc2_ref, Wc3_ref, bc3_ref,
             out1_ref, out2_ref):
        hi = lax.Precision.DEFAULT

        def mm(a, b):
            return lax.dot_general(a, b, (((1,), (0,)), ((), ())),
                                   precision=hi,
                                   preferred_element_type=jnp.float32)

        b1v = b1_ref[...]
        b2v = b2_ref[...]
        Wc1 = jnp.pad(Wc1_ref[...], ((0, _NP - _N), (0, 0)))
        Wc2 = Wc2_ref[...]
        Wc3 = Wc3_ref[...]
        bc1 = bc1_ref[...]
        bc2 = bc2_ref[...]
        bc3 = bc3_ref[...]

        def run(A, x):
            deg = jnp.sum(A, axis=0)
            dinv = jnp.where(deg > 0.0, lax.rsqrt(deg), 0.0)
            S = -(dinv[:, None] * A * dinv[None, :])
            T1 = mm(S, x)
            T2 = 2.0 * mm(S, T1) - x
            h = (mm(x, W1_ref[0]) + mm(T1, W1_ref[1]) + mm(T2, W1_ref[2])
                 + b1v)
            h = jnp.maximum(h, 0.0)
            U1 = mm(S, h)
            U2 = 2.0 * mm(S, U1) - h
            o = (mm(h, W2_ref[0]) + mm(U1, W2_ref[1]) + mm(U2, W2_ref[2])
                 + b2v)
            c1 = lax.dot_general(o, Wc1, (((0,), (0,)), ((), ())),
                                 precision=hi,
                                 preferred_element_type=jnp.float32)
            c1 = jnp.maximum(c1 + bc1, 0.0)
            c2 = jnp.maximum(mm(c1, Wc2) + bc2, 0.0)
            return mm(c2, Wc3) + bc3

        A1 = parts_ref[0, 0] + parts_ref[1, 0]
        A2 = parts_ref[0, 1] + parts_ref[1, 1]
        pad_x = ((0, _NP - _N), (0, 0))
        out1_ref[...] = run(A1, jnp.pad(x1_ref[...], pad_x))
        out2_ref[...] = run(A2, jnp.pad(x2_ref[...], pad_x))

    return pl.pallas_call(
        body,
        out_shape=[jax.ShapeDtypeStruct((2, 1), jnp.float32)] * 2,
    )(parts, x1, x2, W1, b1, W2, b2, Wc1p, bc1, Wc2, bc2, Wc3, bc3)


def kernel(x1, edge_index1, edge_attr1, x2, edge_index2, edge_attr2, W1, b1,
           W2, b2, Wc1, bc1, Wc2, bc2, Wc3, bc3):
    def prep(ei, ew):
        srcp = jnp.pad(ei[0].astype(jnp.int32), (0, _EPAD - _E))
        dstp = jnp.pad(ei[1].astype(jnp.int32), (0, _EPAD - _E))
        ewp = jnp.pad(ew.astype(jnp.float32), (0, _EPAD - _E))
        return (srcp.reshape(_NT, _RPG, 128), dstp.reshape(_NT, _RPG, 128),
                ewp.reshape(_NT, _RPG, 128))

    s1, d1, e1 = prep(edge_index1, edge_attr1)
    s2, d2, e2 = prep(edge_index2, edge_attr2)
    src = jnp.concatenate([s1, s2], axis=1)
    dst = jnp.concatenate([d1, d2], axis=1)
    ewc = jnp.concatenate([e1, e2], axis=1)
    zeros = jnp.zeros((_SLC,), jnp.float32)
    parts = _sc_build_adj(src, dst, ewc, zeros).reshape(2, 2, _NP, _NP)
    out1, out2 = _tc_forward(parts, x1, x2, W1, b1, W2, b2, Wc1, bc1,
                             Wc2, bc2, Wc3, bc3)
    return (out1, out2)

# --- scband reference (transcript-rebuilt; emitter-appended) ---
"""Pipeline reference for scband-siamese-geo-cheby-conv-26645977104605 (READ-ONLY COPY).

The authoritative reference and input builder live on the scoring server;
editing this copy changes nothing except your own understanding.
"""

import jax, jax.numpy as jnp
import numpy as np

N = 200
E = 20000
NFEAT = 512
NHID = 256
NCLASS = 2
K = 3


def _glorot(k, shape):
    fan_in, fan_out = shape[-2], shape[-1]
    lim = (6.0 / (fan_in + fan_out)) ** 0.5
    return jax.random.uniform(k, shape, minval=-lim, maxval=lim, dtype=jnp.float32)


def setup_inputs(seed: int = 0) -> dict:
    key = jax.random.key(seed)
    ks = jax.random.split(key, 16)
    inp = {}
    inp["x1"] = jax.random.normal(ks[0], (N, NFEAT), dtype=jnp.float32)
    inp["edge_index1"] = jax.random.randint(ks[1], (2, E), 0, N)
    inp["edge_attr1"] = jax.random.uniform(ks[2], (E,), dtype=jnp.float32)
    inp["x2"] = jax.random.normal(ks[3], (N, NFEAT), dtype=jnp.float32)
    inp["edge_index2"] = jax.random.randint(ks[4], (2, E), 0, N)
    inp["edge_attr2"] = jax.random.uniform(ks[5], (E,), dtype=jnp.float32)
    # ChebConv weights: W[k] is the Linear for Chebyshev order k (stored [in, out])
    inp["W1"] = _glorot(ks[6], (K, NFEAT, NHID))
    inp["b1"] = jnp.zeros((NHID,), jnp.float32)
    inp["W2"] = _glorot(ks[7], (K, NHID, NCLASS))
    inp["b2"] = jnp.zeros((NCLASS,), jnp.float32)
    # classifier: Linear(200,100)->ReLU->Linear(100,50)->ReLU->Linear(50,1) (dropout = eval identity)
    inp["Wc1"] = _glorot(ks[8], (200, 100))
    inp["bc1"] = jnp.zeros((100,), jnp.float32)
    inp["Wc2"] = _glorot(ks[9], (100, 50))
    inp["bc2"] = jnp.zeros((50,), jnp.float32)
    inp["Wc3"] = _glorot(ks[10], (50, 1))
    inp["bc3"] = jnp.zeros((1,), jnp.float32)
    return inp


def _cheb_conv(x, edge_index, edge_weight, W, b):
    # PyG ChebConv with sym normalization, lambda_max=2.0:
    # scaled Laplacian L_hat = L - I = -D^{-1/2} A D^{-1/2} (self-loop terms +1 and -1 cancel)
    src = edge_index[0]
    dst = edge_index[1]
    deg = jax.ops.segment_sum(edge_weight, src, num_segments=N)
    deg_safe = jnp.where(deg > 0, deg, 1.0)
    dinv = jnp.where(deg > 0, 1.0 / jnp.sqrt(deg_safe), 0.0)
    norm = -dinv[src] * edge_weight * dinv[dst]

    def prop(z):
        return jax.ops.segment_sum(norm[:, None] * z[src], dst, num_segments=N)

    Tx0 = x
    out = Tx0 @ W[0]
    Tx1 = prop(Tx0)
    out = out + Tx1 @ W[1]
    for k in range(2, W.shape[0]):
        Tx2 = 2.0 * prop(Tx1) - Tx0
        out = out + Tx2 @ W[k]
        Tx0, Tx1 = Tx1, Tx2
    return out + b


def _classifier(z, Wc1, bc1, Wc2, bc2, Wc3, bc3):
    h = jax.nn.relu(z @ Wc1 + bc1)
    h = jax.nn.relu(h @ Wc2 + bc2)
    return h @ Wc3 + bc3


def _forward_single(x, ei, ew, W1, b1, W2, b2):
    h = jax.nn.relu(_cheb_conv(x, ei, ew, W1, b1))
    # dropout in eval mode -> identity
    return _cheb_conv(h, ei, ew, W2, b2)


def reference(x1, edge_index1, edge_attr1, x2, edge_index2, edge_attr2, W1, b1, W2, b2, Wc1, bc1, Wc2, bc2, Wc3, bc3):
    o1 = _forward_single(x1, edge_index1, edge_attr1, W1, b1, W2, b2)
    o2 = _forward_single(x2, edge_index2, edge_attr2, W1, b1, W2, b2)
    out1 = _classifier(o1.T, Wc1, bc1, Wc2, bc2, Wc3, bc3)
    out2 = _classifier(o2.T, Wc1, bc1, Wc2, bc2, Wc3, bc3)
    return (out1, out2)

if __name__ == "__main__":
    import jax
    _d = setup_inputs()
    print(jax.jit(kernel)(*tuple(_d.values())))

</pallas_src>

<mosaic_0001>
#map = affine_map<(d0, d1) -> (0, 0, 0)>
#map1 = affine_map<(d0, d1) -> (0)>
#map2 = affine_map<(d0, d1) -> (0, 0)>
module attributes {stable_mosaic.version = 14 : i64} {
  func.func @k(%arg0: i32, %arg1: i32, %arg2: memref<32x10x128xi32, #tpu.memory_space<hbm>>, %arg3: memref<32x10x128xi32, #tpu.memory_space<hbm>>, %arg4: memref<32x10x128xf32, #tpu.memory_space<hbm>>, %arg5: memref<8192xf32, #tpu.memory_space<hbm>>, %arg6: memref<2x131072xf32, #tpu.memory_space<hbm>>, %arg7: memref<10x128xi32, #tpu.memory_space<vmem>>, %arg8: memref<10x128xi32, #tpu.memory_space<vmem>>, %arg9: memref<10x128xf32, #tpu.memory_space<vmem>>, %arg10: memref<10x128xi32, #tpu.memory_space<vmem>>, %arg11: memref<131072xf32, #tpu.memory_space<vmem_shared>>, %arg12: memref<!tpu.dma_semaphore, #tpu.memory_space<semaphore_mem>>) attributes {dimension_semantics = [#tpu.dimension_semantics<core_parallel>, #tpu.dimension_semantics<subcore_parallel>], iteration_bounds = array<i64: 2, 16>, scalar_prefetch = 0 : i64, scratch_operands = 6 : i64, tpu.core_type = #tpu.core_type<sc_vector_subcore>, window_params = [{transform_indices = #map}, {transform_indices = #map}, {transform_indices = #map}, {transform_indices = #map1}, {transform_indices = #map2}]} {
    %mul3A = arith.constant 2 : i32
    %mul3A_0 = arith.muli %arg1, %mul3A : i32
    %add3A = arith.addi %mul3A_0, %arg0 : i32
    %mul3A_1 = arith.constant 8192 : i32
    %mul3A_2 = arith.muli %arg1, %mul3A_1 : i32
    %dma_start3A = tpu.memref_slice %arg11[%mul3A_2] : memref<131072xf32, #tpu.memory_space<vmem_shared>> -> memref<8192xf32, #tpu.memory_space<vmem_shared>>
    tpu.enqueue_dma source(%arg5 : memref<8192xf32, #tpu.memory_space<hbm>>) target(%dma_start3A : memref<8192xf32, #tpu.memory_space<vmem_shared>>) target_semaphore(%arg12 : memref<!tpu.dma_semaphore, #tpu.memory_space<semaphore_mem>>)
    %dma_start3A_3 = arith.constant 0 : i32
    %dma_start3A_4 = arith.constant 0 : i32
    %dma_start3A_5 = tpu.memref_slice %arg2[%add3A, %dma_start3A_3, %dma_start3A_4] : memref<32x10x128xi32, #tpu.memory_space<hbm>> -> memref<1x10x128xi32, #tpu.memory_space<hbm>>
    %dma_start3A_6 = tpu.memref_squeeze %dma_start3A_5 : memref<1x10x128xi32, #tpu.memory_space<hbm>> -> memref<10x128xi32, #tpu.memory_space<hbm>>
    %dma_start3A_7 = arith.constant 0 : i32
    %dma_start3A_8 = arith.constant 0 : i32
    %dma_start3A_9 = tpu.memref_slice %arg2[%add3A, %dma_start3A_7, %dma_start3A_8] : memref<32x10x128xi32, #tpu.memory_space<hbm>> -> memref<1x10x128xi32, #tpu.memory_space<hbm>>
    %dma_start3A_10 = tpu.memref_squeeze %dma_start3A_9 : memref<1x10x128xi32, #tpu.memory_space<hbm>> -> memref<10x128xi32, #tpu.memory_space<hbm>>
    tpu.enqueue_dma source(%dma_start3A_10 : memref<10x128xi32, #tpu.memory_space<hbm>>) target(%arg7 : memref<10x128xi32, #tpu.memory_space<vmem>>) target_semaphore(%arg12 : memref<!tpu.dma_semaphore, #tpu.memory_space<semaphore_mem>>)
    %dma_start3A_11 = arith.constant 0 : i32
    %dma_start3A_12 = arith.constant 0 : i32
    %dma_start3A_13 = tpu.memref_slice %arg3[%add3A, %dma_start3A_11, %dma_start3A_12] : memref<32x10x128xi32, #tpu.memory_space<hbm>> -> memref<1x10x128xi32, #tpu.memory_space<hbm>>
    %dma_start3A_14 = tpu.memref_squeeze %dma_start3A_13 : memref<1x10x128xi32, #tpu.memory_space<hbm>> -> memref<10x128xi32, #tpu.memory_space<hbm>>
    %dma_start3A_15 = arith.constant 0 : i32
    %dma_start3A_16 = arith.constant 0 : i32
    %dma_start3A_17 = tpu.memref_slice %arg3[%add3A, %dma_start3A_15, %dma_start3A_16] : memref<32x10x128xi32, #tpu.memory_space<hbm>> -> memref<1x10x128xi32, #tpu.memory_space<hbm>>
    %dma_start3A_18 = tpu.memref_squeeze %dma_start3A_17 : memref<1x10x128xi32, #tpu.memory_space<hbm>> -> memref<10x128xi32, #tpu.memory_space<hbm>>
    tpu.enqueue_dma source(%dma_start3A_18 : memref<10x128xi32, #tpu.memory_space<hbm>>) target(%arg8 : memref<10x128xi32, #tpu.memory_space<vmem>>) target_semaphore(%arg12 : memref<!tpu.dma_semaphore, #tpu.memory_space<semaphore_mem>>)
    %dma_start3A_19 = arith.constant 0 : i32
    %dma_start3A_20 = arith.constant 0 : i32
    %dma_start3A_21 = tpu.memref_slice %arg4[%add3A, %dma_start3A_19, %dma_start3A_20] : memref<32x10x128xf32, #tpu.memory_space<hbm>> -> memref<1x10x128xf32, #tpu.memory_space<hbm>>
    %dma_start3A_22 = tpu.memref_squeeze %dma_start3A_21 : memref<1x10x128xf32, #tpu.memory_space<hbm>> -> memref<10x128xf32, #tpu.memory_space<hbm>>
    %dma_start3A_23 = arith.constant 0 : i32
    %dma_start3A_24 = arith.constant 0 : i32
    %dma_start3A_25 = tpu.memref_slice %arg4[%add3A, %dma_start3A_23, %dma_start3A_24] : memref<32x10x128xf32, #tpu.memory_space<hbm>> -> memref<1x10x128xf32, #tpu.memory_space<hbm>>
    %dma_start3A_26 = tpu.memref_squeeze %dma_start3A_25 : memref<1x10x128xf32, #tpu.memory_space<hbm>> -> memref<10x128xf32, #tpu.memory_space<hbm>>
    tpu.enqueue_dma source(%dma_start3A_26 : memref<10x128xf32, #tpu.memory_space<hbm>>) target(%arg9 : memref<10x128xf32, #tpu.memory_space<vmem>>) target_semaphore(%arg12 : memref<!tpu.dma_semaphore, #tpu.memory_space<semaphore_mem>>)
    %dma_wait3A = tpu.memref_slice %arg11[%mul3A_2] : memref<131072xf32, #tpu.memory_space<vmem_shared>> -> memref<8192xf32, #tpu.memory_space<vmem_shared>>
    tpu.wait_dma2 semaphore(%arg12 : memref<!tpu.dma_semaphore, #tpu.memory_space<semaphore_mem>>) src(%arg5 : memref<8192xf32, #tpu.memory_space<hbm>>) dst(%dma_wait3A : memref<8192xf32, #tpu.memory_space<vmem_shared>>)
    %dma_wait3A_27 = arith.constant 0 : i32
    %dma_wait3A_28 = arith.constant 0 : i32
    %dma_wait3A_29 = tpu.memref_slice %arg2[%add3A, %dma_wait3A_27, %dma_wait3A_28] : memref<32x10x128xi32, #tpu.memory_space<hbm>> -> memref<1x10x128xi32, #tpu.memory_space<hbm>>
    %dma_wait3A_30 = tpu.memref_squeeze %dma_wait3A_29 : memref<1x10x128xi32, #tpu.memory_space<hbm>> -> memref<10x128xi32, #tpu.memory_space<hbm>>
    %dma_wait3A_31 = arith.constant 0 : i32
    %dma_wait3A_32 = arith.constant 0 : i32
    %dma_wait3A_33 = tpu.memref_slice %arg2[%add3A, %dma_wait3A_31, %dma_wait3A_32] : memref<32x10x128xi32, #tpu.memory_space<hbm>> -> memref<1x10x128xi32, #tpu.memory_space<hbm>>
    %dma_wait3A_34 = tpu.memref_squeeze %dma_wait3A_33 : memref<1x10x128xi32, #tpu.memory_space<hbm>> -> memref<10x128xi32, #tpu.memory_space<hbm>>
    tpu.wait_dma2 semaphore(%arg12 : memref<!tpu.dma_semaphore, #tpu.memory_space<semaphore_mem>>) src(%dma_wait3A_34 : memref<10x128xi32, #tpu.memory_space<hbm>>) dst(%arg7 : memref<10x128xi32, #tpu.memory_space<vmem>>)
    %dma_wait3A_35 = arith.constant 0 : i32
    %dma_wait3A_36 = arith.constant 0 : i32
    %dma_wait3A_37 = tpu.memref_slice %arg3[%add3A, %dma_wait3A_35, %dma_wait3A_36] : memref<32x10x128xi32, #tpu.memory_space<hbm>> -> memref<1x10x128xi32, #tpu.memory_space<hbm>>
    %dma_wait3A_38 = tpu.memref_squeeze %dma_wait3A_37 : memref<1x10x128xi32, #tpu.memory_space<hbm>> -> memref<10x128xi32, #tpu.memory_space<hbm>>
    %dma_wait3A_39 = arith.constant 0 : i32
    %dma_wait3A_40 = arith.constant 0 : i32
    %dma_wait3A_41 = tpu.memref_slice %arg3[%add3A, %dma_wait3A_39, %dma_wait3A_40] : memref<32x10x128xi32, #tpu.memory_space<hbm>> -> memref<1x10x128xi32, #tpu.memory_space<hbm>>
    %dma_wait3A_42 = tpu.memref_squeeze %dma_wait3A_41 : memref<1x10x128xi32, #tpu.memory_space<hbm>> -> memref<10x128xi32, #tpu.memory_space<hbm>>
    tpu.wait_dma2 semaphore(%arg12 : memref<!tpu.dma_semaphore, #tpu.memory_space<semaphore_mem>>) src(%dma_wait3A_42 : memref<10x128xi32, #tpu.memory_space<hbm>>) dst(%arg8 : memref<10x128xi32, #tpu.memory_space<vmem>>)
    %dma_wait3A_43 = arith.constant 0 : i32
    %dma_wait3A_44 = arith.constant 0 : i32
    %dma_wait3A_45 = tpu.memref_slice %arg4[%add3A, %dma_wait3A_43, %dma_wait3A_44] : memref<32x10x128xf32, #tpu.memory_space<hbm>> -> memref<1x10x128xf32, #tpu.memory_space<hbm>>
    %dma_wait3A_46 = tpu.memref_squeeze %dma_wait3A_45 : memref<1x10x128xf32, #tpu.memory_space<hbm>> -> memref<10x128xf32, #tpu.memory_space<hbm>>
    %dma_wait3A_47 = arith.constant 0 : i32
    %dma_wait3A_48 = arith.constant 0 : i32
    %dma_wait3A_49 = tpu.memref_slice %arg4[%add3A, %dma_wait3A_47, %dma_wait3A_48] : memref<32x10x128xf32, #tpu.memory_space<hbm>> -> memref<1x10x128xf32, #tpu.memory_space<hbm>>
    %dma_wait3A_50 = tpu.memref_squeeze %dma_wait3A_49 : memref<1x10x128xf32, #tpu.memory_space<hbm>> -> memref<10x128xf32, #tpu.memory_space<hbm>>
    tpu.wait_dma2 semaphore(%arg12 : memref<!tpu.dma_semaphore, #tpu.memory_space<semaphore_mem>>) src(%dma_wait3A_50 : memref<10x128xf32, #tpu.memory_space<hbm>>) dst(%arg9 : memref<10x128xf32, #tpu.memory_space<vmem>>)
    %get3A = arith.constant 0 : i32
    %get3A_51 = arith.index_cast %get3A : i32 to index
    %get3A_52 = arith.constant 0 : index
    %get3A_53 = tpu.vector_load %arg7[%get3A_51, %get3A_52] {strides = array<i32>} : memref<10x128xi32, #tpu.memory_space<vmem>>, vector<1x16xi32>,
    %get3A_54 = vector.shape_cast %get3A_53 : vector<1x16xi32> to vector<16xi32>
    %get3A_55 = arith.constant 0 : i32
    %get3A_56 = arith.index_cast %get3A_55 : i32 to index
    %get3A_57 = arith.constant 0 : index
    %get3A_58 = tpu.vector_load %arg8[%get3A_56, %get3A_57] {strides = array<i32>} : memref<10x128xi32, #tpu.memory_space<vmem>>, vector<1x16xi32>,
    %get3A_59 = vector.shape_cast %get3A_58 : vector<1x16xi32> to vector<16xi32>
    %mul3A_60 = arith.constant 256 : i32
    %mul3A_61 = vector.broadcast %mul3A_60 : i32 to vector<16xi32>
    %mul3A_62 = arith.muli %get3A_59, %mul3A_61 : vector<16xi32>
    %add3A_63 = arith.addi %mul3A_62, %get3A_54 : vector<16xi32>
    %add3A_64 = arith.constant 0 : i32
    %add3A_65 = vector.broadcast %add3A_64 : i32 to vector<16xi32>
    %add3A_66 = arith.addi %add3A_63, %add3A_65 : vector<16xi32>
    %swap3A = arith.constant 0 : i32
    %swap3A_67 = arith.index_cast %swap3A : i32 to index
    %swap3A_68 = arith.constant 0 : index
    %swap3A_69 = tpu.vector_load %arg10[%swap3A_67, %swap3A_68] {strides = array<i32>} : memref<10x128xi32, #tpu.memory_space<vmem>>, vector<1x16xi32>,
    %swap3A_70 = vector.shape_cast %swap3A_69 : vector<1x16xi32> to vector<16xi32>
    %swap3A_71 = vector.shape_cast %add3A_66 : vector<16xi32> to vector<1x16xi32>
    tpu.vector_store %arg10[%swap3A_67, %swap3A_68], %swap3A_71 {strides = array<i32>} : memref<10x128xi32, #tpu.memory_space<vmem>>, vector<1x16xi32>,
    %get3A_72 = arith.constant 0 : i32
    %get3A_73 = arith.index_cast %get3A_72 : i32 to index
    %get3A_74 = arith.constant 16 : index
    %get3A_75 = tpu.vector_load %arg7[%get3A_73, %get3A_74] {strides = array<i32>} : memref<10x128xi32, #tpu.memory_space<vmem>>, vector<1x16xi32>,
    %get3A_76 = vector.shape_cast %get3A_75 : vector<1x16xi32> to vector<16xi32>
    %get3A_77 = arith.constant 0 : i32
    %get3A_78 = arith.index_cast %get3A_77 : i32 to index
    %get3A_79 = arith.constant 16 : index
    %get3A_80 = tpu.vector_load %arg8[%get3A_78, %get3A_79] {strides = array<i32>} : memref<10x128xi32, #tpu.memory_space<vmem>>, vector<1x16xi32>,
    %get3A_81 = vector.shape_cast %get3A_80 : vector<1x16xi32> to vector<16xi32>
    %mul3A_82 = arith.constant 256 : i32
    %mul3A_83 = vector.broadcast %mul3A_82 : i32 to vector<16xi32>
    %mul3A_84 = arith.muli %get3A_81, %mul3A_83 : vector<16xi32>
    %add3A_85 = arith.addi %mul3A_84, %get3A_76 : vector<16xi32>
    %add3A_86 = arith.constant 0 : i32
    %add3A_87 = vector.broadcast %add3A_86 : i32 to vector<16xi32>
    %add3A_88 = arith.addi %add3A_85, %add3A_87 : vector<16xi32>
    %swap3A_89 = arith.constant 0 : i32
    %swap3A_90 = arith.index_cast %swap3A_89 : i32 to index
    %swap3A_91 = arith.constant 16 : index
    %swap3A_92 = tpu.vector_load %arg10[%swap3A_90, %swap3A_91] {strides = array<i32>} : memref<10x128xi32, #tpu.memory_space<vmem>>, vector<1x16xi32>,
    %swap3A_93 = vector.shape_cast %swap3A_92 : vector<1x16xi32> to vector<16xi32>
    %swap3A_94 = vector.shape_cast %add3A_88 : vector<16xi32> to vector<1x16xi32>
    tpu.vector_store %arg10[%swap3A_90, %swap3A_91], %swap3A_94 {strides = array<i32>} : memref<10x128xi32, #tpu.memory_space<vmem>>, vector<1x16xi32>,
    %get3A_95 = arith.constant 0 : i32
    %get3A_96 = arith.index_cast %get3A_95 : i32 to index
    %get3A_97 = arith.constant 32 : index
    %get3A_98 = tpu.vector_load %arg7[%get3A_96, %get3A_97] {strides = array<i32>} : memref<10x128xi32, #tpu.memory_space<vmem>>, vector<1x16xi32>,
    %get3A_99 = vector.shape_cast %get3A_98 : vector<1x16xi32> to vector<16xi32>
    %get3A_100 = arith.constant 0 : i32
    %get3A_101 = arith.index_cast %get3A_100 : i32 to index
    %get3A_102 = arith.constant 32 : index
    %get3A_103 = tpu.vector_load %arg8[%get3A_101, %get3A_102] {strides = array<i32>} : memref<10x128xi32, #tpu.memory_space<vmem>>, vector<1x16xi32>,
    %get3A_104 = vector.shape_cast %get3A_103 : vector<1x16xi32> to vector<16xi32>
    %mul3A_105 = arith.constant 256 : i32
    %mul3A_106 = vector.broadcast %mul3A_105 : i32 to vector<16xi32>
    %mul3A_107 = arith.muli %get3A_104, %mul3A_106 : vector<16xi32>
    %add3A_108 = arith.addi %mul3A_107, %get3A_99 : vector<16xi32>
    %add3A_109 = arith.constant 0 : i32
    %add3A_110 = vector.broadcast %add3A_109 : i32 to vector<16xi32>
    %add3A_111 = arith.addi %add3A_108, %add3A_110 : vector<16xi32>
    %swap3A_112 = arith.constant 0 : i32
    %swap3A_113 = arith.index_cast %swap3A_112 : i32 to index
    %swap3A_114 = arith.constant 32 : index
    %swap3A_115 = tpu.vector_load %arg10[%swap3A_113, %swap3A_114] {strides = array<i32>} : memref<10x128xi32, #tpu.memory_space<vmem>>, vector<1x16xi32>,
    %swap3A_116 = vector.shape_cast %swap3A_115 : vector<1x16xi32> to vector<16xi32>
    %swap3A_117 = vector.shape_cast %add3A_111 : vector<16xi32> to vector<1x16xi32>
    tpu.vector_store %arg10[%swap3A_113, %swap3A_114], %swap3A_117 {strides = array<i32>} : memref<10x128xi32, #tpu.memory_space<vmem>>, vector<1x16xi32>,
    %get3A_118 = arith.constant 0 : i32
    %get3A_119 = arith.index_cast %get3A_118 : i32 to index
    %get3A_120 = arith.constant 48 : index
    %get3A_121 = tpu.vector_load %arg7[%get3A_119, %get3A_120] {strides = array<i32>} : memref<10x128xi32, #tpu.memory_space<vmem>>, vector<1x16xi32>,
    %get3A_122 = vector.shape_cast %get3A_121 : vector<1x16xi32> to vector<16xi32>
    %get3A_123 = arith.constant 0 : i32
    %get3A_124 = arith.index_cast %get3A_123 : i32 to index
    %get3A_125 = arith.constant 48 : index
    %get3A_126 = tpu.vector_load %arg8[%get3A_124, %get3A_125] {strides = array<i32>} : memref<10x128xi32, #tpu.memory_space<vmem>>, vector<1x16xi32>,
    %get3A_127 = vector.shape_cast %get3A_126 : vector<1x16xi32> to vector<16xi32>
    %mul3A_128 = arith.constant 256 : i32
    %mul3A_129 = vector.broadcast %mul3A_128 : i32 to vector<16xi32>
    %mul3A_130 = arith.muli %get3A_127, %mul3A_129 : vector<16xi32>
    %add3A_131 = arith.addi %mul3A_130, %get3A_122 : vector<16xi32>
    %add3A_132 = arith.constant 0 : i32
    %add3A_133 = vector.broadcast %add3A_132 : i32 to vector<16xi32>
    %add3A_134 = arith.addi %add3A_131, %add3A_133 : vector<16xi32>
    %swap3A_135 = arith.constant 0 : i32
    %swap3A_136 = arith.index_cast %swap3A_135 : i32 to index
    %swap3A_137 = arith.constant 48 : index
    %swap3A_138 = tpu.vector_load %arg10[%swap3A_136, %swap3A_137] {strides = array<i32>} : memref<10x128xi32, #tpu.memory_space<vmem>>, vector<1x16xi32>,
    %swap3A_139 = vector.shape_cast %swap3A_138 : vector<1x16xi32> to vector<16xi32>
    %swap3A_140 = vector.shape_cast %add3A_134 : vector<16xi32> to vector<1x16xi32>
    tpu.vector_store %arg10[%swap3A_136, %swap3A_137], %swap3A_140 {strides = array<i32>} : memref<10x128xi32, #tpu.memory_space<vmem>>, vector<1x16xi32>,
    %get3A_141 = arith.constant 0 : i32
    %get3A_142 = arith.index_cast %get3A_141 : i32 to index
    %get3A_143 = arith.constant 64 : index
    %get3A_144 = tpu.vector_load %arg7[%get3A_142, %get3A_143] {strides = array<i32>} : memref<10x128xi32, #tpu.memory_space<vmem>>, vector<1x16xi32>,
    %get3A_145 = vector.shape_cast %get3A_144 : vector<1x16xi32> to vector<16xi32>
    %get3A_146 = arith.constant 0 : i32
    %get3A_147 = arith.index_cast %get3A_146 : i32 to index
    %get3A_148 = arith.constant 64 : index
    %get3A_149 = tpu.vector_load %arg8[%get3A_147, %get3A_148] {strides = array<i32>} : memref<10x128xi32, #tpu.memory_space<vmem>>, vector<1x16xi32>,
    %get3A_150 = vector.shape_cast %get3A_149 : vector<1x16xi32> to vector<16xi32>
    %mul3A_151 = arith.constant 256 : i32
    %mul3A_152 = vector.broadcast %mul3A_151 : i32 to vector<16xi32>
    %mul3A_153 = arith.muli %get3A_150, %mul3A_152 : vector<16xi32>
    %add3A_154 = arith.addi %mul3A_153, %get3A_145 : vector<16xi32>
    %add3A_155 = arith.constant 0 : i32
    %add3A_156 = vector.broadcast %add3A_155 : i32 to vector<16xi32>
    %add3A_157 = arith.addi %add3A_154, %add3A_156 : vector<16xi32>
    %swap3A_158 = arith.constant 0 : i32
    %swap3A_159 = arith.index_cast %swap3A_158 : i32 to index
    %swap3A_160 = arith.constant 64 : index
    %swap3A_161 = tpu.vector_load %arg10[%swap3A_159, %swap3A_160] {strides = array<i32>} : memref<10x128xi32, #tpu.memory_space<vmem>>, vector<1x16xi32>,
    %swap3A_162 = vector.shape_cast %swap3A_161 : vector<1x16xi32> to vector<16xi32>
    %swap3A_163 = vector.shape_cast %add3A_157 : vector<16xi32> to vector<1x16xi32>
    tpu.vector_store %arg10[%swap3A_159, %swap3A_160], %swap3A_163 {strides = array<i32>} : memref<10x128xi32, #tpu.memory_space<vmem>>, vector<1x16xi32>,
    %get3A_164 = arith.constant 0 : i32
    %get3A_165 = arith.index_cast %get3A_164 : i32 to index
    %get3A_166 = arith.constant 80 : index
    %get3A_167 = tpu.vector_load %arg7[%get3A_165, %get3A_166] {strides = array<i32>} : memref<10x128xi32, #tpu.memory_space<vmem>>, vector<1x16xi32>,
    %get3A_168 = vector.shape_cast %get3A_167 : vector<1x16xi32> to vector<16xi32>
    %get3A_169 = arith.constant 0 : i32
    %get3A_170 = arith.index_cast %get3A_169 : i32 to index
    %get3A_171 = arith.constant 80 : index
    %get3A_172 = tpu.vector_load %arg8[%get3A_170, %get3A_171] {strides = array<i32>} : memref<10x128xi32, #tpu.memory_space<vmem>>, vector<1x16xi32>,
    %get3A_173 = vector.shape_cast %get3A_172 : vector<1x16xi32> to vector<16xi32>
    %mul3A_174 = arith.constant 256 : i32
    %mul3A_175 = vector.broadcast %mul3A_174 : i32 to vector<16xi32>
    %mul3A_176 = arith.muli %get3A_173, %mul3A_175 : vector<16xi32>
    %add3A_177 = arith.addi %mul3A_176, %get3A_168 : vector<16xi32>
    %add3A_178 = arith.constant 0 : i32
    %add3A_179 = vector.broadcast %add3A_178 : i32 to vector<16xi32>
    %add3A_180 = arith.addi %add3A_177, %add3A_179 : vector<16xi32>
    %swap3A_181 = arith.constant 0 : i32
    %swap3A_182 = arith.index_cast %swap3A_181 : i32 to index
    %swap3A_183 = arith.constant 80 : index
    %swap3A_184 = tpu.vector_load %arg10[%swap3A_182, %swap3A_183] {strides = array<i32>} : memref<10x128xi32, #tpu.memory_space<vmem>>, vector<1x16xi32>,
    %swap3A_185 = vector.shape_cast %swap3A_184 : vector<1x16xi32> to vector<16xi32>
    %swap3A_186 = vector.shape_cast %add3A_180 : vector<16xi32> to vector<1x16xi32>
    tpu.vector_store %arg10[%swap3A_182, %swap3A_183], %swap3A_186 {strides = array<i32>} : memref<10x128xi32, #tpu.memory_space<vmem>>, vector<1x16xi32>,
    %get3A_187 = arith.constant 0 : i32
    %get3A_188 = arith.index_cast %get3A_187 : i32 to index
    %get3A_189 = arith.constant 96 : index
    %get3A_190 = tpu.vector_load %arg7[%get3A_188, %get3A_189] {strides = array<i32>} : memref<10x128xi32, #tpu.memory_space<vmem>>, vector<1x16xi32>,
    %get3A_191 = vector.shape_cast %get3A_190 : vector<1x16xi32> to vector<16xi32>
    %get3A_192 = arith.constant 0 : i32
    %get3A_193 = arith.index_cast %get3A_192 : i32 to index
    %get3A_194 = arith.constant 96 : index
    %get3A_195 = tpu.vector_load %arg8[%get3A_193, %get3A_194] {strides = array<i32>} : memref<10x128xi32, #tpu.memory_space<vmem>>, vector<1x16xi32>,
    %get3A_196 = vector.shape_cast %get3A_195 : vector<1x16xi32> to vector<16xi32>
    %mul3A_197 = arith.constant 256 : i32
    %mul3A_198 = vector.broadcast %mul3A_197 : i32 to vector<16xi32>
    %mul3A_199 = arith.muli %get3A_196, %mul3A_198 : vector<16xi32>
    %add3A_200 = arith.addi %mul3A_199, %get3A_191 : vector<16xi32>
    %add3A_201 = arith.constant 0 : i32
    %add3A_202 = vector.broadcast %add3A_201 : i32 to vector<16xi32>
    %add3A_203 = arith.addi %add3A_200, %add3A_202 : vector<16xi32>
    %swap3A_204 = arith.constant 0 : i32
    %swap3A_205 = arith.index_cast %swap3A_204 : i32 to index
    %swap3A_206 = arith.constant 96 : index
    %swap3A_207 = tpu.vector_load %arg10[%swap3A_205, %swap3A_206] {strides = array<i32>} : memref<10x128xi32, #tpu.memory_space<vmem>>, vector<1x16xi32>,
    %swap3A_208 = vector.shape_cast %swap3A_207 : vector<1x16xi32> to vector<16xi32>
    %swap3A_209 = vector.shape_cast %add3A_203 : vector<16xi32> to vector<1x16xi32>
    tpu.vector_store %arg10[%swap3A_205, %swap3A_206], %swap3A_209 {strides = array<i32>} : memref<10x128xi32, #tpu.memory_space<vmem>>, vector<1x16xi32>,
    %get3A_210 = arith.constant 0 : i32
    %get3A_211 = arith.index_cast %get3A_210 : i32 to index
    %get3A_212 = arith.constant 112 : index
    %get3A_213 = tpu.vector_load %arg7[%get3A_211, %get3A_212] {strides = array<i32>} : memref<10x128xi32, #tpu.memory_space<vmem>>, vector<1x16xi32>,
    %get3A_214 = vector.shape_cast %get3A_213 : vector<1x16xi32> to vector<16xi32>
    %get3A_215 = arith.constant 0 : i32
    %get3A_216 = arith.index_cast %get3A_215 : i32 to index
    %get3A_217 = arith.constant 112 : index
    %get3A_218 = tpu.vector_load %arg8[%get3A_216, %get3A_217] {strides = array<i32>} : memref<10x128xi32, #tpu.memory_space<vmem>>, vector<1x16xi32>,
    %get3A_219 = vector.shape_cast %get3A_218 : vector<1x16xi32> to vector<16xi32>
    %mul3A_220 = arith.constant 256 : i32
    %mul3A_221 = vector.broadcast %mul3A_220 : i32 to vector<16xi32>
    %mul3A_222 = arith.muli %get3A_219, %mul3A_221 : vector<16xi32>
    %add3A_223 = arith.addi %mul3A_222, %get3A_214 : vector<16xi32>
    %add3A_224 = arith.constant 0 : i32
    %add3A_225 = vector.broadcast %add3A_224 : i32 to vector<16xi32>
    %add3A_226 = arith.addi %add3A_223, %add3A_225 : vector<16xi32>
    %swap3A_227 = arith.constant 0 : i32
    %swap3A_228 = arith.index_cast %swap3A_227 : i32 to index
    %swap3A_229 = arith.constant 112 : index
    %swap3A_230 = tpu.vector_load %arg10[%swap3A_228, %swap3A_229] {strides = array<i32>} : memref<10x128xi32, #tpu.memory_space<vmem>>, vector<1x16xi32>,
    %swap3A_231 = vector.shape_cast %swap3A_230 : vector<1x16xi32> to vector<16xi32>
    %swap3A_232 = vector.shape_cast %add3A_226 : vector<16xi32> to vector<1x16xi32>
    tpu.vector_store %arg10[%swap3A_228, %swap3A_229], %swap3A_232 {strides = array<i32>} : memref<10x128xi32, #tpu.memory_space<vmem>>, vector<1x16xi32>,
    %get3A_233 = arith.constant 1 : i32
    %get3A_234 = arith.index_cast %get3A_233 : i32 to index
    %get3A_235 = arith.constant 0 : index
    %get3A_236 = tpu.vector_load %arg7[%get3A_234, %get3A_235] {strides = array<i32>} : memref<10x128xi32, #tpu.memory_space<vmem>>, vector<1x16xi32>,
    %get3A_237 = vector.shape_cast %get3A_236 : vector<1x16xi32> to vector<16xi32>
    %get3A_238 = arith.constant 1 : i32
    %get3A_239 = arith.index_cast %get3A_238 : i32 to index
    %get3A_240 = arith.constant 0 : index
    %get3A_241 = tpu.vector_load %arg8[%get3A_239, %get3A_240] {strides = array<i32>} : memref<10x128xi32, #tpu.memory_space<vmem>>, vector<1x16xi32>,
    %get3A_242 = vector.shape_cast %get3A_241 : vector<1x16xi32> to vector<16xi32>
    %mul3A_243 = arith.constant 256 : i32
    %mul3A_244 = vector.broadcast %mul3A_243 : i32 to vector<16xi32>
    %mul3A_245 = arith.muli %get3A_242, %mul3A_244 : vector<16xi32>
    %add3A_246 = arith.addi %mul3A_245, %get3A_237 : vector<16xi32>
    %add3A_247 = arith.constant 0 : i32
    %add3A_248 = vector.broadcast %add3A_247 : i32 to vector<16xi32>
    %add3A_249 = arith.addi %add3A_246, %add3A_248 : vector<16xi32>
    %swap3A_250 = arith.constant 1 : i32
    %swap3A_251 = arith.index_cast %swap3A_250 : i32 to index
    %swap3A_252 = arith.constant 0 : index
    %swap3A_253 = tpu.vector_load %arg10[%swap3A_251, %swap3A_252] {strides = array<i32>} : memref<10x128xi32, #tpu.memory_space<vmem>>, vector<1x16xi32>,
    %swap3A_254 = vector.shape_cast %swap3A_253 : vector<1x16xi32> to vector<16xi32>
    %swap3A_255 = vector.shape_cast %add3A_249 : vector<16xi32> to vector<1x16xi32>
    tpu.vector_store %arg10[%swap3A_251, %swap3A_252], %swap3A_255 {strides = array<i32>} : memref<10x128xi32, #tpu.memory_space<vmem>>, vector<1x16xi32>,
    %get3A_256 = arith.constant 1 : i32
    %get3A_257 = arith.index_cast %get3A_256 : i32 to index
    %get3A_258 = arith.constant 16 : index
    %get3A_259 = tpu.vector_load %arg7[%get3A_257, %get3A_258] {strides = array<i32>} : memref<10x128xi32, #tpu.memory_space<vmem>>, vector<1x16xi32>,
    %get3A_260 = vector.shape_cast %get3A_259 : vector<1x16xi32> to vector<16xi32>
    %get3A_261 = arith.constant 1 : i32
    %get3A_262 = arith.index_cast %get3A_261 : i32 to index
    %get3A_263 = arith.constant 16 : index
    %get3A_264 = tpu.vector_load %arg8[%get3A_262, %get3A_263] {strides = array<i32>} : memref<10x128xi32, #tpu.memory_space<vmem>>, vector<1x16xi32>,
    %get3A_265 = vector.shape_cast %get3A_264 : vector<1x16xi32> to vector<16xi32>
    %mul3A_266 = arith.constant 256 : i32
    %mul3A_267 = vector.broadcast %mul3A_266 : i32 to vector<16xi32>
    %mul3A_268 = arith.muli %get3A_265, %mul3A_267 : vector<16xi32>
    %add3A_269 = arith.addi %mul3A_268, %get3A_260 : vector<16xi32>
    %add3A_270 = arith.constant 0 : i32
    %add3A_271 = vector.broadcast %add3A_270 : i32 to vector<16xi32>
    %add3A_272 = arith.addi %add3A_269, %add3A_271 : vector<16xi32>
    %swap3A_273 = arith.constant 1 : i32
    %swap3A_274 = arith.index_cast %swap3A_273 : i32 to index
    %swap3A_275 = arith.constant 16 : index
    %swap3A_276 = tpu.vector_load %arg10[%swap3A_274, %swap3A_275] {strides = array<i32>} : memref<10x128xi32, #tpu.memory_space<vmem>>, vector<1x16xi32>,
    %swap3A_277 = vector.shape_cast %swap3A_276 : vector<1x16xi32> to vector<16xi32>
    %swap3A_278 = vector.shape_cast %add3A_272 : vector<16xi32> to vector<1x16xi32>
    tpu.vector_store %arg10[%swap3A_274, %swap3A_275], %swap3A_278 {strides = array<i32>} : memref<10x128xi32, #tpu.memory_space<vmem>>, vector<1x16xi32>,
    %get3A_279 = arith.constant 1 : i32
    %get3A_280 = arith.index_cast %get3A_279 : i32 to index
    %get3A_281 = arith.constant 32 : index
    %get3A_282 = tpu.vector_load %arg7[%get3A_280, %get3A_281] {strides = array<i32>} : memref<10x128xi32, #tpu.memory_space<vmem>>, vector<1x16xi32>,
    %get3A_283 = vector.shape_cast %get3A_282 : vector<1x16xi32> to vector<16xi32>
    %get3A_284 = arith.constant 1 : i32
    %get3A_285 = arith.index_cast %get3A_284 : i32 to index
    %get3A_286 = arith.constant 32 : index
    %get3A_287 = tpu.vector_load %arg8[%get3A_285, %get3A_286] {strides = array<i32>} : memref<10x128xi32, #tpu.memory_space<vmem>>, vector<1x16xi32>,
    %get3A_288 = vector.shape_cast %get3A_287 : vector<1x16xi32> to vector<16xi32>
    %mul3A_289 = arith.constant 256 : i32
    %mul3A_290 = vector.broadcast %mul3A_289 : i32 to vector<16xi32>
    %mul3A_291 = arith.muli %get3A_288, %mul3A_290 : vector<16xi32>
    %add3A_292 = arith.addi %mul3A_291, %get3A_283 : vector<16xi32>
    %add3A_293 = arith.constant 0 : i32
    %add3A_294 = vector.broadcast %add3A_293 : i32 to vector<16xi32>
    %add3A_295 = arith.addi %add3A_292, %add3A_294 : vector<16xi32>
    %swap3A_296 = arith.constant 1 : i32
    %swap3A_297 = arith.index_cast %swap3A_296 : i32 to index
    %swap3A_298 = arith.constant 32 : index
    %swap3A_299 = tpu.vector_load %arg10[%swap3A_297, %swap3A_298] {strides = array<i32>} : memref<10x128xi32, #tpu.memory_space<vmem>>, vector<1x16xi32>,
    %swap3A_300 = vector.shape_cast %swap3A_299 : vector<1x16xi32> to vector<16xi32>
    %swap3A_301 = vector.shape_cast %add3A_295 : vector<16xi32> to vector<1x16xi32>
    tpu.vector_store %arg10[%swap3A_297, %swap3A_298], %swap3A_301 {strides = array<i32>} : memref<10x128xi32, #tpu.memory_space<vmem>>, vector<1x16xi32>,
    %get3A_302 = arith.constant 1 : i32
    %get3A_303 = arith.index_cast %get3A_302 : i32 to index
    %get3A_304 = arith.constant 48 : index
    %get3A_305 = tpu.vector_load %arg7[%get3A_303, %get3A_304] {strides = array<i32>} : memref<10x128xi32, #tpu.memory_space<vmem>>, vector<1x16xi32>,
    %get3A_306 = vector.shape_cast %get3A_305 : vector<1x16xi32> to vector<16xi32>
    %get3A_307 = arith.constant 1 : i32
    %get3A_308 = arith.index_cast %get3A_307 : i32 to index
    %get3A_309 = arith.constant 48 : index
    %get3A_310 = tpu.vector_load %arg8[%get3A_308, %get3A_309] {strides = array<i32>} : memref<10x128xi32, #tpu.memory_space<vmem>>, vector<1x16xi32>,
    %get3A_311 = vector.shape_cast %get3A_310 : vector<1x16xi32> to vector<16xi32>
    %mul3A_312 = arith.constant 256 : i32
    %mul3A_313 = vector.broadcast %mul3A_312 : i32 to vector<16xi32>
    %mul3A_314 = arith.muli %get3A_311, %mul3A_313 : vector<16xi32>
    %add3A_315 = arith.addi %mul3A_314, %get3A_306 : vector<16xi32>
    %add3A_316 = arith.constant 0 : i32
    %add3A_317 = vector.broadcast %add3A_316 : i32 to vector<16xi32>
    %add3A_318 = arith.addi %add3A_315, %add3A_317 : vector<16xi32>
    %swap3A_319 = arith.constant 1 : i32
    %swap3A_320 = arith.index_cast %swap3A_319 : i32 to index
    %swap3A_321 = arith.constant 48 : index
    %swap3A_322 = tpu.vector_load %arg10[%swap3A_320, %swap3A_321] {strides = array<i32>} : memref<10x128xi32, #tpu.memory_space<vmem>>, vector<1x16xi32>,
    %swap3A_323 = vector.shape_cast %swap3A_322 : vector<1x16xi32> to vector<16xi32>
    %swap3A_324 = vector.shape_cast %add3A_318 : vector<16xi32> to vector<1x16xi32>
    tpu.vector_store %arg10[%swap3A_320, %swap3A_321], %swap3A_324 {strides = array<i32>} : memref<10x128xi32, #tpu.memory_space<vmem>>, vector<1x16xi32>,
    %get3A_325 = arith.constant 1 : i32
    %get3A_326 = arith.index_cast %get3A_325 : i32 to index
    %get3A_327 = arith.constant 64 : index
    %get3A_328 = tpu.vector_load %arg7[%get3A_326, %get3A_327] {strides = array<i32>} : memref<10x128xi32, #tpu.memory_space<vmem>>, vector<1x16xi32>,
    %get3A_329 = vector.shape_cast %get3A_328 : vector<1x16xi32> to vector<16xi32>
    %get3A_330 = arith.constant 1 : i32
    %get3A_331 = arith.index_cast %get3A_330 : i32 to index
    %get3A_332 = arith.constant 64 : index
    %get3A_333 = tpu.vector_load %arg8[%get3A_331, %get3A_332] {strides = array<i32>} : memref<10x128xi32, #tpu.memory_space<vmem>>, vector<1x16xi32>,
    %get3A_334 = vector.shape_cast %get3A_333 : vector<1x16xi32> to vector<16xi32>
    %mul3A_335 = arith.constant 256 : i32
    %mul3A_336 = vector.broadcast %mul3A_335 : i32 to vector<16xi32>
    %mul3A_337 = arith.muli %get3A_334, %mul3A_336 : vector<16xi32>
    %add3A_338 = arith.addi %mul3A_337, %get3A_329 : vector<16xi32>
    %add3A_339 = arith.constant 0 : i32
    %add3A_340 = vector.broadcast %add3A_339 : i32 to vector<16xi32>
    %add3A_341 = arith.addi %add3A_338, %add3A_340 : vector<16xi32>
    %swap3A_342 = arith.constant 1 : i32
    %swap3A_343 = arith.index_cast %swap3A_342 : i32 to index
    %swap3A_344 = arith.constant 64 : index
    %swap3A_345 = tpu.vector_load %arg10[%swap3A_343, %swap3A_344] {strides = array<i32>} : memref<10x128xi32, #tpu.memory_space<vmem>>, vector<1x16xi32>,
    %swap3A_346 = vector.shape_cast %swap3A_345 : vector<1x16xi32> to vector<16xi32>
    %swap3A_347 = vector.shape_cast %add3A_341 : vector<16xi32> to vector<1x16xi32>
    tpu.vector_store %arg10[%swap3A_343, %swap3A_344], %swap3A_347 {strides = array<i32>} : memref<10x128xi32, #tpu.memory_space<vmem>>, vector<1x16xi32>,
    %get3A_348 = arith.constant 1 : i32
    %get3A_349 = arith.index_cast %get3A_348 : i32 to index
    %get3A_350 = arith.constant 80 : index
    %get3A_351 = tpu.vector_load %arg7[%get3A_349, %get3A_350] {strides = array<i32>} : memref<10x128xi32, #tpu.memory_space<vmem>>, vector<1x16xi32>,
    %get3A_352 = vector.shape_cast %get3A_351 : vector<1x16xi32> to vector<16xi32>
    %get3A_353 = arith.constant 1 : i32
    %get3A_354 = arith.index_cast %get3A_353 : i32 to index
    %get3A_355 = arith.constant 80 : index
    %get3A_356 = tpu.vector_load %arg8[%get3A_354, %get3A_355] {strides = array<i32>} : memref<10x128xi32, #tpu.memory_space<vmem>>, vector<1x16xi32>,
    %get3A_357 = vector.shape_cast %get3A_356 : vector<1x16xi32> to vector<16xi32>
    %mul3A_358 = arith.constant 256 : i32
    %mul3A_359 = vector.broadcast %mul3A_358 : i32 to vector<16xi32>
    %mul3A_360 = arith.muli %get3A_357, %mul3A_359 : vector<16xi32>
    %add3A_361 = arith.addi %mul3A_360, %get3A_352 : vector<16xi32>
    %add3A_362 = arith.constant 0 : i32
    %add3A_363 = vector.broadcast %add3A_362 : i32 to vector<16xi32>
    %add3A_364 = arith.addi %add3A_361, %add3A_363 : vector<16xi32>
    %swap3A_365 = arith.constant 1 : i32
    %swap3A_366 = arith.index_cast %swap3A_365 : i32 to index
    %swap3A_367 = arith.constant 80 : index
    %swap3A_368 = tpu.vector_load %arg10[%swap3A_366, %swap3A_367] {strides = array<i32>} : memref<10x128xi32, #tpu.memory_space<vmem>>, vector<1x16xi32>,
    %swap3A_369 = vector.shape_cast %swap3A_368 : vector<1x16xi32> to vector<16xi32>
    %swap3A_370 = vector.shape_cast %add3A_364 : vector<16xi32> to vector<1x16xi32>
    tpu.vector_store %arg10[%swap3A_366, %swap3A_367], %swap3A_370 {strides = array<i32>} : memref<10x128xi32, #tpu.memory_space<vmem>>, vector<1x16xi32>,
    %get3A_371 = arith.constant 1 : i32
    %get3A_372 = arith.index_cast %get3A_371 : i32 to index
    %get3A_373 = arith.constant 96 : index
    %get3A_374 = tpu.vector_load %arg7[%get3A_372, %get3A_373] {strides = array<i32>} : memref<10x128xi32, #tpu.memory_space<vmem>>, vector<1x16xi32>,
    %get3A_375 = vector.shape_cast %get3A_374 : vector<1x16xi32> to vector<16xi32>
    %get3A_376 = arith.constant 1 : i32
    %get3A_377 = arith.index_cast %get3A_376 : i32 to index
    %get3A_378 = arith.constant 96 : index
    %get3A_379 = tpu.vector_load %arg8[%get3A_377, %get3A_378] {strides = array<i32>} : memref<10x128xi32, #tpu.memory_space<vmem>>, vector<1x16xi32>,
    %get3A_380 = vector.shape_cast %get3A_379 : vector<1x16xi32> to vector<16xi32>
    %mul3A_381 = arith.constant 256 : i32
    %mul3A_382 = vector.broadcast %mul3A_381 : i32 to vector<16xi32>
    %mul3A_383 = arith.muli %get3A_380, %mul3A_382 : vector<16xi32>
    %add3A_384 = arith.addi %mul3A_383, %get3A_375 : vector<16xi32>
    %add3A_385 = arith.constant 0 : i32
    %add3A_386 = vector.broadcast %add3A_385 : i32 to vector<16xi32>
    %add3A_387 = arith.addi %add3A_384, %add3A_386 : vector<16xi32>
    %swap3A_388 = arith.constant 1 : i32
    %swap3A_389 = arith.index_cast %swap3A_388 : i32 to index
    %swap3A_390 = arith.constant 96 : index
    %swap3A_391 = tpu.vector_load %arg10[%swap3A_389, %swap3A_390] {strides = array<i32>} : memref<10x128xi32, #tpu.memory_space<vmem>>, vector<1x16xi32>,
    %swap3A_392 = vector.shape_cast %swap3A_391 : vector<1x16xi32> to vector<16xi32>
    %swap3A_393 = vector.shape_cast %add3A_387 : vector<16xi32> to vector<1x16xi32>
    tpu.vector_store %arg10[%swap3A_389, %swap3A_390], %swap3A_393 {strides = array<i32>} : memref<10x128xi32, #tpu.memory_space<vmem>>, vector<1x16xi32>,
    %get3A_394 = arith.constant 1 : i32
    %get3A_395 = arith.index_cast %get3A_394 : i32 to index
    %get3A_396 = arith.constant 112 : index
    %get3A_397 = tpu.vector_load %arg7[%get3A_395, %get3A_396] {strides = array<i32>} : memref<10x128xi32, #tpu.memory_space<vmem>>, vector<1x16xi32>,
    %get3A_398 = vector.shape_cast %get3A_397 : vector<1x16xi32> to vector<16xi32>
    %get3A_399 = arith.constant 1 : i32
    %get3A_400 = arith.index_cast %get3A_399 : i32 to index
    %get3A_401 = arith.constant 112 : index
    %get3A_402 = tpu.vector_load %arg8[%get3A_400, %get3A_401] {strides = array<i32>} : memref<10x128xi32, #tpu.memory_space<vmem>>, vector<1x16xi32>,
    %get3A_403 = vector.shape_cast %get3A_402 : vector<1x16xi32> to vector<16xi32>
    %mul3A_404 = arith.constant 256 : i32
    %mul3A_405 = vector.broadcast %mul3A_404 : i32 to vector<16xi32>
    %mul3A_406 = arith.muli %get3A_403, %mul3A_405 : vector<16xi32>
    %add3A_407 = arith.addi %mul3A_406, %get3A_398 : vector<16xi32>
    %add3A_408 = arith.constant 0 : i32
    %add3A_409 = vector.broadcast %add3A_408 : i32 to vector<16xi32>
    %add3A_410 = arith.addi %add3A_407, %add3A_409 : vector<16xi32>
    %swap3A_411 = arith.constant 1 : i32
    %swap3A_412 = arith.index_cast %swap3A_411 : i32 to index
    %swap3A_413 = arith.constant 112 : index
    %swap3A_414 = tpu.vector_load %arg10[%swap3A_412, %swap3A_413] {strides = array<i32>} : memref<10x128xi32, #tpu.memory_space<vmem>>, vector<1x16xi32>,
    %swap3A_415 = vector.shape_cast %swap3A_414 : vector<1x16xi32> to vector<16xi32>
    %swap3A_416 = vector.shape_cast %add3A_410 : vector<16xi32> to vector<1x16xi32>
    tpu.vector_store %arg10[%swap3A_412, %swap3A_413], %swap3A_416 {strides = array<i32>} : memref<10x128xi32, #tpu.memory_space<vmem>>, vector<1x16xi32>,
    %get3A_417 = arith.constant 2 : i32
    %get3A_418 = arith.index_cast %get3A_417 : i32 to index
    %get3A_419 = arith.constant 0 : index
    %get3A_420 = tpu.vector_load %arg7[%get3A_418, %get3A_419] {strides = array<i32>} : memref<10x128xi32, #tpu.memory_space<vmem>>, vector<1x16xi32>,
    %get3A_421 = vector.shape_cast %get3A_420 : vector<1x16xi32> to vector<16xi32>
    %get3A_422 = arith.constant 2 : i32
    %get3A_423 = arith.index_cast %get3A_422 : i32 to index
    %get3A_424 = arith.constant 0 : index
    %get3A_425 = tpu.vector_load %arg8[%get3A_423, %get3A_424] {strides = array<i32>} : memref<10x128xi32, #tpu.memory_space<vmem>>, vector<1x16xi32>,
    %get3A_426 = vector.shape_cast %get3A_425 : vector<1x16xi32> to vector<16xi32>
    %mul3A_427 = arith.constant 256 : i32
    %mul3A_428 = vector.broadcast %mul3A_427 : i32 to vector<16xi32>
    %mul3A_429 = arith.muli %get3A_426, %mul3A_428 : vector<16xi32>
    %add3A_430 = arith.addi %mul3A_429, %get3A_421 : vector<16xi32>
    %add3A_431 = arith.constant 0 : i32
    %add3A_432 = vector.broadcast %add3A_431 : i32 to vector<16xi32>
    %add3A_433 = arith.addi %add3A_430, %add3A_432 : vector<16xi32>
    %swap3A_434 = arith.constant 2 : i32
    %swap3A_435 = arith.index_cast %swap3A_434 : i32 to index
    %swap3A_436 = arith.constant 0 : index
    %swap3A_437 = tpu.vector_load %arg10[%swap3A_435, %swap3A_436] {strides = array<i32>} : memref<10x128xi32, #tpu.memory_space<vmem>>, vector<1x16xi32>,
    %swap3A_438 = vector.shape_cast %swap3A_437 : vector<1x16xi32> to vector<16xi32>
    %swap3A_439 = vector.shape_cast %add3A_433 : vector<16xi32> to vector<1x16xi32>
    tpu.vector_store %arg10[%swap3A_435, %swap3A_436], %swap3A_439 {strides = array<i32>} : memref<10x128xi32, #tpu.memory_space<vmem>>, vector<1x16xi32>,
    %get3A_440 = arith.constant 2 : i32
    %get3A_441 = arith.index_cast %get3A_440 : i32 to index
    %get3A_442 = arith.constant 16 : index
    %get3A_443 = tpu.vector_load %arg7[%get3A_441, %get3A_442] {strides = array<i32>} : memref<10x128xi32, #tpu.memory_space<vmem>>, vector<1x16xi32>,
    %get3A_444 = vector.shape_cast %get3A_443 : vector<1x16xi32> to vector<16xi32>
    %get3A_445 = arith.constant 2 : i32
    %get3A_446 = arith.index_cast %get3A_445 : i32 to index
    %get3A_447 = arith.constant 16 : index
    %get3A_448 = tpu.vector_load %arg8[%get3A_446, %get3A_447] {strides = array<i32>} : memref<10x128xi32, #tpu.memory_space<vmem>>, vector<1x16xi32>,
    %get3A_449 = vector.shape_cast %get3A_448 : vector<1x16xi32> to vector<16xi32>
    %mul3A_450 = arith.constant 256 : i32
    %mul3A_451 = vector.broadcast %mul3A_450 : i32 to vector<16xi32>
    %mul3A_452 = arith.muli %get3A_449, %mul3A_451 : vector<16xi32>
    %add3A_453 = arith.addi %mul3A_452, %get3A_444 : vector<16xi32>
    %add3A_454 = arith.constant 0 : i32
    %add3A_455 = vector.broadcast %add3A_454 : i32 to vector<16xi32>
    %add3A_456 = arith.addi %add3A_453, %add3A_455 : vector<16xi32>
    %swap3A_457 = arith.constant 2 : i32
    %swap3A_458 = arith.index_cast %swap3A_457 : i32 to index
    %swap3A_459 = arith.constant 16 : index
    %swap3A_460 = tpu.vector_load %arg10[%swap3A_458, %swap3A_459] {strides = array<i32>} : memref<10x128xi32, #tpu.memory_space<vmem>>, vector<1x16xi32>,
    %swap3A_461 = vector.shape_cast %swap3A_460 : vector<1x16xi32> to vector<16xi32>
    %swap3A_462 = vector.shape_cast %add3A_456 : vector<16xi32> to vector<1x16xi32>
    tpu.vector_store %arg10[%swap3A_458, %swap3A_459], %swap3A_462 {strides = array<i32>} : memref<10x128xi32, #tpu.memory_space<vmem>>, vector<1x16xi32>,
    %get3A_463 = arith.constant 2 : i32
    %get3A_464 = arith.index_cast %get3A_463 : i32 to index
    %get3A_465 = arith.constant 32 : index
    %get3A_466 = tpu.vector_load %arg7[%get3A_464, %get3A_465] {strides = array<i32>} : memref<10x128xi32, #tpu.memory_space<vmem>>, vector<1x16xi32>,
    %get3A_467 = vector.shape_cast %get3A_466 : vector<1x16xi32> to vector<16xi32>
    %get3A_468 = arith.constant 2 : i32
    %get3A_469 = arith.index_cast %get3A_468 : i32 to index
    %get3A_470 = arith.constant 32 : index
    %get3A_471 = tpu.vector_load %arg8[%get3A_469, %get3A_470] {strides = array<i32>} : memref<10x128xi32, #tpu.memory_space<vmem>>, vector<1x16xi32>,
    %get3A_472 = vector.shape_cast %get3A_471 : vector<1x16xi32> to vector<16xi32>
    %mul3A_473 = arith.constant 256 : i32
    %mul3A_474 = vector.broadcast %mul3A_473 : i32 to vector<16xi32>
    %mul3A_475 = arith.muli %get3A_472, %mul3A_474 : vector<16xi32>
    %add3A_476 = arith.addi %mul3A_475, %get3A_467 : vector<16xi32>
    %add3A_477 = arith.constant 0 : i32
    %add3A_478 = vector.broadcast %add3A_477 : i32 to vector<16xi32>
    %add3A_479 = arith.addi %add3A_476, %add3A_478 : vector<16xi32>
    %swap3A_480 = arith.constant 2 : i32
    %swap3A_481 = arith.index_cast %swap3A_480 : i32 to index
    %swap3A_482 = arith.constant 32 : index
    %swap3A_483 = tpu.vector_load %arg10[%swap3A_481, %swap3A_482] {strides = array<i32>} : memref<10x128xi32, #tpu.memory_space<vmem>>, vector<1x16xi32>,
    %swap3A_484 = vector.shape_cast %swap3A_483 : vector<1x16xi32> to vector<16xi32>
    %swap3A_485 = vector.shape_cast %add3A_479 : vector<16xi32> to vector<1x16xi32>
    tpu.vector_store %arg10[%swap3A_481, %swap3A_482], %swap3A_485 {strides = array<i32>} : memref<10x128xi32, #tpu.memory_space<vmem>>, vector<1x16xi32>,
    %get3A_486 = arith.constant 2 : i32
    %get3A_487 = arith.index_cast %get3A_486 : i32 to index
    %get3A_488 = arith.constant 48 : index
    %get3A_489 = tpu.vector_load %arg7[%get3A_487, %get3A_488] {strides = array<i32>} : memref<10x128xi32, #tpu.memory_space<vmem>>, vector<1x16xi32>,
    %get3A_490 = vector.shape_cast %get3A_489 : vector<1x16xi32> to vector<16xi32>
    %get3A_491 = arith.constant 2 : i32
    %get3A_492 = arith.index_cast %get3A_491 : i32 to index
    %get3A_493 = arith.constant 48 : index
    %get3A_494 = tpu.vector_load %arg8[%get3A_492, %get3A_493] {strides = array<i32>} : memref<10x128xi32, #tpu.memory_space<vmem>>, vector<1x16xi32>,
    %get3A_495 = vector.shape_cast %get3A_494 : vector<1x16xi32> to vector<16xi32>
    %mul3A_496 = arith.constant 256 : i32
    %mul3A_497 = vector.broadcast %mul3A_496 : i32 to vector<16xi32>
    %mul3A_498 = arith.muli %get3A_495, %mul3A_497 : vector<16xi32>
    %add3A_499 = arith.addi %mul3A_498, %get3A_490 : vector<16xi32>
    %add3A_500 = arith.constant 0 : i32
    %add3A_501 = vector.broadcast %add3A_500 : i32 to vector<16xi32>
    %add3A_502 = arith.addi %add3A_499, %add3A_501 : vector<16xi32>
    %swap3A_503 = arith.constant 2 : i32
    %swap3A_504 = arith.index_cast %swap3A_503 : i32 to index
    %swap3A_505 = arith.constant 48 : index
    %swap3A_506 = tpu.vector_load %arg10[%swap3A_504, %swap3A_505] {strides = array<i32>} : memref<10x128xi32, #tpu.memory_space<vmem>>, vector<1x16xi32>,
    %swap3A_507 = vector.shape_cast %swap3A_506 : vector<1x16xi32> to vector<16xi32>
    %swap3A_508 = vector.shape_cast %add3A_502 : vector<16xi32> to vector<1x16xi32>
    tpu.vector_store %arg10[%swap3A_504, %swap3A_505], %swap3A_508 {strides = array<i32>} : memref<10x128xi32, #tpu.memory_space<vmem>>, vector<1x16xi32>,
    %get3A_509 = arith.constant 2 : i32
    %get3A_510 = arith.index_cast %get3A_509 : i32 to index
    %get3A_511 = arith.constant 64 : index
    %get3A_512 = tpu.vector_load %arg7[%get3A_510, %get3A_511] {strides = array<i32>} : memref<10x128xi32, #tpu.memory_space<vmem>>, vector<1x16xi32>,
    %get3A_513 = vector.shape_cast %get3A_512 : vector<1x16xi32> to vector<16xi32>
    %get3A_514 = arith.constant 2 : i32
    %get3A_515 = arith.index_cast %get3A_514 : i32 to index
    %get3A_516 = arith.constant 64 : index
    %get3A_517 = tpu.vector_load %arg8[%get3A_515, %get3A_516] {strides = array<i32>} : memref<10x128xi32, #tpu.memory_space<vmem>>, vector<1x16xi32>,
    %get3A_518 = vector.shape_cast %get3A_517 : vector<1x16xi32> to vector<16xi32>
    %mul3A_519 = arith.constant 256 : i32
    %mul3A_520 = vector.broadcast %mul3A_519 : i32 to vector<16xi32>
    %mul3A_521 = arith.muli %get3A_518, %mul3A_520 : vector<16xi32>
    %add3A_522 = arith.addi %mul3A_521, %get3A_513 : vector<16xi32>
    %add3A_523 = arith.constant 0 : i32
    %add3A_524 = vector.broadcast %add3A_523 : i32 to vector<16xi32>
    %add3A_525 = arith.addi %add3A_522, %add3A_524 : vector<16xi32>
    %swap3A_526 = arith.constant 2 : i32
    %swap3A_527 = arith.index_cast %swap3A_526 : i32 to index
    %swap3A_528 = arith.constant 64 : index
    %swap3A_529 = tpu.vector_load %arg10[%swap3A_527, %swap3A_528] {strides = array<i32>} : memref<10x128xi32, #tpu.memory_space<vmem>>, vector<1x16xi32>,
    %swap3A_530 = vector.shape_cast %swap3A_529 : vector<1x16xi32> to vector<16xi32>
    %swap3A_531 = vector.shape_cast %add3A_525 : vector<16xi32> to vector<1x16xi32>
    tpu.vector_store %arg10[%swap3A_527, %swap3A_528], %swap3A_531 {strides = array<i32>} : memref<10x128xi32, #tpu.memory_space<vmem>>, vector<1x16xi32>,
    %get3A_532 = arith.constant 2 : i32
    %get3A_533 = arith.index_cast %get3A_532 : i32 to index
    %get3A_534 = arith.constant 80 : index
    %get3A_535 = tpu.vector_load %arg7[%get3A_533, %get3A_534] {strides = array<i32>} : memref<10x128xi32, #tpu.memory_space<vmem>>, vector<1x16xi32>,
    %get3A_536 = vector.shape_cast %get3A_535 : vector<1x16xi32> to vector<16xi32>
    %get3A_537 = arith.constant 2 : i32
    %get3A_538 = arith.index_cast %get3A_537 : i32 to index
    %get3A_539 = arith.constant 80 : index
    %get3A_540 = tpu.vector_load %arg8[%get3A_538, %get3A_539] {strides = array<i32>} : memref<10x128xi32, #tpu.memory_space<vmem>>, vector<1x16xi32>,
    %get3A_541 = vector.shape_cast %get3A_540 : vector<1x16xi32> to vector<16xi32>
    %mul3A_542 = arith.constant 256 : i32
    %mul3A_543 = vector.broadcast %mul3A_542 : i32 to vector<16xi32>
    %mul3A_544 = arith.muli %get3A_541, %mul3A_543 : vector<16xi32>
    %add3A_545 = arith.addi %mul3A_544, %get3A_536 : vector<16xi32>
    %add3A_546 = arith.constant 0 : i32
    %add3A_547 = vector.broadcast %add3A_546 : i32 to vector<16xi32>
    %add3A_548 = arith.addi %add3A_545, %add3A_547 : vector<16xi32>
    %swap3A_549 = arith.constant 2 : i32
    %swap3A_550 = arith.index_cast %swap3A_549 : i32 to index
    %swap3A_551 = arith.constant 80 : index
    %swap3A_552 = tpu.vector_load %arg10[%swap3A_550, %swap3A_551] {strides = array<i32>} : memref<10x128xi32, #tpu.memory_space<vmem>>, vector<1x16xi32>,
    %swap3A_553 = vector.shape_cast %swap3A_552 : vector<1x16xi32> to vector<16xi32>
    %swap3A_554 = vector.shape_cast %add3A_548 : vector<16xi32> to vector<1x16xi32>
    tpu.vector_store %arg10[%swap3A_550, %swap3A_551], %swap3A_554 {strides = array<i32>} : memref<10x128xi32, #tpu.memory_space<vmem>>, vector<1x16xi32>,
    %get3A_555 = arith.constant 2 : i32
    %get3A_556 = arith.index_cast %get3A_555 : i32 to index
    %get3A_557 = arith.constant 96 : index
    %get3A_558 = tpu.vector_load %arg7[%get3A_556, %get3A_557] {strides = array<i32>} : memref<10x128xi32, #tpu.memory_space<vmem>>, vector<1x16xi32>,
    %get3A_559 = vector.shape_cast %get3A_558 : vector<1x16xi32> to vector<16xi32>
    %get3A_560 = arith.constant 2 : i32
    %get3A_561 = arith.index_cast %get3A_560 : i32 to index
    %get3A_562 = arith.constant 96 : index
    %get3A_563 = tpu.vector_load %arg8[%get3A_561, %get3A_562] {strides = array<i32>} : memref<10x128xi32, #tpu.memory_space<vmem>>, vector<1x16xi32>,
    %get3A_564 = vector.shape_cast %get3A_563 : vector<1x16xi32> to vector<16xi32>
    %mul3A_565 = arith.constant 256 : i32
    %mul3A_566 = vector.broadcast %mul3A_565 : i32 to vector<16xi32>
    %mul3A_567 = arith.muli %get3A_564, %mul3A_566 : vector<16xi32>
    %add3A_568 = arith.addi %mul3A_567, %get3A_559 : vector<16xi32>
    %add3A_569 = arith.constant 0 : i32
    %add3A_570 = vector.broadcast %add3A_569 : i32 to vector<16xi32>
    %add3A_571 = arith.addi %add3A_568, %add3A_570 : vector<16xi32>
    %swap3A_572 = arith.constant 2 : i32
    %swap3A_573 = arith.index_cast %swap3A_572 : i32 to index
    %swap3A_574 = arith.constant 96 : index
    %swap3A_575 = tpu.vector_load %arg10[%swap3A_573, %swap3A_574] {strides = array<i32>} : memref<10x128xi32, #tpu.memory_space<vmem>>, vector<1x16xi32>,
    %swap3A_576 = vector.shape_cast %swap3A_575 : vector<1x16xi32> to vector<16xi32>
    %swap3A_577 = vector.shape_cast %add3A_571 : vector<16xi32> to vector<1x16xi32>
    tpu.vector_store %arg10[%swap3A_573, %swap3A_574], %swap3A_577 {strides = array<i32>} : memref<10x128xi32, #tpu.memory_space<vmem>>, vector<1x16xi32>,
    %get3A_578 = arith.constant 2 : i32
    %get3A_579 = arith.index_cast %get3A_578 : i32 to index
    %get3A_580 = arith.constant 112 : index
    %get3A_581 = tpu.vector_load %arg7[%get3A_579, %get3A_580] {strides = array<i32>} : memref<10x128xi32, #tpu.memory_space<vmem>>, vector<1x16xi32>,
    %get3A_582 = vector.shape_cast %get3A_581 : vector<1x16xi32> to vector<16xi32>
    %get3A_583 = arith.constant 2 : i32
    %get3A_584 = arith.index_cast %get3A_583 : i32 to index
    %get3A_585 = arith.constant 112 : index
    %get3A_586 = tpu.vector_load %arg8[%get3A_584, %get3A_585] {strides = array<i32>} : memref<10x128xi32, #tpu.memory_space<vmem>>, vector<1x16xi32>,
    %get3A_587 = vector.shape_cast %get3A_586 : vector<1x16xi32> to vector<16xi32>
    %mul3A_588 = arith.constant 256 : i32
    %mul3A_589 = vector.broadcast %mul3A_588 : i32 to vector<16xi32>
    %mul3A_590 = arith.muli %get3A_587, %mul3A_589 : vector<16xi32>
    %add3A_591 = arith.addi %mul3A_590, %get3A_582 : vector<16xi32>
    %add3A_592 = arith.constant 0 : i32
    %add3A_593 = vector.broadcast %add3A_592 : i32 to vector<16xi32>
    %add3A_594 = arith.addi %add3A_591, %add3A_593 : vector<16xi32>
    %swap3A_595 = arith.constant 2 : i32
    %swap3A_596 = arith.index_cast %swap3A_595 : i32 to index
    %swap3A_597 = arith.constant 112 : index
    %swap3A_598 = tpu.vector_load %arg10[%swap3A_596, %swap3A_597] {strides = array<i32>} : memref<10x128xi32, #tpu.memory_space<vmem>>, vector<1x16xi32>,
    %swap3A_599 = vector.shape_cast %swap3A_598 : vector<1x16xi32> to vector<16xi32>
    %swap3A_600 = vector.shape_cast %add3A_594 : vector<16xi32> to vector<1x16xi32>
    tpu.vector_store %arg10[%swap3A_596, %swap3A_597], %swap3A_600 {strides = array<i32>} : memref<10x128xi32, #tpu.memory_space<vmem>>, vector<1x16xi32>,
    %get3A_601 = arith.constant 3 : i32
    %get3A_602 = arith.index_cast %get3A_601 : i32 to index
    %get3A_603 = arith.constant 0 : index
    %get3A_604 = tpu.vector_load %arg7[%get3A_602, %get3A_603] {strides = array<i32>} : memref<10x128xi32, #tpu.memory_space<vmem>>, vector<1x16xi32>,
    %get3A_605 = vector.shape_cast %get3A_604 : vector<1x16xi32> to vector<16xi32>
    %get3A_606 = arith.constant 3 : i32
    %get3A_607 = arith.index_cast %get3A_606 : i32 to index
    %get3A_608 = arith.constant 0 : index
    %get3A_609 = tpu.vector_load %arg8[%get3A_607, %get3A_608] {strides = array<i32>} : memref<10x128xi32, #tpu.memory_space<vmem>>, vector<1x16xi32>,
    %get3A_610 = vector.shape_cast %get3A_609 : vector<1x16xi32> to vector<16xi32>
    %mul3A_611 = arith.constant 256 : i32
    %mul3A_612 = vector.broadcast %mul3A_611 : i32 to vector<16xi32>
    %mul3A_613 = arith.muli %get3A_610, %mul3A_612 : vector<16xi32>
    %add3A_614 = arith.addi %mul3A_613, %get3A_605 : vector<16xi32>
    %add3A_615 = arith.constant 0 : i32
    %add3A_616 = vector.broadcast %add3A_615 : i32 to vector<16xi32>
    %add3A_617 = arith.addi %add3A_614, %add3A_616 : vector<16xi32>
    %swap3A_618 = arith.constant 3 : i32
    %swap3A_619 = arith.index_cast %swap3A_618 : i32 to index
    %swap3A_620 = arith.constant 0 : index
    %swap3A_621 = tpu.vector_load %arg10[%swap3A_619, %swap3A_620] {strides = array<i32>} : memref<10x128xi32, #tpu.memory_space<vmem>>, vector<1x16xi32>,
    %swap3A_622 = vector.shape_cast %swap3A_621 : vector<1x16xi32> to vector<16xi32>
    %swap3A_623 = vector.shape_cast %add3A_617 : vector<16xi32> to vector<1x16xi32>
    tpu.vector_store %arg10[%swap3A_619, %swap3A_620], %swap3A_623 {strides = array<i32>} : memref<10x128xi32, #tpu.memory_space<vmem>>, vector<1x16xi32>,
    %get3A_624 = arith.constant 3 : i32
    %get3A_625 = arith.index_cast %get3A_624 : i32 to index
    %get3A_626 = arith.constant 16 : index
    %get3A_627 = tpu.vector_load %arg7[%get3A_625, %get3A_626] {strides = array<i32>} : memref<10x128xi32, #tpu.memory_space<vmem>>, vector<1x16xi32>,
    %get3A_628 = vector.shape_cast %get3A_627 : vector<1x16xi32> to vector<16xi32>
    %get3A_629 = arith.constant 3 : i32
    %get3A_630 = arith.index_cast %get3A_629 : i32 to index
    %get3A_631 = arith.constant 16 : index
    %get3A_632 = tpu.vector_load %arg8[%get3A_630, %get3A_631] {strides = array<i32>} : memref<10x128xi32, #tpu.memory_space<vmem>>, vector<1x16xi32>,
    %get3A_633 = vector.shape_cast %get3A_632 : vector<1x16xi32> to vector<16xi32>
    %mul3A_634 = arith.constant 256 : i32
    %mul3A_635 = vector.broadcast %mul3A_634 : i32 to vector<16xi32>
    %mul3A_636 = arith.muli %get3A_633, %mul3A_635 : vector<16xi32>
    %add3A_637 = arith.addi %mul3A_636, %get3A_628 : vector<16xi32>
    %add3A_638 = arith.constant 0 : i32
    %add3A_639 = vector.broadcast %add3A_638 : i32 to vector<16xi32>
    %add3A_640 = arith.addi %add3A_637, %add3A_639 : vector<16xi32>
    %swap3A_641 = arith.constant 3 : i32
    %swap3A_642 = arith.index_cast %swap3A_641 : i32 to index
    %swap3A_643 = arith.constant 16 : index
    %swap3A_644 = tpu.vector_load %arg10[%swap3A_642, %swap3A_643] {strides = array<i32>} : memref<10x128xi32, #tpu.memory_space<vmem>>, vector<1x16xi32>,
    %swap3A_645 = vector.shape_cast %swap3A_644 : vector<1x16xi32> to vector<16xi32>
    %swap3A_646 = vector.shape_cast %add3A_640 : vector<16xi32> to vector<1x16xi32>
    tpu.vector_store %arg10[%swap3A_642, %swap3A_643], %swap3A_646 {strides = array<i32>} : memref<10x128xi32, #tpu.memory_space<vmem>>, vector<1x16xi32>,
    %get3A_647 = arith.constant 3 : i32
    %get3A_648 = arith.index_cast %get3A_647 : i32 to index
    %get3A_649 = arith.constant 32 : index
    %get3A_650 = tpu.vector_load %arg7[%get3A_648, %get3A_649] {strides = array<i32>} : memref<10x128xi32, #tpu.memory_space<vmem>>, vector<1x16xi32>,
    %get3A_651 = vector.shape_cast %get3A_650 : vector<1x16xi32> to vector<16xi32>
    %get3A_652 = arith.constant 3 : i32
    %get3A_653 = arith.index_cast %get3A_652 : i32 to index
    %get3A_654 = arith.constant 32 : index
    %get3A_655 = tpu.vector_load %arg8[%get3A_653, %get3A_654] {strides = array<i32>} : memref<10x128xi32, #tpu.memory_space<vmem>>, vector<1x16xi32>,
    %get3A_656 = vector.shape_cast %get3A_655 : vector<1x16xi32> to vector<16xi32>
    %mul3A_657 = arith.constant 256 : i32
    %mul3A_658 = vector.broadcast %mul3A_657 : i32 to vector<16xi32>
    %mul3A_659 = arith.muli %get3A_656, %mul3A_658 : vector<16xi32>
    %add3A_660 = arith.addi %mul3A_659, %get3A_651 : vector<16xi32>
    %add3A_661 = arith.constant 0 : i32
    %add3A_662 = vector.broadcast %add3A_661 : i32 to vector<16xi32>
    %add3A_663 = arith.addi %add3A_660, %add3A_662 : vector<16xi32>
    %swap3A_664 = arith.constant 3 : i32
    %swap3A_665 = arith.index_cast %swap3A_664 : i32 to index
    %swap3A_666 = arith.constant 32 : index
    %swap3A_667 = tpu.vector_load %arg10[%swap3A_665, %swap3A_666] {strides = array<i32>} : memref<10x128xi32, #tpu.memory_space<vmem>>, vector<1x16xi32>,
    %swap3A_668 = vector.shape_cast %swap3A_667 : vector<1x16xi32> to vector<16xi32>
    %swap3A_669 = vector.shape_cast %add3A_663 : vector<16xi32> to vector<1x16xi32>
    tpu.vector_store %arg10[%swap3A_665, %swap3A_666], %swap3A_669 {strides = array<i32>} : memref<10x128xi32, #tpu.memory_space<vmem>>, vector<1x16xi32>,
    %get3A_670 = arith.constant 3 : i32
    %get3A_671 = arith.index_cast %get3A_670 : i32 to index
    %get3A_672 = arith.constant 48 : index
    %get3A_673 = tpu.vector_load %arg7[%get3A_671, %get3A_672] {strides = array<i32>} : memref<10x128xi32, #tpu.memory_space<vmem>>, vector<1x16xi32>,
    %get3A_674 = vector.shape_cast %get3A_673 : vector<1x16xi32> to vector<16xi32>
    %get3A_675 = arith.constant 3 : i32
    %get3A_676 = arith.index_cast %get3A_675 : i32 to index
    %get3A_677 = arith.constant 48 : index
    %get3A_678 = tpu.vector_load %arg8[%get3A_676, %get3A_677] {strides = array<i32>} : memref<10x128xi32, #tpu.memory_space<vmem>>, vector<1x16xi32>,
    %get3A_679 = vector.shape_cast %get3A_678 : vector<1x16xi32> to vector<16xi32>
    %mul3A_680 = arith.constant 256 : i32
    %mul3A_681 = vector.broadcast %mul3A_680 : i32 to vector<16xi32>
    %mul3A_682 = arith.muli %get3A_679, %mul3A_681 : vector<16xi32>
    %add3A_683 = arith.addi %mul3A_682, %get3A_674 : vector<16xi32>
    %add3A_684 = arith.constant 0 : i32
    %add3A_685 = vector.broadcast %add3A_684 : i32 to vector<16xi32>
    %add3A_686 = arith.addi %add3A_683, %add3A_685 : vector<16xi32>
    %swap3A_687 = arith.constant 3 : i32
    %swap3A_688 = arith.index_cast %swap3A_687 : i32 to index
    %swap3A_689 = arith.constant 48 : index
    %swap3A_690 = tpu.vector_load %arg10[%swap3A_688, %swap3A_689] {strides = array<i32>} : memref<10x128xi32, #tpu.memory_space<vmem>>, vector<1x16xi32>,
    %swap3A_691 = vector.shape_cast %swap3A_690 : vector<1x16xi32> to vector<16xi32>
    %swap3A_692 = vector.shape_cast %add3A_686 : vector<16xi32> to vector<1x16xi32>
    tpu.vector_store %arg10[%swap3A_688, %swap3A_689], %swap3A_692 {strides = array<i32>} : memref<10x128xi32, #tpu.memory_space<vmem>>, vector<1x16xi32>,
    %get3A_693 = arith.constant 3 : i32
    %get3A_694 = arith.index_cast %get3A_693 : i32 to index
    %get3A_695 = arith.constant 64 : index
    %get3A_696 = tpu.vector_load %arg7[%get3A_694, %get3A_695] {strides = array<i32>} : memref<10x128xi32, #tpu.memory_space<vmem>>, vector<1x16xi32>,
    %get3A_697 = vector.shape_cast %get3A_696 : vector<1x16xi32> to vector<16xi32>
    %get3A_698 = arith.constant 3 : i32
    %get3A_699 = arith.index_cast %get3A_698 : i32 to index
    %get3A_700 = arith.constant 64 : index
    %get3A_701 = tpu.vector_load %arg8[%get3A_699, %get3A_700] {strides = array<i32>} : memref<10x128xi32, #tpu.memory_space<vmem>>, vector<1x16xi32>,
    %get3A_702 = vector.shape_cast %get3A_701 : vector<1x16xi32> to vector<16xi32>
    %mul3A_703 = arith.constant 256 : i32
    %mul3A_704 = vector.broadcast %mul3A_703 : i32 to vector<16xi32>
    %mul3A_705 = arith.muli %get3A_702, %mul3A_704 : vector<16xi32>
    %add3A_706 = arith.addi %mul3A_705, %get3A_697 : vector<16xi32>
    %add3A_707 = arith.constant 0 : i32
    %add3A_708 = vector.broadcast %add3A_707 : i32 to vector<16xi32>
    %add3A_709 = arith.addi %add3A_706, %add3A_708 : vector<16xi32>
    %swap3A_710 = arith.constant 3 : i32
    %swap3A_711 = arith.index_cast %swap3A_710 : i32 to index
    %swap3A_712 = arith.constant 64 : index
    %swap3A_713 = tpu.vector_load %arg10[%swap3A_711, %swap3A_712] {strides = array<i32>} : memref<10x128xi32, #tpu.memory_space<vmem>>, vector<1x16xi32>,
    %swap3A_714 = vector.shape_cast %swap3A_713 : vector<1x16xi32> to vector<16xi32>
    %swap3A_715 = vector.shape_cast %add3A_709 : vector<16xi32> to vector<1x16xi32>
    tpu.vector_store %arg10[%swap3A_711, %swap3A_712], %swap3A_715 {strides = array<i32>} : memref<10x128xi32, #tpu.memory_space<vmem>>, vector<1x16xi32>,
    %get3A_716 = arith.constant 3 : i32
    %get3A_717 = arith.index_cast %get3A_716 : i32 to index
    %get3A_718 = arith.constant 80 : index
    %get3A_719 = tpu.vector_load %arg7[%get3A_717, %get3A_718] {strides = array<i32>} : memref<10x128xi32, #tpu.memory_space<vmem>>, vector<1x16xi32>,
    %get3A_720 = vector.shape_cast %get3A_719 : vector<1x16xi32> to vector<16xi32>
    %get3A_721 = arith.constant 3 : i32
    %get3A_722 = arith.index_cast %get3A_721 : i32 to index
    %get3A_723 = arith.constant 80 : index
    %get3A_724 = tpu.vector_load %arg8[%get3A_722, %get3A_723] {strides = array<i32>} : memref<10x128xi32, #tpu.memory_space<vmem>>, vector<1x16xi32>,
    %get3A_725 = vector.shape_cast %get3A_724 : vector<1x16xi32> to vector<16xi32>
    %mul3A_726 = arith.constant 256 : i32
    %mul3A_727 = vector.broadcast %mul3A_726 : i32 to vector<16xi32>
    %mul3A_728 = arith.muli %get3A_725, %mul3A_727 : vector<16xi32>
    %add3A_729 = arith.addi %mul3A_728, %get3A_720 : vector<16xi32>
    %add3A_730 = arith.constant 0 : i32
    %add3A_731 = vector.broadcast %add3A_730 : i32 to vector<16xi32>
    %add3A_732 = arith.addi %add3A_729, %add3A_731 : vector<16xi32>
    %swap3A_733 = arith.constant 3 : i32
    %swap3A_734 = arith.index_cast %swap3A_733 : i32 to index
    %swap3A_735 = arith.constant 80 : index
    %swap3A_736 = tpu.vector_load %arg10[%swap3A_734, %swap3A_735] {strides = array<i32>} : memref<10x128xi32, #tpu.memory_space<vmem>>, vector<1x16xi32>,
    %swap3A_737 = vector.shape_cast %swap3A_736 : vector<1x16xi32> to vector<16xi32>
    %swap3A_738 = vector.shape_cast %add3A_732 : vector<16xi32> to vector<1x16xi32>
    tpu.vector_store %arg10[%swap3A_734, %swap3A_735], %swap3A_738 {strides = array<i32>} : memref<10x128xi32, #tpu.memory_space<vmem>>, vector<1x16xi32>,
    %get3A_739 = arith.constant 3 : i32
    %get3A_740 = arith.index_cast %get3A_739 : i32 to index
    %get3A_741 = arith.constant 96 : index
    %get3A_742 = tpu.vector_load %arg7[%get3A_740, %get3A_741] {strides = array<i32>} : memref<10x128xi32, #tpu.memory_space<vmem>>, vector<1x16xi32>,
    %get3A_743 = vector.shape_cast %get3A_742 : vector<1x16xi32> to vector<16xi32>
    %get3A_744 = arith.constant 3 : i32
    %get3A_745 = arith.index_cast %get3A_744 : i32 to index
    %get3A_746 = arith.constant 96 : index
    %get3A_747 = tpu.vector_load %arg8[%get3A_745, %get3A_746] {strides = array<i32>} : memref<10x128xi32, #tpu.memory_space<vmem>>, vector<1x16xi32>,
    %get3A_748 = vector.shape_cast %get3A_747 : vector<1x16xi32> to vector<16xi32>
    %mul3A_749 = arith.constant 256 : i32
    %mul3A_750 = vector.broadcast %mul3A_749 : i32 to vector<16xi32>
    %mul3A_751 = arith.muli %get3A_748, %mul3A_750 : vector<16xi32>
    %add3A_752 = arith.addi %mul3A_751, %get3A_743 : vector<16xi32>
    %add3A_753 = arith.constant 0 : i32
    %add3A_754 = vector.broadcast %add3A_753 : i32 to vector<16xi32>
    %add3A_755 = arith.addi %add3A_752, %add3A_754 : vector<16xi32>
    %swap3A_756 = arith.constant 3 : i32
    %swap3A_757 = arith.index_cast %swap3A_756 : i32 to index
    %swap3A_758 = arith.constant 96 : index
    %swap3A_759 = tpu.vector_load %arg10[%swap3A_757, %swap3A_758] {strides = array<i32>} : memref<10x128xi32, #tpu.memory_space<vmem>>, vector<1x16xi32>,
    %swap3A_760 = vector.shape_cast %swap3A_759 : vector<1x16xi32> to vector<16xi32>
    %swap3A_761 = vector.shape_cast %add3A_755 : vector<16xi32> to vector<1x16xi32>
    tpu.vector_store %arg10[%swap3A_757, %swap3A_758], %swap3A_761 {strides = array<i32>} : memref<10x128xi32, #tpu.memory_space<vmem>>, vector<1x16xi32>,
    %get3A_762 = arith.constant 3 : i32
    %get3A_763 = arith.index_cast %get3A_762 : i32 to index
    %get3A_764 = arith.constant 112 : index
    %get3A_765 = tpu.vector_load %arg7[%get3A_763, %get3A_764] {strides = array<i32>} : memref<10x128xi32, #tpu.memory_space<vmem>>, vector<1x16xi32>,
    %get3A_766 = vector.shape_cast %get3A_765 : vector<1x16xi32> to vector<16xi32>
    %get3A_767 = arith.constant 3 : i32
    %get3A_768 = arith.index_cast %get3A_767 : i32 to index
    %get3A_769 = arith.constant 112 : index
    %get3A_770 = tpu.vector_load %arg8[%get3A_768, %get3A_769] {strides = array<i32>} : memref<10x128xi32, #tpu.memory_space<vmem>>, vector<1x16xi32>,
    %get3A_771 = vector.shape_cast %get3A_770 : vector<1x16xi32> to vector<16xi32>
    %mul3A_772 = arith.constant 256 : i32
    %mul3A_773 = vector.broadcast %mul3A_772 : i32 to vector<16xi32>
    %mul3A_774 = arith.muli %get3A_771, %mul3A_773 : vector<16xi32>
    %add3A_775 = arith.addi %mul3A_774, %get3A_766 : vector<16xi32>
    %add3A_776 = arith.constant 0 : i32
    %add3A_777 = vector.broadcast %add3A_776 : i32 to vector<16xi32>
    %add3A_778 = arith.addi %add3A_775, %add3A_777 : vector<16xi32>
    %swap3A_779 = arith.constant 3 : i32
    %swap3A_780 = arith.index_cast %swap3A_779 : i32 to index
    %swap3A_781 = arith.constant 112 : index
    %swap3A_782 = tpu.vector_load %arg10[%swap3A_780, %swap3A_781] {strides = array<i32>} : memref<10x128xi32, #tpu.memory_space<vmem>>, vector<1x16xi32>,
    %swap3A_783 = vector.shape_cast %swap3A_782 : vector<1x16xi32> to vector<16xi32>
    %swap3A_784 = vector.shape_cast %add3A_778 : vector<16xi32> to vector<1x16xi32>
    tpu.vector_store %arg10[%swap3A_780, %swap3A_781], %swap3A_784 {strides = array<i32>} : memref<10x128xi32, #tpu.memory_space<vmem>>, vector<1x16xi32>,
    %get3A_785 = arith.constant 4 : i32
    %get3A_786 = arith.index_cast %get3A_785 : i32 to index
    %get3A_787 = arith.constant 0 : index
    %get3A_788 = tpu.vector_load %arg7[%get3A_786, %get3A_787] {strides = array<i32>} : memref<10x128xi32, #tpu.memory_space<vmem>>, vector<1x16xi32>,
    %get3A_789 = vector.shape_cast %get3A_788 : vector<1x16xi32> to vector<16xi32>
    %get3A_790 = arith.constant 4 : i32
    %get3A_791 = arith.index_cast %get3A_790 : i32 to index
    %get3A_792 = arith.constant 0 : index
    %get3A_793 = tpu.vector_load %arg8[%get3A_791, %get3A_792] {strides = array<i32>} : memref<10x128xi32, #tpu.memory_space<vmem>>, vector<1x16xi32>,
    %get3A_794 = vector.shape_cast %get3A_793 : vector<1x16xi32> to vector<16xi32>
    %mul3A_795 = arith.constant 256 : i32
    %mul3A_796 = vector.broadcast %mul3A_795 : i32 to vector<16xi32>
    %mul3A_797 = arith.muli %get3A_794, %mul3A_796 : vector<16xi32>
    %add3A_798 = arith.addi %mul3A_797, %get3A_789 : vector<16xi32>
    %add3A_799 = arith.constant 0 : i32
    %add3A_800 = vector.broadcast %add3A_799 : i32 to vector<16xi32>
    %add3A_801 = arith.addi %add3A_798, %add3A_800 : vector<16xi32>
    %swap3A_802 = arith.constant 4 : i32
    %swap3A_803 = arith.index_cast %swap3A_802 : i32 to index
    %swap3A_804 = arith.constant 0 : index
    %swap3A_805 = tpu.vector_load %arg10[%swap3A_803, %swap3A_804] {strides = array<i32>} : memref<10x128xi32, #tpu.memory_space<vmem>>, vector<1x16xi32>,
    %swap3A_806 = vector.shape_cast %swap3A_805 : vector<1x16xi32> to vector<16xi32>
    %swap3A_807 = vector.shape_cast %add3A_801 : vector<16xi32> to vector<1x16xi32>
    tpu.vector_store %arg10[%swap3A_803, %swap3A_804], %swap3A_807 {strides = array<i32>} : memref<10x128xi32, #tpu.memory_space<vmem>>, vector<1x16xi32>,
    %get3A_808 = arith.constant 4 : i32
    %get3A_809 = arith.index_cast %get3A_808 : i32 to index
    %get3A_810 = arith.constant 16 : index
    %get3A_811 = tpu.vector_load %arg7[%get3A_809, %get3A_810] {strides = array<i32>} : memref<10x128xi32, #tpu.memory_space<vmem>>, vector<1x16xi32>,
    %get3A_812 = vector.shape_cast %get3A_811 : vector<1x16xi32> to vector<16xi32>
    %get3A_813 = arith.constant 4 : i32
    %get3A_814 = arith.index_cast %get3A_813 : i32 to index
    %get3A_815 = arith.constant 16 : index
    %get3A_816 = tpu.vector_load %arg8[%get3A_814, %get3A_815] {strides = array<i32>} : memref<10x128xi32, #tpu.memory_space<vmem>>, vector<1x16xi32>,
    %get3A_817 = vector.shape_cast %get3A_816 : vector<1x16xi32> to vector<16xi32>
    %mul3A_818 = arith.constant 256 : i32
    %mul3A_819 = vector.broadcast %mul3A_818 : i32 to vector<16xi32>
    %mul3A_820 = arith.muli %get3A_817, %mul3A_819 : vector<16xi32>
    %add3A_821 = arith.addi %mul3A_820, %get3A_812 : vector<16xi32>
    %add3A_822 = arith.constant 0 : i32
    %add3A_823 = vector.broadcast %add3A_822 : i32 to vector<16xi32>
    %add3A_824 = arith.addi %add3A_821, %add3A_823 : vector<16xi32>
    %swap3A_825 = arith.constant 4 : i32
    %swap3A_826 = arith.index_cast %swap3A_825 : i32 to index
    %swap3A_827 = arith.constant 16 : index
    %swap3A_828 = tpu.vector_load %arg10[%swap3A_826, %swap3A_827] {strides = array<i32>} : memref<10x128xi32, #tpu.memory_space<vmem>>, vector<1x16xi32>,
    %swap3A_829 = vector.shape_cast %swap3A_828 : vector<1x16xi32> to vector<16xi32>
    %swap3A_830 = vector.shape_cast %add3A_824 : vector<16xi32> to vector<1x16xi32>
    tpu.vector_store %arg10[%swap3A_826, %swap3A_827], %swap3A_830 {strides = array<i32>} : memref<10x128xi32, #tpu.memory_space<vmem>>, vector<1x16xi32>,
    %get3A_831 = arith.constant 4 : i32
    %get3A_832 = arith.index_cast %get3A_831 : i32 to index
    %get3A_833 = arith.constant 32 : index
    %get3A_834 = tpu.vector_load %arg7[%get3A_832, %get3A_833] {strides = array<i32>} : memref<10x128xi32, #tpu.memory_space<vmem>>, vector<1x16xi32>,
    %get3A_835 = vector.shape_cast %get3A_834 : vector<1x16xi32> to vector<16xi32>
    %get3A_836 = arith.constant 4 : i32
    %get3A_837 = arith.index_cast %get3A_836 : i32 to index
    %get3A_838 = arith.constant 32 : index
    %get3A_839 = tpu.vector_load %arg8[%get3A_837, %get3A_838] {strides = array<i32>} : memref<10x128xi32, #tpu.memory_space<vmem>>, vector<1x16xi32>,
    %get3A_840 = vector.shape_cast %get3A_839 : vector<1x16xi32> to vector<16xi32>
    %mul3A_841 = arith.constant 256 : i32
    %mul3A_842 = vector.broadcast %mul3A_841 : i32 to vector<16xi32>
    %mul3A_843 = arith.muli %get3A_840, %mul3A_842 : vector<16xi32>
    %add3A_844 = arith.addi %mul3A_843, %get3A_835 : vector<16xi32>
    %add3A_845 = arith.constant 0 : i32
    %add3A_846 = vector.broadcast %add3A_845 : i32 to vector<16xi32>
    %add3A_847 = arith.addi %add3A_844, %add3A_846 : vector<16xi32>
    %swap3A_848 = arith.constant 4 : i32
    %swap3A_849 = arith.index_cast %swap3A_848 : i32 to index
    %swap3A_850 = arith.constant 32 : index
    %swap3A_851 = tpu.vector_load %arg10[%swap3A_849, %swap3A_850] {strides = array<i32>} : memref<10x128xi32, #tpu.memory_space<vmem>>, vector<1x16xi32>,
    %swap3A_852 = vector.shape_cast %swap3A_851 : vector<1x16xi32> to vector<16xi32>
    %swap3A_853 = vector.shape_cast %add3A_847 : vector<16xi32> to vector<1x16xi32>
    tpu.vector_store %arg10[%swap3A_849, %swap3A_850], %swap3A_853 {strides = array<i32>} : memref<10x128xi32, #tpu.memory_space<vmem>>, vector<1x16xi32>,
    %get3A_854 = arith.constant 4 : i32
    %get3A_855 = arith.index_cast %get3A_854 : i32 to index
    %get3A_856 = arith.constant 48 : index
    %get3A_857 = tpu.vector_load %arg7[%get3A_855, %get3A_856] {strides = array<i32>} : memref<10x128xi32, #tpu.memory_space<vmem>>, vector<1x16xi32>,
    %get3A_858 = vector.shape_cast %get3A_857 : vector<1x16xi32> to vector<16xi32>
    %get3A_859 = arith.constant 4 : i32
    %get3A_860 = arith.index_cast %get3A_859 : i32 to index
    %get3A_861 = arith.constant 48 : index
    %get3A_862 = tpu.vector_load %arg8[%get3A_860, %get3A_861] {strides = array<i32>} : memref<10x128xi32, #tpu.memory_space<vmem>>, vector<1x16xi32>,
    %get3A_863 = vector.shape_cast %get3A_862 : vector<1x16xi32> to vector<16xi32>
    %mul3A_864 = arith.constant 256 : i32
    %mul3A_865 = vector.broadcast %mul3A_864 : i32 to vector<16xi32>
    %mul3A_866 = arith.muli %get3A_863, %mul3A_865 : vector<16xi32>
    %add3A_867 = arith.addi %mul3A_866, %get3A_858 : vector<16xi32>
    %add3A_868 = arith.constant 0 : i32
    %add3A_869 = vector.broadcast %add3A_868 : i32 to vector<16xi32>
    %add3A_870 = arith.addi %add3A_867, %add3A_869 : vector<16xi32>
    %swap3A_871 = arith.constant 4 : i32
    %swap3A_872 = arith.index_cast %swap3A_871 : i32 to index
    %swap3A_873 = arith.constant 48 : index
    %swap3A_874 = tpu.vector_load %arg10[%swap3A_872, %swap3A_873] {strides = array<i32>} : memref<10x128xi32, #tpu.memory_space<vmem>>, vector<1x16xi32>,
    %swap3A_875 = vector.shape_cast %swap3A_874 : vector<1x16xi32> to vector<16xi32>
    %swap3A_876 = vector.shape_cast %add3A_870 : vector<16xi32> to vector<1x16xi32>
    tpu.vector_store %arg10[%swap3A_872, %swap3A_873], %swap3A_876 {strides = array<i32>} : memref<10x128xi32, #tpu.memory_space<vmem>>, vector<1x16xi32>,
    %get3A_877 = arith.constant 4 : i32
    %get3A_878 = arith.index_cast %get3A_877 : i32 to index
    %get3A_879 = arith.constant 64 : index
    %get3A_880 = tpu.vector_load %arg7[%get3A_878, %get3A_879] {strides = array<i32>} : memref<10x128xi32, #tpu.memory_space<vmem>>, vector<1x16xi32>,
    %get3A_881 = vector.shape_cast %get3A_880 : vector<1x16xi32> to vector<16xi32>
    %get3A_882 = arith.constant 4 : i32
    %get3A_883 = arith.index_cast %get3A_882 : i32 to index
    %get3A_884 = arith.constant 64 : index
    %get3A_885 = tpu.vector_load %arg8[%get3A_883, %get3A_884] {strides = array<i32>} : memref<10x128xi32, #tpu.memory_space<vmem>>, vector<1x16xi32>,
    %get3A_886 = vector.shape_cast %get3A_885 : vector<1x16xi32> to vector<16xi32>
    %mul3A_887 = arith.constant 256 : i32
    %mul3A_888 = vector.broadcast %mul3A_887 : i32 to vector<16xi32>
    %mul3A_889 = arith.muli %get3A_886, %mul3A_888 : vector<16xi32>
    %add3A_890 = arith.addi %mul3A_889, %get3A_881 : vector<16xi32>
    %add3A_891 = arith.constant 0 : i32
    %add3A_892 = vector.broadcast %add3A_891 : i32 to vector<16xi32>
    %add3A_893 = arith.addi %add3A_890, %add3A_892 : vector<16xi32>
    %swap3A_894 = arith.constant 4 : i32
    %swap3A_895 = arith.index_cast %swap3A_894 : i32 to index
    %swap3A_896 = arith.constant 64 : index
    %swap3A_897 = tpu.vector_load %arg10[%swap3A_895, %swap3A_896] {strides = array<i32>} : memref<10x128xi32, #tpu.memory_space<vmem>>, vector<1x16xi32>,
    %swap3A_898 = vector.shape_cast %swap3A_897 : vector<1x16xi32> to vector<16xi32>
    %swap3A_899 = vector.shape_cast %add3A_893 : vector<16xi32> to vector<1x16xi32>
    tpu.vector_store %arg10[%swap3A_895, %swap3A_896], %swap3A_899 {strides = array<i32>} : memref<10x128xi32, #tpu.memory_space<vmem>>, vector<1x16xi32>,
    %get3A_900 = arith.constant 4 : i32
    %get3A_901 = arith.index_cast %get3A_900 : i32 to index
    %get3A_902 = arith.constant 80 : index
    %get3A_903 = tpu.vector_load %arg7[%get3A_901, %get3A_902] {strides = array<i32>} : memref<10x128xi32, #tpu.memory_space<vmem>>, vector<1x16xi32>,
    %get3A_904 = vector.shape_cast %get3A_903 : vector<1x16xi32> to vector<16xi32>
    %get3A_905 = arith.constant 4 : i32
    %get3A_906 = arith.index_cast %get3A_905 : i32 to index
    %get3A_907 = arith.constant 80 : index
    %get3A_908 = tpu.vector_load %arg8[%get3A_906, %get3A_907] {strides = array<i32>} : memref<10x128xi32, #tpu.memory_space<vmem>>, vector<1x16xi32>,
    %get3A_909 = vector.shape_cast %get3A_908 : vector<1x16xi32> to vector<16xi32>
    %mul3A_910 = arith.constant 256 : i32
    %mul3A_911 = vector.broadcast %mul3A_910 : i32 to vector<16xi32>
    %mul3A_912 = arith.muli %get3A_909, %mul3A_911 : vector<16xi32>
    %add3A_913 = arith.addi %mul3A_912, %get3A_904 : vector<16xi32>
    %add3A_914 = arith.constant 0 : i32
    %add3A_915 = vector.broadcast %add3A_914 : i32 to vector<16xi32>
    %add3A_916 = arith.addi %add3A_913, %add3A_915 : vector<16xi32>
    %swap3A_917 = arith.constant 4 : i32
    %swap3A_918 = arith.index_cast %swap3A_917 : i32 to index
    %swap3A_919 = arith.constant 80 : index
    %swap3A_920 = tpu.vector_load %arg10[%swap3A_918, %swap3A_919] {strides = array<i32>} : memref<10x128xi32, #tpu.memory_space<vmem>>, vector<1x16xi32>,
    %swap3A_921 = vector.shape_cast %swap3A_920 : vector<1x16xi32> to vector<16xi32>
    %swap3A_922 = vector.shape_cast %add3A_916 : vector<16xi32> to vector<1x16xi32>
    tpu.vector_store %arg10[%swap3A_918, %swap3A_919], %swap3A_922 {strides = array<i32>} : memref<10x128xi32, #tpu.memory_space<vmem>>, vector<1x16xi32>,
    %get3A_923 = arith.constant 4 : i32
    %get3A_924 = arith.index_cast %get3A_923 : i32 to index
    %get3A_925 = arith.constant 96 : index
    %get3A_926 = tpu.vector_load %arg7[%get3A_924, %get3A_925] {strides = array<i32>} : memref<10x128xi32, #tpu.memory_space<vmem>>, vector<1x16xi32>,
    %get3A_927 = vector.shape_cast %get3A_926 : vector<1x16xi32> to vector<16xi32>
    %get3A_928 = arith.constant 4 : i32
    %get3A_929 = arith.index_cast %get3A_928 : i32 to index
    %get3A_930 = arith.constant 96 : index
    %get3A_931 = tpu.vector_load %arg8[%get3A_929, %get3A_930] {strides = array<i32>} : memref<10x128xi32, #tpu.memory_space<vmem>>, vector<1x16xi32>,
    %get3A_932 = vector.shape_cast %get3A_931 : vector<1x16xi32> to vector<16xi32>
    %mul3A_933 = arith.constant 256 : i32
    %mul3A_934 = vector.broadcast %mul3A_933 : i32 to vector<16xi32>
    %mul3A_935 = arith.muli %get3A_932, %mul3A_934 : vector<16xi32>
    %add3A_936 = arith.addi %mul3A_935, %get3A_927 : vector<16xi32>
    %add3A_937 = arith.constant 0 : i32
    %add3A_938 = vector.broadcast %add3A_937 : i32 to vector<16xi32>
    %add3A_939 = arith.addi %add3A_936, %add3A_938 : vector<16xi32>
    %swap3A_940 = arith.constant 4 : i32
    %swap3A_941 = arith.index_cast %swap3A_940 : i32 to index
    %swap3A_942 = arith.constant 96 : index
    %swap3A_943 = tpu.vector_load %arg10[%swap3A_941, %swap3A_942] {strides = array<i32>} : memref<10x128xi32, #tpu.memory_space<vmem>>, vector<1x16xi32>,
    %swap3A_944 = vector.shape_cast %swap3A_943 : vector<1x16xi32> to vector<16xi32>
    %swap3A_945 = vector.shape_cast %add3A_939 : vector<16xi32> to vector<1x16xi32>
    tpu.vector_store %arg10[%swap3A_941, %swap3A_942], %swap3A_945 {strides = array<i32>} : memref<10x128xi32, #tpu.memory_space<vmem>>, vector<1x16xi32>,
    %get3A_946 = arith.constant 4 : i32
    %get3A_947 = arith.index_cast %get3A_946 : i32 to index
    %get3A_948 = arith.constant 112 : index
    %get3A_949 = tpu.vector_load %arg7[%get3A_947, %get3A_948] {strides = array<i32>} : memref<10x128xi32, #tpu.memory_space<vmem>>, vector<1x16xi32>,
    %get3A_950 = vector.shape_cast %get3A_949 : vector<1x16xi32> to vector<16xi32>
    %get3A_951 = arith.constant 4 : i32
    %get3A_952 = arith.index_cast %get3A_951 : i32 to index
    %get3A_953 = arith.constant 112 : index
    %get3A_954 = tpu.vector_load %arg8[%get3A_952, %get3A_953] {strides = array<i32>} : memref<10x128xi32, #tpu.memory_space<vmem>>, vector<1x16xi32>,
    %get3A_955 = vector.shape_cast %get3A_954 : vector<1x16xi32> to vector<16xi32>
    %mul3A_956 = arith.constant 256 : i32
    %mul3A_957 = vector.broadcast %mul3A_956 : i32 to vector<16xi32>
    %mul3A_958 = arith.muli %get3A_955, %mul3A_957 : vector<16xi32>
    %add3A_959 = arith.addi %mul3A_958, %get3A_950 : vector<16xi32>
    %add3A_960 = arith.constant 0 : i32
    %add3A_961 = vector.broadcast %add3A_960 : i32 to vector<16xi32>
    %add3A_962 = arith.addi %add3A_959, %add3A_961 : vector<16xi32>
    %swap3A_963 = arith.constant 4 : i32
    %swap3A_964 = arith.index_cast %swap3A_963 : i32 to index
    %swap3A_965 = arith.constant 112 : index
    %swap3A_966 = tpu.vector_load %arg10[%swap3A_964, %swap3A_965] {strides = array<i32>} : memref<10x128xi32, #tpu.memory_space<vmem>>, vector<1x16xi32>,
    %swap3A_967 = vector.shape_cast %swap3A_966 : vector<1x16xi32> to vector<16xi32>
    %swap3A_968 = vector.shape_cast %add3A_962 : vector<16xi32> to vector<1x16xi32>
    tpu.vector_store %arg10[%swap3A_964, %swap3A_965], %swap3A_968 {strides = array<i32>} : memref<10x128xi32, #tpu.memory_space<vmem>>, vector<1x16xi32>,
    %get3A_969 = arith.constant 5 : i32
    %get3A_970 = arith.index_cast %get3A_969 : i32 to index
    %get3A_971 = arith.constant 0 : index
    %get3A_972 = tpu.vector_load %arg7[%get3A_970, %get3A_971] {strides = array<i32>} : memref<10x128xi32, #tpu.memory_space<vmem>>, vector<1x16xi32>,
    %get3A_973 = vector.shape_cast %get3A_972 : vector<1x16xi32> to vector<16xi32>
    %get3A_974 = arith.constant 5 : i32
    %get3A_975 = arith.index_cast %get3A_974 : i32 to index
    %get3A_976 = arith.constant 0 : index
    %get3A_977 = tpu.vector_load %arg8[%get3A_975, %get3A_976] {strides = array<i32>} : memref<10x128xi32, #tpu.memory_space<vmem>>, vector<1x16xi32>,
    %get3A_978 = vector.shape_cast %get3A_977 : vector<1x16xi32> to vector<16xi32>
    %mul3A_979 = arith.constant 256 : i32
    %mul3A_980 = vector.broadcast %mul3A_979 : i32 to vector<16xi32>
    %mul3A_981 = arith.muli %get3A_978, %mul3A_980 : vector<16xi32>
    %add3A_982 = arith.addi %mul3A_981, %get3A_973 : vector<16xi32>
    %add3A_983 = arith.constant 65536 : i32
    %add3A_984 = vector.broadcast %add3A_983 : i32 to vector<16xi32>
    %add3A_985 = arith.addi %add3A_982, %add3A_984 : vector<16xi32>
    %swap3A_986 = arith.constant 5 : i32
    %swap3A_987 = arith.index_cast %swap3A_986 : i32 to index
    %swap3A_988 = arith.constant 0 : index
    %swap3A_989 = tpu.vector_load %arg10[%swap3A_987, %swap3A_988] {strides = array<i32>} : memref<10x128xi32, #tpu.memory_space<vmem>>, vector<1x16xi32>,
    %swap3A_990 = vector.shape_cast %swap3A_989 : vector<1x16xi32> to vector<16xi32>
    %swap3A_991 = vector.shape_cast %add3A_985 : vector<16xi32> to vector<1x16xi32>
    tpu.vector_store %arg10[%swap3A_987, %swap3A_988], %swap3A_991 {strides = array<i32>} : memref<10x128xi32, #tpu.memory_space<vmem>>, vector<1x16xi32>,
    %get3A_992 = arith.constant 5 : i32
    %get3A_993 = arith.index_cast %get3A_992 : i32 to index
    %get3A_994 = arith.constant 16 : index
    %get3A_995 = tpu.vector_load %arg7[%get3A_993, %get3A_994] {strides = array<i32>} : memref<10x128xi32, #tpu.memory_space<vmem>>, vector<1x16xi32>,
    %get3A_996 = vector.shape_cast %get3A_995 : vector<1x16xi32> to vector<16xi32>
    %get3A_997 = arith.constant 5 : i32
    %get3A_998 = arith.index_cast %get3A_997 : i32 to index
    %get3A_999 = arith.constant 16 : index
    %get3A_1000 = tpu.vector_load %arg8[%get3A_998, %get3A_999] {strides = array<i32>} : memref<10x128xi32, #tpu.memory_space<vmem>>, vector<1x16xi32>,
    %get3A_1001 = vector.shape_cast %get3A_1000 : vector<1x16xi32> to vector<16xi32>
    %mul3A_1002 = arith.constant 256 : i32
    %mul3A_1003 = vector.broadcast %mul3A_1002 : i32 to vector<16xi32>
    %mul3A_1004 = arith.muli %get3A_1001, %mul3A_1003 : vector<16xi32>
    %add3A_1005 = arith.addi %mul3A_1004, %get3A_996 : vector<16xi32>
    %add3A_1006 = arith.constant 65536 : i32
    %add3A_1007 = vector.broadcast %add3A_1006 : i32 to vector<16xi32>
    %add3A_1008 = arith.addi %add3A_1005, %add3A_1007 : vector<16xi32>
    %swap3A_1009 = arith.constant 5 : i32
    %swap3A_1010 = arith.index_cast %swap3A_1009 : i32 to index
    %swap3A_1011 = arith.constant 16 : index
    %swap3A_1012 = tpu.vector_load %arg10[%swap3A_1010, %swap3A_1011] {strides = array<i32>} : memref<10x128xi32, #tpu.memory_space<vmem>>, vector<1x16xi32>,
    %swap3A_1013 = vector.shape_cast %swap3A_1012 : vector<1x16xi32> to vector<16xi32>
    %swap3A_1014 = vector.shape_cast %add3A_1008 : vector<16xi32> to vector<1x16xi32>
    tpu.vector_store %arg10[%swap3A_1010, %swap3A_1011], %swap3A_1014 {strides = array<i32>} : memref<10x128xi32, #tpu.memory_space<vmem>>, vector<1x16xi32>,
    %get3A_1015 = arith.constant 5 : i32
    %get3A_1016 = arith.index_cast %get3A_1015 : i32 to index
    %get3A_1017 = arith.constant 32 : index
    %get3A_1018 = tpu.vector_load %arg7[%get3A_1016, %get3A_1017] {strides = array<i32>} : memref<10x128xi32, #tpu.memory_space<vmem>>, vector<1x16xi32>,
    %get3A_1019 = vector.shape_cast %get3A_1018 : vector<1x16xi32> to vector<16xi32>
    %get3A_1020 = arith.constant 5 : i32
    %get3A_1021 = arith.index_cast %get3A_1020 : i32 to index
    %get3A_1022 = arith.constant 32 : index
    %get3A_1023 = tpu.vector_load %arg8[%get3A_1021, %get3A_1022] {strides = array<i32>} : memref<10x128xi32, #tpu.memory_space<vmem>>, vector<1x16xi32>,
    %get3A_1024 = vector.shape_cast %get3A_1023 : vector<1x16xi32> to vector<16xi32>
    %mul3A_1025 = arith.constant 256 : i32
    %mul3A_1026 = vector.broadcast %mul3A_1025 : i32 to vector<16xi32>
    %mul3A_1027 = arith.muli %get3A_1024, %mul3A_1026 : vector<16xi32>
    %add3A_1028 = arith.addi %mul3A_1027, %get3A_1019 : vector<16xi32>
    %add3A_1029 = arith.constant 65536 : i32
    %add3A_1030 = vector.broadcast %add3A_1029 : i32 to vector<16xi32>
    %add3A_1031 = arith.addi %add3A_1028, %add3A_1030 : vector<16xi32>
    %swap3A_1032 = arith.constant 5 : i32
    %swap3A_1033 = arith.index_cast %swap3A_1032 : i32 to index
    %swap3A_1034 = arith.constant 32 : index
    %swap3A_1035 = tpu.vector_load %arg10[%swap3A_1033, %swap3A_1034] {strides = array<i32>} : memref<10x128xi32, #tpu.memory_space<vmem>>, vector<1x16xi32>,
    %swap3A_1036 = vector.shape_cast %swap3A_1035 : vector<1x16xi32> to vector<16xi32>
    %swap3A_1037 = vector.shape_cast %add3A_1031 : vector<16xi32> to vector<1x16xi32>
    tpu.vector_store %arg10[%swap3A_1033, %swap3A_1034], %swap3A_1037 {strides = array<i32>} : memref<10x128xi32, #tpu.memory_space<vmem>>, vector<1x16xi32>,
    %get3A_1038 = arith.constant 5 : i32
    %get3A_1039 = arith.index_cast %get3A_1038 : i32 to index
    %get3A_1040 = arith.constant 48 : index
    %get3A_1041 = tpu.vector_load %arg7[%get3A_1039, %get3A_1040] {strides = array<i32>} : memref<10x128xi32, #tpu.memory_space<vmem>>, vector<1x16xi32>,
    %get3A_1042 = vector.shape_cast %get3A_1041 : vector<1x16xi32> to vector<16xi32>
    %get3A_1043 = arith.constant 5 : i32
    %get3A_1044 = arith.index_cast %get3A_1043 : i32 to index
    %get3A_1045 = arith.constant 48 : index
    %get3A_1046 = tpu.vector_load %arg8[%get3A_1044, %get3A_1045] {strides = array<i32>} : memref<10x128xi32, #tpu.memory_space<vmem>>, vector<1x16xi32>,
    %get3A_1047 = vector.shape_cast %get3A_1046 : vector<1x16xi32> to vector<16xi32>
    %mul3A_1048 = arith.constant 256 : i32
    %mul3A_1049 = vector.broadcast %mul3A_1048 : i32 to vector<16xi32>
    %mul3A_1050 = arith.muli %get3A_1047, %mul3A_1049 : vector<16xi32>
    %add3A_1051 = arith.addi %mul3A_1050, %get3A_1042 : vector<16xi32>
    %add3A_1052 = arith.constant 65536 : i32
    %add3A_1053 = vector.broadcast %add3A_1052 : i32 to vector<16xi32>
    %add3A_1054 = arith.addi %add3A_1051, %add3A_1053 : vector<16xi32>
    %swap3A_1055 = arith.constant 5 : i32
    %swap3A_1056 = arith.index_cast %swap3A_1055 : i32 to index
    %swap3A_1057 = arith.constant 48 : index
    %swap3A_1058 = tpu.vector_load %arg10[%swap3A_1056, %swap3A_1057] {strides = array<i32>} : memref<10x128xi32, #tpu.memory_space<vmem>>, vector<1x16xi32>,
    %swap3A_1059 = vector.shape_cast %swap3A_1058 : vector<1x16xi32> to vector<16xi32>
    %swap3A_1060 = vector.shape_cast %add3A_1054 : vector<16xi32> to vector<1x16xi32>
    tpu.vector_store %arg10[%swap3A_1056, %swap3A_1057], %swap3A_1060 {strides = array<i32>} : memref<10x128xi32, #tpu.memory_space<vmem>>, vector<1x16xi32>,
    %get3A_1061 = arith.constant 5 : i32
    %get3A_1062 = arith.index_cast %get3A_1061 : i32 to index
    %get3A_1063 = arith.constant 64 : index
    %get3A_1064 = tpu.vector_load %arg7[%get3A_1062, %get3A_1063] {strides = array<i32>} : memref<10x128xi32, #tpu.memory_space<vmem>>, vector<1x16xi32>,
    %get3A_1065 = vector.shape_cast %get3A_1064 : vector<1x16xi32> to vector<16xi32>
    %get3A_1066 = arith.constant 5 : i32
    %get3A_1067 = arith.index_cast %get3A_1066 : i32 to index
    %get3A_1068 = arith.constant 64 : index
    %get3A_1069 = tpu.vector_load %arg8[%get3A_1067, %get3A_1068] {strides = array<i32>} : memref<10x128xi32, #tpu.memory_space<vmem>>, vector<1x16xi32>,
    %get3A_1070 = vector.shape_cast %get3A_1069 : vector<1x16xi32> to vector<16xi32>
    %mul3A_1071 = arith.constant 256 : i32
    %mul3A_1072 = vector.broadcast %mul3A_1071 : i32 to vector<16xi32>
    %mul3A_1073 = arith.muli %get3A_1070, %mul3A_1072 : vector<16xi32>
    %add3A_1074 = arith.addi %mul3A_1073, %get3A_1065 : vector<16xi32>
    %add3A_1075 = arith.constant 65536 : i32
    %add3A_1076 = vector.broadcast %add3A_1075 : i32 to vector<16xi32>
    %add3A_1077 = arith.addi %add3A_1074, %add3A_1076 : vector<16xi32>
    %swap3A_1078 = arith.constant 5 : i32
    %swap3A_1079 = arith.index_cast %swap3A_1078 : i32 to index
    %swap3A_1080 = arith.constant 64 : index
    %swap3A_1081 = tpu.vector_load %arg10[%swap3A_1079, %swap3A_1080] {strides = array<i32>} : memref<10x128xi32, #tpu.memory_space<vmem>>, vector<1x16xi32>,
    %swap3A_1082 = vector.shape_cast %swap3A_1081 : vector<1x16xi32> to vector<16xi32>
    %swap3A_1083 = vector.shape_cast %add3A_1077 : vector<16xi32> to vector<1x16xi32>
    tpu.vector_store %arg10[%swap3A_1079, %swap3A_1080], %swap3A_1083 {strides = array<i32>} : memref<10x128xi32, #tpu.memory_space<vmem>>, vector<1x16xi32>,
    %get3A_1084 = arith.constant 5 : i32
    %get3A_1085 = arith.index_cast %get3A_1084 : i32 to index
    %get3A_1086 = arith.constant 80 : index
    %get3A_1087 = tpu.vector_load %arg7[%get3A_1085, %get3A_1086] {strides = array<i32>} : memref<10x128xi32, #tpu.memory_space<vmem>>, vector<1x16xi32>,
    %get3A_1088 = vector.shape_cast %get3A_1087 : vector<1x16xi32> to vector<16xi32>
    %get3A_1089 = arith.constant 5 : i32
    %get3A_1090 = arith.index_cast %get3A_1089 : i32 to index
    %get3A_1091 = arith.constant 80 : index
    %get3A_1092 = tpu.vector_load %arg8[%get3A_1090, %get3A_1091] {strides = array<i32>} : memref<10x128xi32, #tpu.memory_space<vmem>>, vector<1x16xi32>,
    %get3A_1093 = vector.shape_cast %get3A_1092 : vector<1x16xi32> to vector<16xi32>
    %mul3A_1094 = arith.constant 256 : i32
    %mul3A_1095 = vector.broadcast %mul3A_1094 : i32 to vector<16xi32>
    %mul3A_1096 = arith.muli %get3A_1093, %mul3A_1095 : vector<16xi32>
    %add3A_1097 = arith.addi %mul3A_1096, %get3A_1088 : vector<16xi32>
    %add3A_1098 = arith.constant 65536 : i32
    %add3A_1099 = vector.broadcast %add3A_1098 : i32 to vector<16xi32>
    %add3A_1100 = arith.addi %add3A_1097, %add3A_1099 : vector<16xi32>
    %swap3A_1101 = arith.constant 5 : i32
    %swap3A_1102 = arith.index_cast %swap3A_1101 : i32 to index
    %swap3A_1103 = arith.constant 80 : index
    %swap3A_1104 = tpu.vector_load %arg10[%swap3A_1102, %swap3A_1103] {strides = array<i32>} : memref<10x128xi32, #tpu.memory_space<vmem>>, vector<1x16xi32>,
    %swap3A_1105 = vector.shape_cast %swap3A_1104 : vector<1x16xi32> to vector<16xi32>
    %swap3A_1106 = vector.shape_cast %add3A_1100 : vector<16xi32> to vector<1x16xi32>
    tpu.vector_store %arg10[%swap3A_1102, %swap3A_1103], %swap3A_1106 {strides = array<i32>} : memref<10x128xi32, #tpu.memory_space<vmem>>, vector<1x16xi32>,
    %get3A_1107 = arith.constant 5 : i32
    %get3A_1108 = arith.index_cast %get3A_1107 : i32 to index
    %get3A_1109 = arith.constant 96 : index
    %get3A_1110 = tpu.vector_load %arg7[%get3A_1108, %get3A_1109] {strides = array<i32>} : memref<10x128xi32, #tpu.memory_space<vmem>>, vector<1x16xi32>,
    %get3A_1111 = vector.shape_cast %get3A_1110 : vector<1x16xi32> to vector<16xi32>
    %get3A_1112 = arith.constant 5 : i32
    %get3A_1113 = arith.index_cast %get3A_1112 : i32 to index
    %get3A_1114 = arith.constant 96 : index
    %get3A_1115 = tpu.vector_load %arg8[%get3A_1113, %get3A_1114] {strides = array<i32>} : memref<10x128xi32, #tpu.memory_space<vmem>>, vector<1x16xi32>,
    %get3A_1116 = vector.shape_cast %get3A_1115 : vector<1x16xi32> to vector<16xi32>
    %mul3A_1117 = arith.constant 256 : i32
    %mul3A_1118 = vector.broadcast %mul3A_1117 : i32 to vector<16xi32>
    %mul3A_1119 = arith.muli %get3A_1116, %mul3A_1118 : vector<16xi32>
    %add3A_1120 = arith.addi %mul3A_1119, %get3A_1111 : vector<16xi32>
    %add3A_1121 = arith.constant 65536 : i32
    %add3A_1122 = vector.broadcast %add3A_1121 : i32 to vector<16xi32>
    %add3A_1123 = arith.addi %add3A_1120, %add3A_1122 : vector<16xi32>
    %swap3A_1124 = arith.constant 5 : i32
    %swap3A_1125 = arith.index_cast %swap3A_1124 : i32 to index
    %swap3A_1126 = arith.constant 96 : index
    %swap3A_1127 = tpu.vector_load %arg10[%swap3A_1125, %swap3A_1126] {strides = array<i32>} : memref<10x128xi32, #tpu.memory_space<vmem>>, vector<1x16xi32>,
    %swap3A_1128 = vector.shape_cast %swap3A_1127 : vector<1x16xi32> to vector<16xi32>
    %swap3A_1129 = vector.shape_cast %add3A_1123 : vector<16xi32> to vector<1x16xi32>
    tpu.vector_store %arg10[%swap3A_1125, %swap3A_1126], %swap3A_1129 {strides = array<i32>} : memref<10x128xi32, #tpu.memory_space<vmem>>, vector<1x16xi32>,
    %get3A_1130 = arith.constant 5 : i32
    %get3A_1131 = arith.index_cast %get3A_1130 : i32 to index
    %get3A_1132 = arith.constant 112 : index
    %get3A_1133 = tpu.vector_load %arg7[%get3A_1131, %get3A_1132] {strides = array<i32>} : memref<10x128xi32, #tpu.memory_space<vmem>>, vector<1x16xi32>,
    %get3A_1134 = vector.shape_cast %get3A_1133 : vector<1x16xi32> to vector<16xi32>
    %get3A_1135 = arith.constant 5 : i32
    %get3A_1136 = arith.index_cast %get3A_1135 : i32 to index
    %get3A_1137 = arith.constant 112 : index
    %get3A_1138 = tpu.vector_load %arg8[%get3A_1136, %get3A_1137] {strides = array<i32>} : memref<10x128xi32, #tpu.memory_space<vmem>>, vector<1x16xi32>,
    %get3A_1139 = vector.shape_cast %get3A_1138 : vector<1x16xi32> to vector<16xi32>
    %mul3A_1140 = arith.constant 256 : i32
    %mul3A_1141 = vector.broadcast %mul3A_1140 : i32 to vector<16xi32>
    %mul3A_1142 = arith.muli %get3A_1139, %mul3A_1141 : vector<16xi32>
    %add3A_1143 = arith.addi %mul3A_1142, %get3A_1134 : vector<16xi32>
    %add3A_1144 = arith.constant 65536 : i32
    %add3A_1145 = vector.broadcast %add3A_1144 : i32 to vector<16xi32>
    %add3A_1146 = arith.addi %add3A_1143, %add3A_1145 : vector<16xi32>
    %swap3A_1147 = arith.constant 5 : i32
    %swap3A_1148 = arith.index_cast %swap3A_1147 : i32 to index
    %swap3A_1149 = arith.constant 112 : index
    %swap3A_1150 = tpu.vector_load %arg10[%swap3A_1148, %swap3A_1149] {strides = array<i32>} : memref<10x128xi32, #tpu.memory_space<vmem>>, vector<1x16xi32>,
    %swap3A_1151 = vector.shape_cast %swap3A_1150 : vector<1x16xi32> to vector<16xi32>
    %swap3A_1152 = vector.shape_cast %add3A_1146 : vector<16xi32> to vector<1x16xi32>
    tpu.vector_store %arg10[%swap3A_1148, %swap3A_1149], %swap3A_1152 {strides = array<i32>} : memref<10x128xi32, #tpu.memory_space<vmem>>, vector<1x16xi32>,
    %get3A_1153 = arith.constant 6 : i32
    %get3A_1154 = arith.index_cast %get3A_1153 : i32 to index
    %get3A_1155 = arith.constant 0 : index
    %get3A_1156 = tpu.vector_load %arg7[%get3A_1154, %get3A_1155] {strides = array<i32>} : memref<10x128xi32, #tpu.memory_space<vmem>>, vector<1x16xi32>,
    %get3A_1157 = vector.shape_cast %get3A_1156 : vector<1x16xi32> to vector<16xi32>
    %get3A_1158 = arith.constant 6 : i32
    %get3A_1159 = arith.index_cast %get3A_1158 : i32 to index
    %get3A_1160 = arith.constant 0 : index
    %get3A_1161 = tpu.vector_load %arg8[%get3A_1159, %get3A_1160] {strides = array<i32>} : memref<10x128xi32, #tpu.memory_space<vmem>>, vector<1x16xi32>,
    %get3A_1162 = vector.shape_cast %get3A_1161 : vector<1x16xi32> to vector<16xi32>
    %mul3A_1163 = arith.constant 256 : i32
    %mul3A_1164 = vector.broadcast %mul3A_1163 : i32 to vector<16xi32>
    %mul3A_1165 = arith.muli %get3A_1162, %mul3A_1164 : vector<16xi32>
    %add3A_1166 = arith.addi %mul3A_1165, %get3A_1157 : vector<16xi32>
    %add3A_1167 = arith.constant 65536 : i32
    %add3A_1168 = vector.broadcast %add3A_1167 : i32 to vector<16xi32>
    %add3A_1169 = arith.addi %add3A_1166, %add3A_1168 : vector<16xi32>
    %swap3A_1170 = arith.constant 6 : i32
    %swap3A_1171 = arith.index_cast %swap3A_1170 : i32 to index
    %swap3A_1172 = arith.constant 0 : index
    %swap3A_1173 = tpu.vector_load %arg10[%swap3A_1171, %swap3A_1172] {strides = array<i32>} : memref<10x128xi32, #tpu.memory_space<vmem>>, vector<1x16xi32>,
    %swap3A_1174 = vector.shape_cast %swap3A_1173 : vector<1x16xi32> to vector<16xi32>
    %swap3A_1175 = vector.shape_cast %add3A_1169 : vector<16xi32> to vector<1x16xi32>
    tpu.vector_store %arg10[%swap3A_1171, %swap3A_1172], %swap3A_1175 {strides = array<i32>} : memref<10x128xi32, #tpu.memory_space<vmem>>, vector<1x16xi32>,
    %get3A_1176 = arith.constant 6 : i32
    %get3A_1177 = arith.index_cast %get3A_1176 : i32 to index
    %get3A_1178 = arith.constant 16 : index
    %get3A_1179 = tpu.vector_load %arg7[%get3A_1177, %get3A_1178] {strides = array<i32>} : memref<10x128xi32, #tpu.memory_space<vmem>>, vector<1x16xi32>,
    %get3A_1180 = vector.shape_cast %get3A_1179 : vector<1x16xi32> to vector<16xi32>
    %get3A_1181 = arith.constant 6 : i32
    %get3A_1182 = arith.index_cast %get3A_1181 : i32 to index
    %get3A_1183 = arith.constant 16 : index
    %get3A_1184 = tpu.vector_load %arg8[%get3A_1182, %get3A_1183] {strides = array<i32>} : memref<10x128xi32, #tpu.memory_space<vmem>>, vector<1x16xi32>,
    %get3A_1185 = vector.shape_cast %get3A_1184 : vector<1x16xi32> to vector<16xi32>
    %mul3A_1186 = arith.constant 256 : i32
    %mul3A_1187 = vector.broadcast %mul3A_1186 : i32 to vector<16xi32>
    %mul3A_1188 = arith.muli %get3A_1185, %mul3A_1187 : vector<16xi32>
    %add3A_1189 = arith.addi %mul3A_1188, %get3A_1180 : vector<16xi32>
    %add3A_1190 = arith.constant 65536 : i32
    %add3A_1191 = vector.broadcast %add3A_1190 : i32 to vector<16xi32>
    %add3A_1192 = arith.addi %add3A_1189, %add3A_1191 : vector<16xi32>
    %swap3A_1193 = arith.constant 6 : i32
    %swap3A_1194 = arith.index_cast %swap3A_1193 : i32 to index
    %swap3A_1195 = arith.constant 16 : index
    %swap3A_1196 = tpu.vector_load %arg10[%swap3A_1194, %swap3A_1195] {strides = array<i32>} : memref<10x128xi32, #tpu.memory_space<vmem>>, vector<1x16xi32>,
    %swap3A_1197 = vector.shape_cast %swap3A_1196 : vector<1x16xi32> to vector<16xi32>
    %swap3A_1198 = vector.shape_cast %add3A_1192 : vector<16xi32> to vector<1x16xi32>
    tpu.vector_store %arg10[%swap3A_1194, %swap3A_1195], %swap3A_1198 {strides = array<i32>} : memref<10x128xi32, #tpu.memory_space<vmem>>, vector<1x16xi32>,
    %get3A_1199 = arith.constant 6 : i32
    %get3A_1200 = arith.index_cast %get3A_1199 : i32 to index
    %get3A_1201 = arith.constant 32 : index
    %get3A_1202 = tpu.vector_load %arg7[%get3A_1200, %get3A_1201] {strides = array<i32>} : memref<10x128xi32, #tpu.memory_space<vmem>>, vector<1x16xi32>,
    %get3A_1203 = vector.shape_cast %get3A_1202 : vector<1x16xi32> to vector<16xi32>
    %get3A_1204 = arith.constant 6 : i32
    %get3A_1205 = arith.index_cast %get3A_1204 : i32 to index
    %get3A_1206 = arith.constant 32 : index
    %get3A_1207 = tpu.vector_load %arg8[%get3A_1205, %get3A_1206] {strides = array<i32>} : memref<10x128xi32, #tpu.memory_space<vmem>>, vector<1x16xi32>,
    %get3A_1208 = vector.shape_cast %get3A_1207 : vector<1x16xi32> to vector<16xi32>
    %mul3A_1209 = arith.constant 256 : i32
    %mul3A_1210 = vector.broadcast %mul3A_1209 : i32 to vector<16xi32>
    %mul3A_1211 = arith.muli %get3A_1208, %mul3A_1210 : vector<16xi32>
    %add3A_1212 = arith.addi %mul3A_1211, %get3A_1203 : vector<16xi32>
    %add3A_1213 = arith.constant 65536 : i32
    %add3A_1214 = vector.broadcast %add3A_1213 : i32 to vector<16xi32>
    %add3A_1215 = arith.addi %add3A_1212, %add3A_1214 : vector<16xi32>
    %swap3A_1216 = arith.constant 6 : i32
    %swap3A_1217 = arith.index_cast %swap3A_1216 : i32 to index
    %swap3A_1218 = arith.constant 32 : index
    %swap3A_1219 = tpu.vector_load %arg10[%swap3A_1217, %swap3A_1218] {strides = array<i32>} : memref<10x128xi32, #tpu.memory_space<vmem>>, vector<1x16xi32>,
    %swap3A_1220 = vector.shape_cast %swap3A_1219 : vector<1x16xi32> to vector<16xi32>
    %swap3A_1221 = vector.shape_cast %add3A_1215 : vector<16xi32> to vector<1x16xi32>
    tpu.vector_store %arg10[%swap3A_1217, %swap3A_1218], %swap3A_1221 {strides = array<i32>} : memref<10x128xi32, #tpu.memory_space<vmem>>, vector<1x16xi32>,
    %get3A_1222 = arith.constant 6 : i32
    %get3A_1223 = arith.index_cast %get3A_1222 : i32 to index
    %get3A_1224 = arith.constant 48 : index
    %get3A_1225 = tpu.vector_load %arg7[%get3A_1223, %get3A_1224] {strides = array<i32>} : memref<10x128xi32, #tpu.memory_space<vmem>>, vector<1x16xi32>,
    %get3A_1226 = vector.shape_cast %get3A_1225 : vector<1x16xi32> to vector<16xi32>
    %get3A_1227 = arith.constant 6 : i32
    %get3A_1228 = arith.index_cast %get3A_1227 : i32 to index
    %get3A_1229 = arith.constant 48 : index
    %get3A_1230 = tpu.vector_load %arg8[%get3A_1228, %get3A_1229] {strides = array<i32>} : memref<10x128xi32, #tpu.memory_space<vmem>>, vector<1x16xi32>,
    %get3A_1231 = vector.shape_cast %get3A_1230 : vector<1x16xi32> to vector<16xi32>
    %mul3A_1232 = arith.constant 256 : i32
    %mul3A_1233 = vector.broadcast %mul3A_1232 : i32 to vector<16xi32>
    %mul3A_1234 = arith.muli %get3A_1231, %mul3A_1233 : vector<16xi32>
    %add3A_1235 = arith.addi %mul3A_1234, %get3A_1226 : vector<16xi32>
    %add3A_1236 = arith.constant 65536 : i32
    %add3A_1237 = vector.broadcast %add3A_1236 : i32 to vector<16xi32>
    %add3A_1238 = arith.addi %add3A_1235, %add3A_1237 : vector<16xi32>
    %swap3A_1239 = arith.constant 6 : i32
    %swap3A_1240 = arith.index_cast %swap3A_1239 : i32 to index
    %swap3A_1241 = arith.constant 48 : index
    %swap3A_1242 = tpu.vector_load %arg10[%swap3A_1240, %swap3A_1241] {strides = array<i32>} : memref<10x128xi32, #tpu.memory_space<vmem>>, vector<1x16xi32>,
    %swap3A_1243 = vector.shape_cast %swap3A_1242 : vector<1x16xi32> to vector<16xi32>
    %swap3A_1244 = vector.shape_cast %add3A_1238 : vector<16xi32> to vector<1x16xi32>
    tpu.vector_store %arg10[%swap3A_1240, %swap3A_1241], %swap3A_1244 {strides = array<i32>} : memref<10x128xi32, #tpu.memory_space<vmem>>, vector<1x16xi32>,
    %get3A_1245 = arith.constant 6 : i32
    %get3A_1246 = arith.index_cast %get3A_1245 : i32 to index
    %get3A_1247 = arith.constant 64 : index
    %get3A_1248 = tpu.vector_load %arg7[%get3A_1246, %get3A_1247] {strides = array<i32>} : memref<10x128xi32, #tpu.memory_space<vmem>>, vector<1x16xi32>,
    %get3A_1249 = vector.shape_cast %get3A_1248 : vector<1x16xi32> to vector<16xi32>
    %get3A_1250 = arith.constant 6 : i32
    %get3A_1251 = arith.index_cast %get3A_1250 : i32 to index
    %get3A_1252 = arith.constant 64 : index
    %get3A_1253 = tpu.vector_load %arg8[%get3A_1251, %get3A_1252] {strides = array<i32>} : memref<10x128xi32, #tpu.memory_space<vmem>>, vector<1x16xi32>,
    %get3A_1254 = vector.shape_cast %get3A_1253 : vector<1x16xi32> to vector<16xi32>
    %mul3A_1255 = arith.constant 256 : i32
    %mul3A_1256 = vector.broadcast %mul3A_1255 : i32 to vector<16xi32>
    %mul3A_1257 = arith.muli %get3A_1254, %mul3A_1256 : vector<16xi32>
    %add3A_1258 = arith.addi %mul3A_1257, %get3A_1249 : vector<16xi32>
    %add3A_1259 = arith.constant 65536 : i32
    %add3A_1260 = vector.broadcast %add3A_1259 : i32 to vector<16xi32>
    %add3A_1261 = arith.addi %add3A_1258, %add3A_1260 : vector<16xi32>
    %swap3A_1262 = arith.constant 6 : i32
    %swap3A_1263 = arith.index_cast %swap3A_1262 : i32 to index
    %swap3A_1264 = arith.constant 64 : index
    %swap3A_1265 = tpu.vector_load %arg10[%swap3A_1263, %swap3A_1264] {strides = array<i32>} : memref<10x128xi32, #tpu.memory_space<vmem>>, vector<1x16xi32>,
    %swap3A_1266 = vector.shape_cast %swap3A_1265 : vector<1x16xi32> to vector<16xi32>
    %swap3A_1267 = vector.shape_cast %add3A_1261 : vector<16xi32> to vector<1x16xi32>
    tpu.vector_store %arg10[%swap3A_1263, %swap3A_1264], %swap3A_1267 {strides = array<i32>} : memref<10x128xi32, #tpu.memory_space<vmem>>, vector<1x16xi32>,
    %get3A_1268 = arith.constant 6 : i32
    %get3A_1269 = arith.index_cast %get3A_1268 : i32 to index
    %get3A_1270 = arith.constant 80 : index
    %get3A_1271 = tpu.vector_load %arg7[%get3A_1269, %get3A_1270] {strides = array<i32>} : memref<10x128xi32, #tpu.memory_space<vmem>>, vector<1x16xi32>,
    %get3A_1272 = vector.shape_cast %get3A_1271 : vector<1x16xi32> to vector<16xi32>
    %get3A_1273 = arith.constant 6 : i32
    %get3A_1274 = arith.index_cast %get3A_1273 : i32 to index
    %get3A_1275 = arith.constant 80 : index
    %get3A_1276 = tpu.vector_load %arg8[%get3A_1274, %get3A_1275] {strides = array<i32>} : memref<10x128xi32, #tpu.memory_space<vmem>>, vector<1x16xi32>,
    %get3A_1277 = vector.shape_cast %get3A_1276 : vector<1x16xi32> to vector<16xi32>
    %mul3A_1278 = arith.constant 256 : i32
    %mul3A_1279 = vector.broadcast %mul3A_1278 : i32 to vector<16xi32>
    %mul3A_1280 = arith.muli %get3A_1277, %mul3A_1279 : vector<16xi32>
    %add3A_1281 = arith.addi %mul3A_1280, %get3A_1272 : vector<16xi32>
    %add3A_1282 = arith.constant 65536 : i32
    %add3A_1283 = vector.broadcast %add3A_1282 : i32 to vector<16xi32>
    %add3A_1284 = arith.addi %add3A_1281, %add3A_1283 : vector<16xi32>
    %swap3A_1285 = arith.constant 6 : i32
    %swap3A_1286 = arith.index_cast %swap3A_1285 : i32 to index
    %swap3A_1287 = arith.constant 80 : index
    %swap3A_1288 = tpu.vector_load %arg10[%swap3A_1286, %swap3A_1287] {strides = array<i32>} : memref<10x128xi32, #tpu.memory_space<vmem>>, vector<1x16xi32>,
    %swap3A_1289 = vector.shape_cast %swap3A_1288 : vector<1x16xi32> to vector<16xi32>
    %swap3A_1290 = vector.shape_cast %add3A_1284 : vector<16xi32> to vector<1x16xi32>
    tpu.vector_store %arg10[%swap3A_1286, %swap3A_1287], %swap3A_1290 {strides = array<i32>} : memref<10x128xi32, #tpu.memory_space<vmem>>, vector<1x16xi32>,
    %get3A_1291 = arith.constant 6 : i32
    %get3A_1292 = arith.index_cast %get3A_1291 : i32 to index
    %get3A_1293 = arith.constant 96 : index
    %get3A_1294 = tpu.vector_load %arg7[%get3A_1292, %get3A_1293] {strides = array<i32>} : memref<10x128xi32, #tpu.memory_space<vmem>>, vector<1x16xi32>,
    %get3A_1295 = vector.shape_cast %get3A_1294 : vector<1x16xi32> to vector<16xi32>
    %get3A_1296 = arith.constant 6 : i32
    %get3A_1297 = arith.index_cast %get3A_1296 : i32 to index
    %get3A_1298 = arith.constant 96 : index
    %get3A_1299 = tpu.vector_load %arg8[%get3A_1297, %get3A_1298] {strides = array<i32>} : memref<10x128xi32, #tpu.memory_space<vmem>>, vector<1x16xi32>,
    %get3A_1300 = vector.shape_cast %get3A_1299 : vector<1x16xi32> to vector<16xi32>
    %mul3A_1301 = arith.constant 256 : i32
    %mul3A_1302 = vector.broadcast %mul3A_1301 : i32 to vector<16xi32>
    %mul3A_1303 = arith.muli %get3A_1300, %mul3A_1302 : vector<16xi32>
    %add3A_1304 = arith.addi %mul3A_1303, %get3A_1295 : vector<16xi32>
    %add3A_1305 = arith.constant 65536 : i32
    %add3A_1306 = vector.broadcast %add3A_1305 : i32 to vector<16xi32>
    %add3A_1307 = arith.addi %add3A_1304, %add3A_1306 : vector<16xi32>
    %swap3A_1308 = arith.constant 6 : i32
    %swap3A_1309 = arith.index_cast %swap3A_1308 : i32 to index
    %swap3A_1310 = arith.constant 96 : index
    %swap3A_1311 = tpu.vector_load %arg10[%swap3A_1309, %swap3A_1310] {strides = array<i32>} : memref<10x128xi32, #tpu.memory_space<vmem>>, vector<1x16xi32>,
    %swap3A_1312 = vector.shape_cast %swap3A_1311 : vector<1x16xi32> to vector<16xi32>
    %swap3A_1313 = vector.shape_cast %add3A_1307 : vector<16xi32> to vector<1x16xi32>
    tpu.vector_store %arg10[%swap3A_1309, %swap3A_1310], %swap3A_1313 {strides = array<i32>} : memref<10x128xi32, #tpu.memory_space<vmem>>, vector<1x16xi32>,
    %get3A_1314 = arith.constant 6 : i32
    %get3A_1315 = arith.index_cast %get3A_1314 : i32 to index
    %get3A_1316 = arith.constant 112 : index
    %get3A_1317 = tpu.vector_load %arg7[%get3A_1315, %get3A_1316] {strides = array<i32>} : memref<10x128xi32, #tpu.memory_space<vmem>>, vector<1x16xi32>,
    %get3A_1318 = vector.shape_cast %get3A_1317 : vector<1x16xi32> to vector<16xi32>
    %get3A_1319 = arith.constant 6 : i32
    %get3A_1320 = arith.index_cast %get3A_1319 : i32 to index
    %get3A_1321 = arith.constant 112 : index
    %get3A_1322 = tpu.vector_load %arg8[%get3A_1320, %get3A_1321] {strides = array<i32>} : memref<10x128xi32, #tpu.memory_space<vmem>>, vector<1x16xi32>,
    %get3A_1323 = vector.shape_cast %get3A_1322 : vector<1x16xi32> to vector<16xi32>
    %mul3A_1324 = arith.constant 256 : i32
    %mul3A_1325 = vector.broadcast %mul3A_1324 : i32 to vector<16xi32>
    %mul3A_1326 = arith.muli %get3A_1323, %mul3A_1325 : vector<16xi32>
    %add3A_1327 = arith.addi %mul3A_1326, %get3A_1318 : vector<16xi32>
    %add3A_1328 = arith.constant 65536 : i32
    %add3A_1329 = vector.broadcast %add3A_1328 : i32 to vector<16xi32>
    %add3A_1330 = arith.addi %add3A_1327, %add3A_1329 : vector<16xi32>
    %swap3A_1331 = arith.constant 6 : i32
    %swap3A_1332 = arith.index_cast %swap3A_1331 : i32 to index
    %swap3A_1333 = arith.constant 112 : index
    %swap3A_1334 = tpu.vector_load %arg10[%swap3A_1332, %swap3A_1333] {strides = array<i32>} : memref<10x128xi32, #tpu.memory_space<vmem>>, vector<1x16xi32>,
    %swap3A_1335 = vector.shape_cast %swap3A_1334 : vector<1x16xi32> to vector<16xi32>
    %swap3A_1336 = vector.shape_cast %add3A_1330 : vector<16xi32> to vector<1x16xi32>
    tpu.vector_store %arg10[%swap3A_1332, %swap3A_1333], %swap3A_1336 {strides = array<i32>} : memref<10x128xi32, #tpu.memory_space<vmem>>, vector<1x16xi32>,
    %get3A_1337 = arith.constant 7 : i32
    %get3A_1338 = arith.index_cast %get3A_1337 : i32 to index
    %get3A_1339 = arith.constant 0 : index
    %get3A_1340 = tpu.vector_load %arg7[%get3A_1338, %get3A_1339] {strides = array<i32>} : memref<10x128xi32, #tpu.memory_space<vmem>>, vector<1x16xi32>,
    %get3A_1341 = vector.shape_cast %get3A_1340 : vector<1x16xi32> to vector<16xi32>
    %get3A_1342 = arith.constant 7 : i32
    %get3A_1343 = arith.index_cast %get3A_1342 : i32 to index
    %get3A_1344 = arith.constant 0 : index
    %get3A_1345 = tpu.vector_load %arg8[%get3A_1343, %get3A_1344] {strides = array<i32>} : memref<10x128xi32, #tpu.memory_space<vmem>>, vector<1x16xi32>,
    %get3A_1346 = vector.shape_cast %get3A_1345 : vector<1x16xi32> to vector<16xi32>
    %mul3A_1347 = arith.constant 256 : i32
    %mul3A_1348 = vector.broadcast %mul3A_1347 : i32 to vector<16xi32>
    %mul3A_1349 = arith.muli %get3A_1346, %mul3A_1348 : vector<16xi32>
    %add3A_1350 = arith.addi %mul3A_1349, %get3A_1341 : vector<16xi32>
    %add3A_1351 = arith.constant 65536 : i32
    %add3A_1352 = vector.broadcast %add3A_1351 : i32 to vector<16xi32>
    %add3A_1353 = arith.addi %add3A_1350, %add3A_1352 : vector<16xi32>
    %swap3A_1354 = arith.constant 7 : i32
    %swap3A_1355 = arith.index_cast %swap3A_1354 : i32 to index
    %swap3A_1356 = arith.constant 0 : index
    %swap3A_1357 = tpu.vector_load %arg10[%swap3A_1355, %swap3A_1356] {strides = array<i32>} : memref<10x128xi32, #tpu.memory_space<vmem>>, vector<1x16xi32>,
    %swap3A_1358 = vector.shape_cast %swap3A_1357 : vector<1x16xi32> to vector<16xi32>
    %swap3A_1359 = vector.shape_cast %add3A_1353 : vector<16xi32> to vector<1x16xi32>
    tpu.vector_store %arg10[%swap3A_1355, %swap3A_1356], %swap3A_1359 {strides = array<i32>} : memref<10x128xi32, #tpu.memory_space<vmem>>, vector<1x16xi32>,
    %get3A_1360 = arith.constant 7 : i32
    %get3A_1361 = arith.index_cast %get3A_1360 : i32 to index
    %get3A_1362 = arith.constant 16 : index
    %get3A_1363 = tpu.vector_load %arg7[%get3A_1361, %get3A_1362] {strides = array<i32>} : memref<10x128xi32, #tpu.memory_space<vmem>>, vector<1x16xi32>,
    %get3A_1364 = vector.shape_cast %get3A_1363 : vector<1x16xi32> to vector<16xi32>
    %get3A_1365 = arith.constant 7 : i32
    %get3A_1366 = arith.index_cast %get3A_1365 : i32 to index
    %get3A_1367 = arith.constant 16 : index
    %get3A_1368 = tpu.vector_load %arg8[%get3A_1366, %get3A_1367] {strides = array<i32>} : memref<10x128xi32, #tpu.memory_space<vmem>>, vector<1x16xi32>,
    %get3A_1369 = vector.shape_cast %get3A_1368 : vector<1x16xi32> to vector<16xi32>
    %mul3A_1370 = arith.constant 256 : i32
    %mul3A_1371 = vector.broadcast %mul3A_1370 : i32 to vector<16xi32>
    %mul3A_1372 = arith.muli %get3A_1369, %mul3A_1371 : vector<16xi32>
    %add3A_1373 = arith.addi %mul3A_1372, %get3A_1364 : vector<16xi32>
    %add3A_1374 = arith.constant 65536 : i32
    %add3A_1375 = vector.broadcast %add3A_1374 : i32 to vector<16xi32>
    %add3A_1376 = arith.addi %add3A_1373, %add3A_1375 : vector<16xi32>
    %swap3A_1377 = arith.constant 7 : i32
    %swap3A_1378 = arith.index_cast %swap3A_1377 : i32 to index
    %swap3A_1379 = arith.constant 16 : index
    %swap3A_1380 = tpu.vector_load %arg10[%swap3A_1378, %swap3A_1379] {strides = array<i32>} : memref<10x128xi32, #tpu.memory_space<vmem>>, vector<1x16xi32>,
    %swap3A_1381 = vector.shape_cast %swap3A_1380 : vector<1x16xi32> to vector<16xi32>
    %swap3A_1382 = vector.shape_cast %add3A_1376 : vector<16xi32> to vector<1x16xi32>
    tpu.vector_store %arg10[%swap3A_1378, %swap3A_1379], %swap3A_1382 {strides = array<i32>} : memref<10x128xi32, #tpu.memory_space<vmem>>, vector<1x16xi32>,
    %get3A_1383 = arith.constant 7 : i32
    %get3A_1384 = arith.index_cast %get3A_1383 : i32 to index
    %get3A_1385 = arith.constant 32 : index
    %get3A_1386 = tpu.vector_load %arg7[%get3A_1384, %get3A_1385] {strides = array<i32>} : memref<10x128xi32, #tpu.memory_space<vmem>>, vector<1x16xi32>,
    %get3A_1387 = vector.shape_cast %get3A_1386 : vector<1x16xi32> to vector<16xi32>
    %get3A_1388 = arith.constant 7 : i32
    %get3A_1389 = arith.index_cast %get3A_1388 : i32 to index
    %get3A_1390 = arith.constant 32 : index
    %get3A_1391 = tpu.vector_load %arg8[%get3A_1389, %get3A_1390] {strides = array<i32>} : memref<10x128xi32, #tpu.memory_space<vmem>>, vector<1x16xi32>,
    %get3A_1392 = vector.shape_cast %get3A_1391 : vector<1x16xi32> to vector<16xi32>
    %mul3A_1393 = arith.constant 256 : i32
    %mul3A_1394 = vector.broadcast %mul3A_1393 : i32 to vector<16xi32>
    %mul3A_1395 = arith.muli %get3A_1392, %mul3A_1394 : vector<16xi32>
    %add3A_1396 = arith.addi %mul3A_1395, %get3A_1387 : vector<16xi32>
    %add3A_1397 = arith.constant 65536 : i32
    %add3A_1398 = vector.broadcast %add3A_1397 : i32 to vector<16xi32>
    %add3A_1399 = arith.addi %add3A_1396, %add3A_1398 : vector<16xi32>
    %swap3A_1400 = arith.constant 7 : i32
    %swap3A_1401 = arith.index_cast %swap3A_1400 : i32 to index
    %swap3A_1402 = arith.constant 32 : index
    %swap3A_1403 = tpu.vector_load %arg10[%swap3A_1401, %swap3A_1402] {strides = array<i32>} : memref<10x128xi32, #tpu.memory_space<vmem>>, vector<1x16xi32>,
    %swap3A_1404 = vector.shape_cast %swap3A_1403 : vector<1x16xi32> to vector<16xi32>
    %swap3A_1405 = vector.shape_cast %add3A_1399 : vector<16xi32> to vector<1x16xi32>
    tpu.vector_store %arg10[%swap3A_1401, %swap3A_1402], %swap3A_1405 {strides = array<i32>} : memref<10x128xi32, #tpu.memory_space<vmem>>, vector<1x16xi32>,
    %get3A_1406 = arith.constant 7 : i32
    %get3A_1407 = arith.index_cast %get3A_1406 : i32 to index
    %get3A_1408 = arith.constant 48 : index
    %get3A_1409 = tpu.vector_load %arg7[%get3A_1407, %get3A_1408] {strides = array<i32>} : memref<10x128xi32, #tpu.memory_space<vmem>>, vector<1x16xi32>,
    %get3A_1410 = vector.shape_cast %get3A_1409 : vector<1x16xi32> to vector<16xi32>
    %get3A_1411 = arith.constant 7 : i32
    %get3A_1412 = arith.index_cast %get3A_1411 : i32 to index
    %get3A_1413 = arith.constant 48 : index
    %get3A_1414 = tpu.vector_load %arg8[%get3A_1412, %get3A_1413] {strides = array<i32>} : memref<10x128xi32, #tpu.memory_space<vmem>>, vector<1x16xi32>,
    %get3A_1415 = vector.shape_cast %get3A_1414 : vector<1x16xi32> to vector<16xi32>
    %mul3A_1416 = arith.constant 256 : i32
    %mul3A_1417 = vector.broadcast %mul3A_1416 : i32 to vector<16xi32>
    %mul3A_1418 = arith.muli %get3A_1415, %mul3A_1417 : vector<16xi32>
    %add3A_1419 = arith.addi %mul3A_1418, %get3A_1410 : vector<16xi32>
    %add3A_1420 = arith.constant 65536 : i32
    %add3A_1421 = vector.broadcast %add3A_1420 : i32 to vector<16xi32>
    %add3A_1422 = arith.addi %add3A_1419, %add3A_1421 : vector<16xi32>
    %swap3A_1423 = arith.constant 7 : i32
    %swap3A_1424 = arith.index_cast %swap3A_1423 : i32 to index
    %swap3A_1425 = arith.constant 48 : index
    %swap3A_1426 = tpu.vector_load %arg10[%swap3A_1424, %swap3A_1425] {strides = array<i32>} : memref<10x128xi32, #tpu.memory_space<vmem>>, vector<1x16xi32>,
    %swap3A_1427 = vector.shape_cast %swap3A_1426 : vector<1x16xi32> to vector<16xi32>
    %swap3A_1428 = vector.shape_cast %add3A_1422 : vector<16xi32> to vector<1x16xi32>
    tpu.vector_store %arg10[%swap3A_1424, %swap3A_1425], %swap3A_1428 {strides = array<i32>} : memref<10x128xi32, #tpu.memory_space<vmem>>, vector<1x16xi32>,
    %get3A_1429 = arith.constant 7 : i32
    %get3A_1430 = arith.index_cast %get3A_1429 : i32 to index
    %get3A_1431 = arith.constant 64 : index
    %get3A_1432 = tpu.vector_load %arg7[%get3A_1430, %get3A_1431] {strides = array<i32>} : memref<10x128xi32, #tpu.memory_space<vmem>>, vector<1x16xi32>,
    %get3A_1433 = vector.shape_cast %get3A_1432 : vector<1x16xi32> to vector<16xi32>
    %get3A_1434 = arith.constant 7 : i32
    %get3A_1435 = arith.index_cast %get3A_1434 : i32 to index
    %get3A_1436 = arith.constant 64 : index
    %get3A_1437 = tpu.vector_load %arg8[%get3A_1435, %get3A_1436] {strides = array<i32>} : memref<10x128xi32, #tpu.memory_space<vmem>>, vector<1x16xi32>,
    %get3A_1438 = vector.shape_cast %get3A_1437 : vector<1x16xi32> to vector<16xi32>
    %mul3A_1439 = arith.constant 256 : i32
    %mul3A_1440 = vector.broadcast %mul3A_1439 : i32 to vector<16xi32>
    %mul3A_1441 = arith.muli %get3A_1438, %mul3A_1440 : vector<16xi32>
    %add3A_1442 = arith.addi %mul3A_1441, %get3A_1433 : vector<16xi32>
    %add3A_1443 = arith.constant 65536 : i32
    %add3A_1444 = vector.broadcast %add3A_1443 : i32 to vector<16xi32>
    %add3A_1445 = arith.addi %add3A_1442, %add3A_1444 : vector<16xi32>
    %swap3A_1446 = arith.constant 7 : i32
    %swap3A_1447 = arith.index_cast %swap3A_1446 : i32 to index
    %swap3A_1448 = arith.constant 64 : index
    %swap3A_1449 = tpu.vector_load %arg10[%swap3A_1447, %swap3A_1448] {strides = array<i32>} : memref<10x128xi32, #tpu.memory_space<vmem>>, vector<1x16xi32>,
    %swap3A_1450 = vector.shape_cast %swap3A_1449 : vector<1x16xi32> to vector<16xi32>
    %swap3A_1451 = vector.shape_cast %add3A_1445 : vector<16xi32> to vector<1x16xi32>
    tpu.vector_store %arg10[%swap3A_1447, %swap3A_1448], %swap3A_1451 {strides = array<i32>} : memref<10x128xi32, #tpu.memory_space<vmem>>, vector<1x16xi32>,
    %get3A_1452 = arith.constant 7 : i32
    %get3A_1453 = arith.index_cast %get3A_1452 : i32 to index
    %get3A_1454 = arith.constant 80 : index
    %get3A_1455 = tpu.vector_load %arg7[%get3A_1453, %get3A_1454] {strides = array<i32>} : memref<10x128xi32, #tpu.memory_space<vmem>>, vector<1x16xi32>,
    %get3A_1456 = vector.shape_cast %get3A_1455 : vector<1x16xi32> to vector<16xi32>
    %get3A_1457 = arith.constant 7 : i32
    %get3A_1458 = arith.index_cast %get3A_1457 : i32 to index
    %get3A_1459 = arith.constant 80 : index
    %get3A_1460 = tpu.vector_load %arg8[%get3A_1458, %get3A_1459] {strides = array<i32>} : memref<10x128xi32, #tpu.memory_space<vmem>>, vector<1x16xi32>,
    %get3A_1461 = vector.shape_cast %get3A_1460 : vector<1x16xi32> to vector<16xi32>
    %mul3A_1462 = arith.constant 256 : i32
    %mul3A_1463 = vector.broadcast %mul3A_1462 : i32 to vector<16xi32>
    %mul3A_1464 = arith.muli %get3A_1461, %mul3A_1463 : vector<16xi32>
    %add3A_1465 = arith.addi %mul3A_1464, %get3A_1456 : vector<16xi32>
    %add3A_1466 = arith.constant 65536 : i32
    %add3A_1467 = vector.broadcast %add3A_1466 : i32 to vector<16xi32>
    %add3A_1468 = arith.addi %add3A_1465, %add3A_1467 : vector<16xi32>
    %swap3A_1469 = arith.constant 7 : i32
    %swap3A_1470 = arith.index_cast %swap3A_1469 : i32 to index
    %swap3A_1471 = arith.constant 80 : index
    %swap3A_1472 = tpu.vector_load %arg10[%swap3A_1470, %swap3A_1471] {strides = array<i32>} : memref<10x128xi32, #tpu.memory_space<vmem>>, vector<1x16xi32>,
    %swap3A_1473 = vector.shape_cast %swap3A_1472 : vector<1x16xi32> to vector<16xi32>
    %swap3A_1474 = vector.shape_cast %add3A_1468 : vector<16xi32> to vector<1x16xi32>
    tpu.vector_store %arg10[%swap3A_1470, %swap3A_1471], %swap3A_1474 {strides = array<i32>} : memref<10x128xi32, #tpu.memory_space<vmem>>, vector<1x16xi32>,
    %get3A_1475 = arith.constant 7 : i32
    %get3A_1476 = arith.index_cast %get3A_1475 : i32 to index
    %get3A_1477 = arith.constant 96 : index
    %get3A_1478 = tpu.vector_load %arg7[%get3A_1476, %get3A_1477] {strides = array<i32>} : memref<10x128xi32, #tpu.memory_space<vmem>>, vector<1x16xi32>,
    %get3A_1479 = vector.shape_cast %get3A_1478 : vector<1x16xi32> to vector<16xi32>
    %get3A_1480 = arith.constant 7 : i32
    %get3A_1481 = arith.index_cast %get3A_1480 : i32 to index
    %get3A_1482 = arith.constant 96 : index
    %get3A_1483 = tpu.vector_load %arg8[%get3A_1481, %get3A_1482] {strides = array<i32>} : memref<10x128xi32, #tpu.memory_space<vmem>>, vector<1x16xi32>,
    %get3A_1484 = vector.shape_cast %get3A_1483 : vector<1x16xi32> to vector<16xi32>
    %mul3A_1485 = arith.constant 256 : i32
    %mul3A_1486 = vector.broadcast %mul3A_1485 : i32 to vector<16xi32>
    %mul3A_1487 = arith.muli %get3A_1484, %mul3A_1486 : vector<16xi32>
    %add3A_1488 = arith.addi %mul3A_1487, %get3A_1479 : vector<16xi32>
    %add3A_1489 = arith.constant 65536 : i32
    %add3A_1490 = vector.broadcast %add3A_1489 : i32 to vector<16xi32>
    %add3A_1491 = arith.addi %add3A_1488, %add3A_1490 : vector<16xi32>
    %swap3A_1492 = arith.constant 7 : i32
    %swap3A_1493 = arith.index_cast %swap3A_1492 : i32 to index
    %swap3A_1494 = arith.constant 96 : index
    %swap3A_1495 = tpu.vector_load %arg10[%swap3A_1493, %swap3A_1494] {strides = array<i32>} : memref<10x128xi32, #tpu.memory_space<vmem>>, vector<1x16xi32>,
    %swap3A_1496 = vector.shape_cast %swap3A_1495 : vector<1x16xi32> to vector<16xi32>
    %swap3A_1497 = vector.shape_cast %add3A_1491 : vector<16xi32> to vector<1x16xi32>
    tpu.vector_store %arg10[%swap3A_1493, %swap3A_1494], %swap3A_1497 {strides = array<i32>} : memref<10x128xi32, #tpu.memory_space<vmem>>, vector<1x16xi32>,
    %get3A_1498 = arith.constant 7 : i32
    %get3A_1499 = arith.index_cast %get3A_1498 : i32 to index
    %get3A_1500 = arith.constant 112 : index
    %get3A_1501 = tpu.vector_load %arg7[%get3A_1499, %get3A_1500] {strides = array<i32>} : memref<10x128xi32, #tpu.memory_space<vmem>>, vector<1x16xi32>,
    %get3A_1502 = vector.shape_cast %get3A_1501 : vector<1x16xi32> to vector<16xi32>
    %get3A_1503 = arith.constant 7 : i32
    %get3A_1504 = arith.index_cast %get3A_1503 : i32 to index
    %get3A_1505 = arith.constant 112 : index
    %get3A_1506 = tpu.vector_load %arg8[%get3A_1504, %get3A_1505] {strides = array<i32>} : memref<10x128xi32, #tpu.memory_space<vmem>>, vector<1x16xi32>,
    %get3A_1507 = vector.shape_cast %get3A_1506 : vector<1x16xi32> to vector<16xi32>
    %mul3A_1508 = arith.constant 256 : i32
    %mul3A_1509 = vector.broadcast %mul3A_1508 : i32 to vector<16xi32>
    %mul3A_1510 = arith.muli %get3A_1507, %mul3A_1509 : vector<16xi32>
    %add3A_1511 = arith.addi %mul3A_1510, %get3A_1502 : vector<16xi32>
    %add3A_1512 = arith.constant 65536 : i32
    %add3A_1513 = vector.broadcast %add3A_1512 : i32 to vector<16xi32>
    %add3A_1514 = arith.addi %add3A_1511, %add3A_1513 : vector<16xi32>
    %swap3A_1515 = arith.constant 7 : i32
    %swap3A_1516 = arith.index_cast %swap3A_1515 : i32 to index
    %swap3A_1517 = arith.constant 112 : index
    %swap3A_1518 = tpu.vector_load %arg10[%swap3A_1516, %swap3A_1517] {strides = array<i32>} : memref<10x128xi32, #tpu.memory_space<vmem>>, vector<1x16xi32>,
    %swap3A_1519 = vector.shape_cast %swap3A_1518 : vector<1x16xi32> to vector<16xi32>
    %swap3A_1520 = vector.shape_cast %add3A_1514 : vector<16xi32> to vector<1x16xi32>
    tpu.vector_store %arg10[%swap3A_1516, %swap3A_1517], %swap3A_1520 {strides = array<i32>} : memref<10x128xi32, #tpu.memory_space<vmem>>, vector<1x16xi32>,
    %get3A_1521 = arith.constant 8 : i32
    %get3A_1522 = arith.index_cast %get3A_1521 : i32 to index
    %get3A_1523 = arith.constant 0 : index
    %get3A_1524 = tpu.vector_load %arg7[%get3A_1522, %get3A_1523] {strides = array<i32>} : memref<10x128xi32, #tpu.memory_space<vmem>>, vector<1x16xi32>,
    %get3A_1525 = vector.shape_cast %get3A_1524 : vector<1x16xi32> to vector<16xi32>
    %get3A_1526 = arith.constant 8 : i32
    %get3A_1527 = arith.index_cast %get3A_1526 : i32 to index
    %get3A_1528 = arith.constant 0 : index
    %get3A_1529 = tpu.vector_load %arg8[%get3A_1527, %get3A_1528] {strides = array<i32>} : memref<10x128xi32, #tpu.memory_space<vmem>>, vector<1x16xi32>,
    %get3A_1530 = vector.shape_cast %get3A_1529 : vector<1x16xi32> to vector<16xi32>
    %mul3A_1531 = arith.constant 256 : i32
    %mul3A_1532 = vector.broadcast %mul3A_1531 : i32 to vector<16xi32>
    %mul3A_1533 = arith.muli %get3A_1530, %mul3A_1532 : vector<16xi32>
    %add3A_1534 = arith.addi %mul3A_1533, %get3A_1525 : vector<16xi32>
    %add3A_1535 = arith.constant 65536 : i32
    %add3A_1536 = vector.broadcast %add3A_1535 : i32 to vector<16xi32>
    %add3A_1537 = arith.addi %add3A_1534, %add3A_1536 : vector<16xi32>
    %swap3A_1538 = arith.constant 8 : i32
    %swap3A_1539 = arith.index_cast %swap3A_1538 : i32 to index
    %swap3A_1540 = arith.constant 0 : index
    %swap3A_1541 = tpu.vector_load %arg10[%swap3A_1539, %swap3A_1540] {strides = array<i32>} : memref<10x128xi32, #tpu.memory_space<vmem>>, vector<1x16xi32>,
    %swap3A_1542 = vector.shape_cast %swap3A_1541 : vector<1x16xi32> to vector<16xi32>
    %swap3A_1543 = vector.shape_cast %add3A_1537 : vector<16xi32> to vector<1x16xi32>
    tpu.vector_store %arg10[%swap3A_1539, %swap3A_1540], %swap3A_1543 {strides = array<i32>} : memref<10x128xi32, #tpu.memory_space<vmem>>, vector<1x16xi32>,
    %get3A_1544 = arith.constant 8 : i32
    %get3A_1545 = arith.index_cast %get3A_1544 : i32 to index
    %get3A_1546 = arith.constant 16 : index
    %get3A_1547 = tpu.vector_load %arg7[%get3A_1545, %get3A_1546] {strides = array<i32>} : memref<10x128xi32, #tpu.memory_space<vmem>>, vector<1x16xi32>,
    %get3A_1548 = vector.shape_cast %get3A_1547 : vector<1x16xi32> to vector<16xi32>
    %get3A_1549 = arith.constant 8 : i32
    %get3A_1550 = arith.index_cast %get3A_1549 : i32 to index
    %get3A_1551 = arith.constant 16 : index
    %get3A_1552 = tpu.vector_load %arg8[%get3A_1550, %get3A_1551] {strides = array<i32>} : memref<10x128xi32, #tpu.memory_space<vmem>>, vector<1x16xi32>,
    %get3A_1553 = vector.shape_cast %get3A_1552 : vector<1x16xi32> to vector<16xi32>
    %mul3A_1554 = arith.constant 256 : i32
    %mul3A_1555 = vector.broadcast %mul3A_1554 : i32 to vector<16xi32>
    %mul3A_1556 = arith.muli %get3A_1553, %mul3A_1555 : vector<16xi32>
    %add3A_1557 = arith.addi %mul3A_1556, %get3A_1548 : vector<16xi32>
    %add3A_1558 = arith.constant 65536 : i32
    %add3A_1559 = vector.broadcast %add3A_1558 : i32 to vector<16xi32>
    %add3A_1560 = arith.addi %add3A_1557, %add3A_1559 : vector<16xi32>
    %swap3A_1561 = arith.constant 8 : i32
    %swap3A_1562 = arith.index_cast %swap3A_1561 : i32 to index
    %swap3A_1563 = arith.constant 16 : index
    %swap3A_1564 = tpu.vector_load %arg10[%swap3A_1562, %swap3A_1563] {strides = array<i32>} : memref<10x128xi32, #tpu.memory_space<vmem>>, vector<1x16xi32>,
    %swap3A_1565 = vector.shape_cast %swap3A_1564 : vector<1x16xi32> to vector<16xi32>
    %swap3A_1566 = vector.shape_cast %add3A_1560 : vector<16xi32> to vector<1x16xi32>
    tpu.vector_store %arg10[%swap3A_1562, %swap3A_1563], %swap3A_1566 {strides = array<i32>} : memref<10x128xi32, #tpu.memory_space<vmem>>, vector<1x16xi32>,
    %get3A_1567 = arith.constant 8 : i32
    %get3A_1568 = arith.index_cast %get3A_1567 : i32 to index
    %get3A_1569 = arith.constant 32 : index
    %get3A_1570 = tpu.vector_load %arg7[%get3A_1568, %get3A_1569] {strides = array<i32>} : memref<10x128xi32, #tpu.memory_space<vmem>>, vector<1x16xi32>,
    %get3A_1571 = vector.shape_cast %get3A_1570 : vector<1x16xi32> to vector<16xi32>
    %get3A_1572 = arith.constant 8 : i32
    %get3A_1573 = arith.index_cast %get3A_1572 : i32 to index
    %get3A_1574 = arith.constant 32 : index
    %get3A_1575 = tpu.vector_load %arg8[%get3A_1573, %get3A_1574] {strides = array<i32>} : memref<10x128xi32, #tpu.memory_space<vmem>>, vector<1x16xi32>,
    %get3A_1576 = vector.shape_cast %get3A_1575 : vector<1x16xi32> to vector<16xi32>
    %mul3A_1577 = arith.constant 256 : i32
    %mul3A_1578 = vector.broadcast %mul3A_1577 : i32 to vector<16xi32>
    %mul3A_1579 = arith.muli %get3A_1576, %mul3A_1578 : vector<16xi32>
    %add3A_1580 = arith.addi %mul3A_1579, %get3A_1571 : vector<16xi32>
    %add3A_1581 = arith.constant 65536 : i32
    %add3A_1582 = vector.broadcast %add3A_1581 : i32 to vector<16xi32>
    %add3A_1583 = arith.addi %add3A_1580, %add3A_1582 : vector<16xi32>
    %swap3A_1584 = arith.constant 8 : i32
    %swap3A_1585 = arith.index_cast %swap3A_1584 : i32 to index
    %swap3A_1586 = arith.constant 32 : index
    %swap3A_1587 = tpu.vector_load %arg10[%swap3A_1585, %swap3A_1586] {strides = array<i32>} : memref<10x128xi32, #tpu.memory_space<vmem>>, vector<1x16xi32>,
    %swap3A_1588 = vector.shape_cast %swap3A_1587 : vector<1x16xi32> to vector<16xi32>
    %swap3A_1589 = vector.shape_cast %add3A_1583 : vector<16xi32> to vector<1x16xi32>
    tpu.vector_store %arg10[%swap3A_1585, %swap3A_1586], %swap3A_1589 {strides = array<i32>} : memref<10x128xi32, #tpu.memory_space<vmem>>, vector<1x16xi32>,
    %get3A_1590 = arith.constant 8 : i32
    %get3A_1591 = arith.index_cast %get3A_1590 : i32 to index
    %get3A_1592 = arith.constant 48 : index
    %get3A_1593 = tpu.vector_load %arg7[%get3A_1591, %get3A_1592] {strides = array<i32>} : memref<10x128xi32, #tpu.memory_space<vmem>>, vector<1x16xi32>,
    %get3A_1594 = vector.shape_cast %get3A_1593 : vector<1x16xi32> to vector<16xi32>
    %get3A_1595 = arith.constant 8 : i32
    %get3A_1596 = arith.index_cast %get3A_1595 : i32 to index
    %get3A_1597 = arith.constant 48 : index
    %get3A_1598 = tpu.vector_load %arg8[%get3A_1596, %get3A_1597] {strides = array<i32>} : memref<10x128xi32, #tpu.memory_space<vmem>>, vector<1x16xi32>,
    %get3A_1599 = vector.shape_cast %get3A_1598 : vector<1x16xi32> to vector<16xi32>
    %mul3A_1600 = arith.constant 256 : i32
    %mul3A_1601 = vector.broadcast %mul3A_1600 : i32 to vector<16xi32>
    %mul3A_1602 = arith.muli %get3A_1599, %mul3A_1601 : vector<16xi32>
    %add3A_1603 = arith.addi %mul3A_1602, %get3A_1594 : vector<16xi32>
    %add3A_1604 = arith.constant 65536 : i32
    %add3A_1605 = vector.broadcast %add3A_1604 : i32 to vector<16xi32>
    %add3A_1606 = arith.addi %add3A_1603, %add3A_1605 : vector<16xi32>
    %swap3A_1607 = arith.constant 8 : i32
    %swap3A_1608 = arith.index_cast %swap3A_1607 : i32 to index
    %swap3A_1609 = arith.constant 48 : index
    %swap3A_1610 = tpu.vector_load %arg10[%swap3A_1608, %swap3A_1609] {strides = array<i32>} : memref<10x128xi32, #tpu.memory_space<vmem>>, vector<1x16xi32>,
    %swap3A_1611 = vector.shape_cast %swap3A_1610 : vector<1x16xi32> to vector<16xi32>
    %swap3A_1612 = vector.shape_cast %add3A_1606 : vector<16xi32> to vector<1x16xi32>
    tpu.vector_store %arg10[%swap3A_1608, %swap3A_1609], %swap3A_1612 {strides = array<i32>} : memref<10x128xi32, #tpu.memory_space<vmem>>, vector<1x16xi32>,
    %get3A_1613 = arith.constant 8 : i32
    %get3A_1614 = arith.index_cast %get3A_1613 : i32 to index
    %get3A_1615 = arith.constant 64 : index
    %get3A_1616 = tpu.vector_load %arg7[%get3A_1614, %get3A_1615] {strides = array<i32>} : memref<10x128xi32, #tpu.memory_space<vmem>>, vector<1x16xi32>,
    %get3A_1617 = vector.shape_cast %get3A_1616 : vector<1x16xi32> to vector<16xi32>
    %get3A_1618 = arith.constant 8 : i32
    %get3A_1619 = arith.index_cast %get3A_1618 : i32 to index
    %get3A_1620 = arith.constant 64 : index
    %get3A_1621 = tpu.vector_load %arg8[%get3A_1619, %get3A_1620] {strides = array<i32>} : memref<10x128xi32, #tpu.memory_space<vmem>>, vector<1x16xi32>,
    %get3A_1622 = vector.shape_cast %get3A_1621 : vector<1x16xi32> to vector<16xi32>
    %mul3A_1623 = arith.constant 256 : i32
    %mul3A_1624 = vector.broadcast %mul3A_1623 : i32 to vector<16xi32>
    %mul3A_1625 = arith.muli %get3A_1622, %mul3A_1624 : vector<16xi32>
    %add3A_1626 = arith.addi %mul3A_1625, %get3A_1617 : vector<16xi32>
    %add3A_1627 = arith.constant 65536 : i32
    %add3A_1628 = vector.broadcast %add3A_1627 : i32 to vector<16xi32>
    %add3A_1629 = arith.addi %add3A_1626, %add3A_1628 : vector<16xi32>
    %swap3A_1630 = arith.constant 8 : i32
    %swap3A_1631 = arith.index_cast %swap3A_1630 : i32 to index
    %swap3A_1632 = arith.constant 64 : index
    %swap3A_1633 = tpu.vector_load %arg10[%swap3A_1631, %swap3A_1632] {strides = array<i32>} : memref<10x128xi32, #tpu.memory_space<vmem>>, vector<1x16xi32>,
    %swap3A_1634 = vector.shape_cast %swap3A_1633 : vector<1x16xi32> to vector<16xi32>
    %swap3A_1635 = vector.shape_cast %add3A_1629 : vector<16xi32> to vector<1x16xi32>
    tpu.vector_store %arg10[%swap3A_1631, %swap3A_1632], %swap3A_1635 {strides = array<i32>} : memref<10x128xi32, #tpu.memory_space<vmem>>, vector<1x16xi32>,
    %get3A_1636 = arith.constant 8 : i32
    %get3A_1637 = arith.index_cast %get3A_1636 : i32 to index
    %get3A_1638 = arith.constant 80 : index
    %get3A_1639 = tpu.vector_load %arg7[%get3A_1637, %get3A_1638] {strides = array<i32>} : memref<10x128xi32, #tpu.memory_space<vmem>>, vector<1x16xi32>,
    %get3A_1640 = vector.shape_cast %get3A_1639 : vector<1x16xi32> to vector<16xi32>
    %get3A_1641 = arith.constant 8 : i32
    %get3A_1642 = arith.index_cast %get3A_1641 : i32 to index
    %get3A_1643 = arith.constant 80 : index
    %get3A_1644 = tpu.vector_load %arg8[%get3A_1642, %get3A_1643] {strides = array<i32>} : memref<10x128xi32, #tpu.memory_space<vmem>>, vector<1x16xi32>,
    %get3A_1645 = vector.shape_cast %get3A_1644 : vector<1x16xi32> to vector<16xi32>
    %mul3A_1646 = arith.constant 256 : i32
    %mul3A_1647 = vector.broadcast %mul3A_1646 : i32 to vector<16xi32>
    %mul3A_1648 = arith.muli %get3A_1645, %mul3A_1647 : vector<16xi32>
    %add3A_1649 = arith.addi %mul3A_1648, %get3A_1640 : vector<16xi32>
    %add3A_1650 = arith.constant 65536 : i32
    %add3A_1651 = vector.broadcast %add3A_1650 : i32 to vector<16xi32>
    %add3A_1652 = arith.addi %add3A_1649, %add3A_1651 : vector<16xi32>
    %swap3A_1653 = arith.constant 8 : i32
    %swap3A_1654 = arith.index_cast %swap3A_1653 : i32 to index
    %swap3A_1655 = arith.constant 80 : index
    %swap3A_1656 = tpu.vector_load %arg10[%swap3A_1654, %swap3A_1655] {strides = array<i32>} : memref<10x128xi32, #tpu.memory_space<vmem>>, vector<1x16xi32>,
    %swap3A_1657 = vector.shape_cast %swap3A_1656 : vector<1x16xi32> to vector<16xi32>
    %swap3A_1658 = vector.shape_cast %add3A_1652 : vector<16xi32> to vector<1x16xi32>
    tpu.vector_store %arg10[%swap3A_1654, %swap3A_1655], %swap3A_1658 {strides = array<i32>} : memref<10x128xi32, #tpu.memory_space<vmem>>, vector<1x16xi32>,
    %get3A_1659 = arith.constant 8 : i32
    %get3A_1660 = arith.index_cast %get3A_1659 : i32 to index
    %get3A_1661 = arith.constant 96 : index
    %get3A_1662 = tpu.vector_load %arg7[%get3A_1660, %get3A_1661] {strides = array<i32>} : memref<10x128xi32, #tpu.memory_space<vmem>>, vector<1x16xi32>,
    %get3A_1663 = vector.shape_cast %get3A_1662 : vector<1x16xi32> to vector<16xi32>
    %get3A_1664 = arith.constant 8 : i32
    %get3A_1665 = arith.index_cast %get3A_1664 : i32 to index
    %get3A_1666 = arith.constant 96 : index
    %get3A_1667 = tpu.vector_load %arg8[%get3A_1665, %get3A_1666] {strides = array<i32>} : memref<10x128xi32, #tpu.memory_space<vmem>>, vector<1x16xi32>,
    %get3A_1668 = vector.shape_cast %get3A_1667 : vector<1x16xi32> to vector<16xi32>
    %mul3A_1669 = arith.constant 256 : i32
    %mul3A_1670 = vector.broadcast %mul3A_1669 : i32 to vector<16xi32>
    %mul3A_1671 = arith.muli %get3A_1668, %mul3A_1670 : vector<16xi32>
    %add3A_1672 = arith.addi %mul3A_1671, %get3A_1663 : vector<16xi32>
    %add3A_1673 = arith.constant 65536 : i32
    %add3A_1674 = vector.broadcast %add3A_1673 : i32 to vector<16xi32>
    %add3A_1675 = arith.addi %add3A_1672, %add3A_1674 : vector<16xi32>
    %swap3A_1676 = arith.constant 8 : i32
    %swap3A_1677 = arith.index_cast %swap3A_1676 : i32 to index
    %swap3A_1678 = arith.constant 96 : index
    %swap3A_1679 = tpu.vector_load %arg10[%swap3A_1677, %swap3A_1678] {strides = array<i32>} : memref<10x128xi32, #tpu.memory_space<vmem>>, vector<1x16xi32>,
    %swap3A_1680 = vector.shape_cast %swap3A_1679 : vector<1x16xi32> to vector<16xi32>
    %swap3A_1681 = vector.shape_cast %add3A_1675 : vector<16xi32> to vector<1x16xi32>
    tpu.vector_store %arg10[%swap3A_1677, %swap3A_1678], %swap3A_1681 {strides = array<i32>} : memref<10x128xi32, #tpu.memory_space<vmem>>, vector<1x16xi32>,
    %get3A_1682 = arith.constant 8 : i32
    %get3A_1683 = arith.index_cast %get3A_1682 : i32 to index
    %get3A_1684 = arith.constant 112 : index
    %get3A_1685 = tpu.vector_load %arg7[%get3A_1683, %get3A_1684] {strides = array<i32>} : memref<10x128xi32, #tpu.memory_space<vmem>>, vector<1x16xi32>,
    %get3A_1686 = vector.shape_cast %get3A_1685 : vector<1x16xi32> to vector<16xi32>
    %get3A_1687 = arith.constant 8 : i32
    %get3A_1688 = arith.index_cast %get3A_1687 : i32 to index
    %get3A_1689 = arith.constant 112 : index
    %get3A_1690 = tpu.vector_load %arg8[%get3A_1688, %get3A_1689] {strides = array<i32>} : memref<10x128xi32, #tpu.memory_space<vmem>>, vector<1x16xi32>,
    %get3A_1691 = vector.shape_cast %get3A_1690 : vector<1x16xi32> to vector<16xi32>
    %mul3A_1692 = arith.constant 256 : i32
    %mul3A_1693 = vector.broadcast %mul3A_1692 : i32 to vector<16xi32>
    %mul3A_1694 = arith.muli %get3A_1691, %mul3A_1693 : vector<16xi32>
    %add3A_1695 = arith.addi %mul3A_1694, %get3A_1686 : vector<16xi32>
    %add3A_1696 = arith.constant 65536 : i32
    %add3A_1697 = vector.broadcast %add3A_1696 : i32 to vector<16xi32>
    %add3A_1698 = arith.addi %add3A_1695, %add3A_1697 : vector<16xi32>
    %swap3A_1699 = arith.constant 8 : i32
    %swap3A_1700 = arith.index_cast %swap3A_1699 : i32 to index
    %swap3A_1701 = arith.constant 112 : index
    %swap3A_1702 = tpu.vector_load %arg10[%swap3A_1700, %swap3A_1701] {strides = array<i32>} : memref<10x128xi32, #tpu.memory_space<vmem>>, vector<1x16xi32>,
    %swap3A_1703 = vector.shape_cast %swap3A_1702 : vector<1x16xi32> to vector<16xi32>
    %swap3A_1704 = vector.shape_cast %add3A_1698 : vector<16xi32> to vector<1x16xi32>
    tpu.vector_store %arg10[%swap3A_1700, %swap3A_1701], %swap3A_1704 {strides = array<i32>} : memref<10x128xi32, #tpu.memory_space<vmem>>, vector<1x16xi32>,
    %get3A_1705 = arith.constant 9 : i32
    %get3A_1706 = arith.index_cast %get3A_1705 : i32 to index
    %get3A_1707 = arith.constant 0 : index
    %get3A_1708 = tpu.vector_load %arg7[%get3A_1706, %get3A_1707] {strides = array<i32>} : memref<10x128xi32, #tpu.memory_space<vmem>>, vector<1x16xi32>,
    %get3A_1709 = vector.shape_cast %get3A_1708 : vector<1x16xi32> to vector<16xi32>
    %get3A_1710 = arith.constant 9 : i32
    %get3A_1711 = arith.index_cast %get3A_1710 : i32 to index
    %get3A_1712 = arith.constant 0 : index
    %get3A_1713 = tpu.vector_load %arg8[%get3A_1711, %get3A_1712] {strides = array<i32>} : memref<10x128xi32, #tpu.memory_space<vmem>>, vector<1x16xi32>,
    %get3A_1714 = vector.shape_cast %get3A_1713 : vector<1x16xi32> to vector<16xi32>
    %mul3A_1715 = arith.constant 256 : i32
    %mul3A_1716 = vector.broadcast %mul3A_1715 : i32 to vector<16xi32>
    %mul3A_1717 = arith.muli %get3A_1714, %mul3A_1716 : vector<16xi32>
    %add3A_1718 = arith.addi %mul3A_1717, %get3A_1709 : vector<16xi32>
    %add3A_1719 = arith.constant 65536 : i32
    %add3A_1720 = vector.broadcast %add3A_1719 : i32 to vector<16xi32>
    %add3A_1721 = arith.addi %add3A_1718, %add3A_1720 : vector<16xi32>
    %swap3A_1722 = arith.constant 9 : i32
    %swap3A_1723 = arith.index_cast %swap3A_1722 : i32 to index
    %swap3A_1724 = arith.constant 0 : index
    %swap3A_1725 = tpu.vector_load %arg10[%swap3A_1723, %swap3A_1724] {strides = array<i32>} : memref<10x128xi32, #tpu.memory_space<vmem>>, vector<1x16xi32>,
    %swap3A_1726 = vector.shape_cast %swap3A_1725 : vector<1x16xi32> to vector<16xi32>
    %swap3A_1727 = vector.shape_cast %add3A_1721 : vector<16xi32> to vector<1x16xi32>
    tpu.vector_store %arg10[%swap3A_1723, %swap3A_1724], %swap3A_1727 {strides = array<i32>} : memref<10x128xi32, #tpu.memory_space<vmem>>, vector<1x16xi32>,
    %get3A_1728 = arith.constant 9 : i32
    %get3A_1729 = arith.index_cast %get3A_1728 : i32 to index
    %get3A_1730 = arith.constant 16 : index
    %get3A_1731 = tpu.vector_load %arg7[%get3A_1729, %get3A_1730] {strides = array<i32>} : memref<10x128xi32, #tpu.memory_space<vmem>>, vector<1x16xi32>,
    %get3A_1732 = vector.shape_cast %get3A_1731 : vector<1x16xi32> to vector<16xi32>
    %get3A_1733 = arith.constant 9 : i32
    %get3A_1734 = arith.index_cast %get3A_1733 : i32 to index
    %get3A_1735 = arith.constant 16 : index
    %get3A_1736 = tpu.vector_load %arg8[%get3A_1734, %get3A_1735] {strides = array<i32>} : memref<10x128xi32, #tpu.memory_space<vmem>>, vector<1x16xi32>,
    %get3A_1737 = vector.shape_cast %get3A_1736 : vector<1x16xi32> to vector<16xi32>
    %mul3A_1738 = arith.constant 256 : i32
    %mul3A_1739 = vector.broadcast %mul3A_1738 : i32 to vector<16xi32>
    %mul3A_1740 = arith.muli %get3A_1737, %mul3A_1739 : vector<16xi32>
    %add3A_1741 = arith.addi %mul3A_1740, %get3A_1732 : vector<16xi32>
    %add3A_1742 = arith.constant 65536 : i32
    %add3A_1743 = vector.broadcast %add3A_1742 : i32 to vector<16xi32>
    %add3A_1744 = arith.addi %add3A_1741, %add3A_1743 : vector<16xi32>
    %swap3A_1745 = arith.constant 9 : i32
    %swap3A_1746 = arith.index_cast %swap3A_1745 : i32 to index
    %swap3A_1747 = arith.constant 16 : index
    %swap3A_1748 = tpu.vector_load %arg10[%swap3A_1746, %swap3A_1747] {strides = array<i32>} : memref<10x128xi32, #tpu.memory_space<vmem>>, vector<1x16xi32>,
    %swap3A_1749 = vector.shape_cast %swap3A_1748 : vector<1x16xi32> to vector<16xi32>
    %swap3A_1750 = vector.shape_cast %add3A_1744 : vector<16xi32> to vector<1x16xi32>
    tpu.vector_store %arg10[%swap3A_1746, %swap3A_1747], %swap3A_1750 {strides = array<i32>} : memref<10x128xi32, #tpu.memory_space<vmem>>, vector<1x16xi32>,
    %get3A_1751 = arith.constant 9 : i32
    %get3A_1752 = arith.index_cast %get3A_1751 : i32 to index
    %get3A_1753 = arith.constant 32 : index
    %get3A_1754 = tpu.vector_load %arg7[%get3A_1752, %get3A_1753] {strides = array<i32>} : memref<10x128xi32, #tpu.memory_space<vmem>>, vector<1x16xi32>,
    %get3A_1755 = vector.shape_cast %get3A_1754 : vector<1x16xi32> to vector<16xi32>
    %get3A_1756 = arith.constant 9 : i32
    %get3A_1757 = arith.index_cast %get3A_1756 : i32 to index
    %get3A_1758 = arith.constant 32 : index
    %get3A_1759 = tpu.vector_load %arg8[%get3A_1757, %get3A_1758] {strides = array<i32>} : memref<10x128xi32, #tpu.memory_space<vmem>>, vector<1x16xi32>,
    %get3A_1760 = vector.shape_cast %get3A_1759 : vector<1x16xi32> to vector<16xi32>
    %mul3A_1761 = arith.constant 256 : i32
    %mul3A_1762 = vector.broadcast %mul3A_1761 : i32 to vector<16xi32>
    %mul3A_1763 = arith.muli %get3A_1760, %mul3A_1762 : vector<16xi32>
    %add3A_1764 = arith.addi %mul3A_1763, %get3A_1755 : vector<16xi32>
    %add3A_1765 = arith.constant 65536 : i32
    %add3A_1766 = vector.broadcast %add3A_1765 : i32 to vector<16xi32>
    %add3A_1767 = arith.addi %add3A_1764, %add3A_1766 : vector<16xi32>
    %swap3A_1768 = arith.constant 9 : i32
    %swap3A_1769 = arith.index_cast %swap3A_1768 : i32 to index
    %swap3A_1770 = arith.constant 32 : index
    %swap3A_1771 = tpu.vector_load %arg10[%swap3A_1769, %swap3A_1770] {strides = array<i32>} : memref<10x128xi32, #tpu.memory_space<vmem>>, vector<1x16xi32>,
    %swap3A_1772 = vector.shape_cast %swap3A_1771 : vector<1x16xi32> to vector<16xi32>
    %swap3A_1773 = vector.shape_cast %add3A_1767 : vector<16xi32> to vector<1x16xi32>
    tpu.vector_store %arg10[%swap3A_1769, %swap3A_1770], %swap3A_1773 {strides = array<i32>} : memref<10x128xi32, #tpu.memory_space<vmem>>, vector<1x16xi32>,
    %get3A_1774 = arith.constant 9 : i32
    %get3A_1775 = arith.index_cast %get3A_1774 : i32 to index
    %get3A_1776 = arith.constant 48 : index
    %get3A_1777 = tpu.vector_load %arg7[%get3A_1775, %get3A_1776] {strides = array<i32>} : memref<10x128xi32, #tpu.memory_space<vmem>>, vector<1x16xi32>,
    %get3A_1778 = vector.shape_cast %get3A_1777 : vector<1x16xi32> to vector<16xi32>
    %get3A_1779 = arith.constant 9 : i32
    %get3A_1780 = arith.index_cast %get3A_1779 : i32 to index
    %get3A_1781 = arith.constant 48 : index
    %get3A_1782 = tpu.vector_load %arg8[%get3A_1780, %get3A_1781] {strides = array<i32>} : memref<10x128xi32, #tpu.memory_space<vmem>>, vector<1x16xi32>,
    %get3A_1783 = vector.shape_cast %get3A_1782 : vector<1x16xi32> to vector<16xi32>
    %mul3A_1784 = arith.constant 256 : i32
    %mul3A_1785 = vector.broadcast %mul3A_1784 : i32 to vector<16xi32>
    %mul3A_1786 = arith.muli %get3A_1783, %mul3A_1785 : vector<16xi32>
    %add3A_1787 = arith.addi %mul3A_1786, %get3A_1778 : vector<16xi32>
    %add3A_1788 = arith.constant 65536 : i32
    %add3A_1789 = vector.broadcast %add3A_1788 : i32 to vector<16xi32>
    %add3A_1790 = arith.addi %add3A_1787, %add3A_1789 : vector<16xi32>
    %swap3A_1791 = arith.constant 9 : i32
    %swap3A_1792 = arith.index_cast %swap3A_1791 : i32 to index
    %swap3A_1793 = arith.constant 48 : index
    %swap3A_1794 = tpu.vector_load %arg10[%swap3A_1792, %swap3A_1793] {strides = array<i32>} : memref<10x128xi32, #tpu.memory_space<vmem>>, vector<1x16xi32>,
    %swap3A_1795 = vector.shape_cast %swap3A_1794 : vector<1x16xi32> to vector<16xi32>
    %swap3A_1796 = vector.shape_cast %add3A_1790 : vector<16xi32> to vector<1x16xi32>
    tpu.vector_store %arg10[%swap3A_1792, %swap3A_1793], %swap3A_1796 {strides = array<i32>} : memref<10x128xi32, #tpu.memory_space<vmem>>, vector<1x16xi32>,
    %get3A_1797 = arith.constant 9 : i32
    %get3A_1798 = arith.index_cast %get3A_1797 : i32 to index
    %get3A_1799 = arith.constant 64 : index
    %get3A_1800 = tpu.vector_load %arg7[%get3A_1798, %get3A_1799] {strides = array<i32>} : memref<10x128xi32, #tpu.memory_space<vmem>>, vector<1x16xi32>,
    %get3A_1801 = vector.shape_cast %get3A_1800 : vector<1x16xi32> to vector<16xi32>
    %get3A_1802 = arith.constant 9 : i32
    %get3A_1803 = arith.index_cast %get3A_1802 : i32 to index
    %get3A_1804 = arith.constant 64 : index
    %get3A_1805 = tpu.vector_load %arg8[%get3A_1803, %get3A_1804] {strides = array<i32>} : memref<10x128xi32, #tpu.memory_space<vmem>>, vector<1x16xi32>,
    %get3A_1806 = vector.shape_cast %get3A_1805 : vector<1x16xi32> to vector<16xi32>
    %mul3A_1807 = arith.constant 256 : i32
    %mul3A_1808 = vector.broadcast %mul3A_1807 : i32 to vector<16xi32>
    %mul3A_1809 = arith.muli %get3A_1806, %mul3A_1808 : vector<16xi32>
    %add3A_1810 = arith.addi %mul3A_1809, %get3A_1801 : vector<16xi32>
    %add3A_1811 = arith.constant 65536 : i32
    %add3A_1812 = vector.broadcast %add3A_1811 : i32 to vector<16xi32>
    %add3A_1813 = arith.addi %add3A_1810, %add3A_1812 : vector<16xi32>
    %swap3A_1814 = arith.constant 9 : i32
    %swap3A_1815 = arith.index_cast %swap3A_1814 : i32 to index
    %swap3A_1816 = arith.constant 64 : index
    %swap3A_1817 = tpu.vector_load %arg10[%swap3A_1815, %swap3A_1816] {strides = array<i32>} : memref<10x128xi32, #tpu.memory_space<vmem>>, vector<1x16xi32>,
    %swap3A_1818 = vector.shape_cast %swap3A_1817 : vector<1x16xi32> to vector<16xi32>
    %swap3A_1819 = vector.shape_cast %add3A_1813 : vector<16xi32> to vector<1x16xi32>
    tpu.vector_store %arg10[%swap3A_1815, %swap3A_1816], %swap3A_1819 {strides = array<i32>} : memref<10x128xi32, #tpu.memory_space<vmem>>, vector<1x16xi32>,
    %get3A_1820 = arith.constant 9 : i32
    %get3A_1821 = arith.index_cast %get3A_1820 : i32 to index
    %get3A_1822 = arith.constant 80 : index
    %get3A_1823 = tpu.vector_load %arg7[%get3A_1821, %get3A_1822] {strides = array<i32>} : memref<10x128xi32, #tpu.memory_space<vmem>>, vector<1x16xi32>,
    %get3A_1824 = vector.shape_cast %get3A_1823 : vector<1x16xi32> to vector<16xi32>
    %get3A_1825 = arith.constant 9 : i32
    %get3A_1826 = arith.index_cast %get3A_1825 : i32 to index
    %get3A_1827 = arith.constant 80 : index
    %get3A_1828 = tpu.vector_load %arg8[%get3A_1826, %get3A_1827] {strides = array<i32>} : memref<10x128xi32, #tpu.memory_space<vmem>>, vector<1x16xi32>,
    %get3A_1829 = vector.shape_cast %get3A_1828 : vector<1x16xi32> to vector<16xi32>
    %mul3A_1830 = arith.constant 256 : i32
    %mul3A_1831 = vector.broadcast %mul3A_1830 : i32 to vector<16xi32>
    %mul3A_1832 = arith.muli %get3A_1829, %mul3A_1831 : vector<16xi32>
    %add3A_1833 = arith.addi %mul3A_1832, %get3A_1824 : vector<16xi32>
    %add3A_1834 = arith.constant 65536 : i32
    %add3A_1835 = vector.broadcast %add3A_1834 : i32 to vector<16xi32>
    %add3A_1836 = arith.addi %add3A_1833, %add3A_1835 : vector<16xi32>
    %swap3A_1837 = arith.constant 9 : i32
    %swap3A_1838 = arith.index_cast %swap3A_1837 : i32 to index
    %swap3A_1839 = arith.constant 80 : index
    %swap3A_1840 = tpu.vector_load %arg10[%swap3A_1838, %swap3A_1839] {strides = array<i32>} : memref<10x128xi32, #tpu.memory_space<vmem>>, vector<1x16xi32>,
    %swap3A_1841 = vector.shape_cast %swap3A_1840 : vector<1x16xi32> to vector<16xi32>
    %swap3A_1842 = vector.shape_cast %add3A_1836 : vector<16xi32> to vector<1x16xi32>
    tpu.vector_store %arg10[%swap3A_1838, %swap3A_1839], %swap3A_1842 {strides = array<i32>} : memref<10x128xi32, #tpu.memory_space<vmem>>, vector<1x16xi32>,
    %get3A_1843 = arith.constant 9 : i32
    %get3A_1844 = arith.index_cast %get3A_1843 : i32 to index
    %get3A_1845 = arith.constant 96 : index
    %get3A_1846 = tpu.vector_load %arg7[%get3A_1844, %get3A_1845] {strides = array<i32>} : memref<10x128xi32, #tpu.memory_space<vmem>>, vector<1x16xi32>,
    %get3A_1847 = vector.shape_cast %get3A_1846 : vector<1x16xi32> to vector<16xi32>
    %get3A_1848 = arith.constant 9 : i32
    %get3A_1849 = arith.index_cast %get3A_1848 : i32 to index
    %get3A_1850 = arith.constant 96 : index
    %get3A_1851 = tpu.vector_load %arg8[%get3A_1849, %get3A_1850] {strides = array<i32>} : memref<10x128xi32, #tpu.memory_space<vmem>>, vector<1x16xi32>,
    %get3A_1852 = vector.shape_cast %get3A_1851 : vector<1x16xi32> to vector<16xi32>
    %mul3A_1853 = arith.constant 256 : i32
    %mul3A_1854 = vector.broadcast %mul3A_1853 : i32 to vector<16xi32>
    %mul3A_1855 = arith.muli %get3A_1852, %mul3A_1854 : vector<16xi32>
    %add3A_1856 = arith.addi %mul3A_1855, %get3A_1847 : vector<16xi32>
    %add3A_1857 = arith.constant 65536 : i32
    %add3A_1858 = vector.broadcast %add3A_1857 : i32 to vector<16xi32>
    %add3A_1859 = arith.addi %add3A_1856, %add3A_1858 : vector<16xi32>
    %swap3A_1860 = arith.constant 9 : i32
    %swap3A_1861 = arith.index_cast %swap3A_1860 : i32 to index
    %swap3A_1862 = arith.constant 96 : index
    %swap3A_1863 = tpu.vector_load %arg10[%swap3A_1861, %swap3A_1862] {strides = array<i32>} : memref<10x128xi32, #tpu.memory_space<vmem>>, vector<1x16xi32>,
    %swap3A_1864 = vector.shape_cast %swap3A_1863 : vector<1x16xi32> to vector<16xi32>
    %swap3A_1865 = vector.shape_cast %add3A_1859 : vector<16xi32> to vector<1x16xi32>
    tpu.vector_store %arg10[%swap3A_1861, %swap3A_1862], %swap3A_1865 {strides = array<i32>} : memref<10x128xi32, #tpu.memory_space<vmem>>, vector<1x16xi32>,
    %get3A_1866 = arith.constant 9 : i32
    %get3A_1867 = arith.index_cast %get3A_1866 : i32 to index
    %get3A_1868 = arith.constant 112 : index
    %get3A_1869 = tpu.vector_load %arg7[%get3A_1867, %get3A_1868] {strides = array<i32>} : memref<10x128xi32, #tpu.memory_space<vmem>>, vector<1x16xi32>,
    %get3A_1870 = vector.shape_cast %get3A_1869 : vector<1x16xi32> to vector<16xi32>
    %get3A_1871 = arith.constant 9 : i32
    %get3A_1872 = arith.index_cast %get3A_1871 : i32 to index
    %get3A_1873 = arith.constant 112 : index
    %get3A_1874 = tpu.vector_load %arg8[%get3A_1872, %get3A_1873] {strides = array<i32>} : memref<10x128xi32, #tpu.memory_space<vmem>>, vector<1x16xi32>,
    %get3A_1875 = vector.shape_cast %get3A_1874 : vector<1x16xi32> to vector<16xi32>
    %mul3A_1876 = arith.constant 256 : i32
    %mul3A_1877 = vector.broadcast %mul3A_1876 : i32 to vector<16xi32>
    %mul3A_1878 = arith.muli %get3A_1875, %mul3A_1877 : vector<16xi32>
    %add3A_1879 = arith.addi %mul3A_1878, %get3A_1870 : vector<16xi32>
    %add3A_1880 = arith.constant 65536 : i32
    %add3A_1881 = vector.broadcast %add3A_1880 : i32 to vector<16xi32>
    %add3A_1882 = arith.addi %add3A_1879, %add3A_1881 : vector<16xi32>
    %swap3A_1883 = arith.constant 9 : i32
    %swap3A_1884 = arith.index_cast %swap3A_1883 : i32 to index
    %swap3A_1885 = arith.constant 112 : index
    %swap3A_1886 = tpu.vector_load %arg10[%swap3A_1884, %swap3A_1885] {strides = array<i32>} : memref<10x128xi32, #tpu.memory_space<vmem>>, vector<1x16xi32>,
    %swap3A_1887 = vector.shape_cast %swap3A_1886 : vector<1x16xi32> to vector<16xi32>
    %swap3A_1888 = vector.shape_cast %add3A_1882 : vector<16xi32> to vector<1x16xi32>
    tpu.vector_store %arg10[%swap3A_1884, %swap3A_1885], %swap3A_1888 {strides = array<i32>} : memref<10x128xi32, #tpu.memory_space<vmem>>, vector<1x16xi32>,
    %barrier3A = arith.constant 0 : index
    tpu.barrier barrier_id(%barrier3A)
    %dma_start3A_1889 = arith.constant 0 : i32
    %dma_start3A_1890 = arith.constant 0 : i32
    %dma_start3A_1891 = arith.constant 0 : i32
    %dma_start3A_1892 = tpu.memref_slice %arg9[%dma_start3A_1889, %dma_start3A_1891] : memref<10x128xf32, #tpu.memory_space<vmem>> -> memref<1x128xf32, #tpu.memory_space<vmem>>
    %dma_start3A_1893 = tpu.memref_squeeze %dma_start3A_1892 : memref<1x128xf32, #tpu.memory_space<vmem>> -> memref<128xf32, #tpu.memory_space<vmem>>
    %dma_start3A_1894 = arith.constant 0 : i32
    %dma_start3A_1895 = tpu.memref_slice %arg10[%dma_start3A_1890, %dma_start3A_1894] : memref<10x128xi32, #tpu.memory_space<vmem>> -> memref<1x128xi32, #tpu.memory_space<vmem>>
    %dma_start3A_1896 = tpu.memref_squeeze %dma_start3A_1895 : memref<1x128xi32, #tpu.memory_space<vmem>> -> memref<128xi32, #tpu.memory_space<vmem>>
    %dma_start3A_1897 = arith.constant 0 : i32
    %dma_start3A_1898 = tpu.memref_slice %arg11[%dma_start3A_1897] : memref<131072xf32, #tpu.memory_space<vmem_shared>> -> memref<131072xf32, #tpu.memory_space<vmem_shared>>
    tpu.enqueue_indirect_dma source(%dma_start3A_1893 : memref<128xf32, #tpu.memory_space<vmem>>) target(%dma_start3A_1898 : memref<131072xf32, #tpu.memory_space<vmem_shared>>) offsets(%dma_start3A_1896 : memref<128xi32, #tpu.memory_space<vmem>>) semaphore(%arg12 : memref<!tpu.dma_semaphore, #tpu.memory_space<semaphore_mem>>) {add = true}
    %dma_start3A_1899 = arith.constant 1 : i32
    %dma_start3A_1900 = arith.constant 1 : i32
    %dma_start3A_1901 = arith.constant 0 : i32
    %dma_start3A_1902 = tpu.memref_slice %arg9[%dma_start3A_1899, %dma_start3A_1901] : memref<10x128xf32, #tpu.memory_space<vmem>> -> memref<1x128xf32, #tpu.memory_space<vmem>>
    %dma_start3A_1903 = tpu.memref_squeeze %dma_start3A_1902 : memref<1x128xf32, #tpu.memory_space<vmem>> -> memref<128xf32, #tpu.memory_space<vmem>>
    %dma_start3A_1904 = arith.constant 0 : i32
    %dma_start3A_1905 = tpu.memref_slice %arg10[%dma_start3A_1900, %dma_start3A_1904] : memref<10x128xi32, #tpu.memory_space<vmem>> -> memref<1x128xi32, #tpu.memory_space<vmem>>
    %dma_start3A_1906 = tpu.memref_squeeze %dma_start3A_1905 : memref<1x128xi32, #tpu.memory_space<vmem>> -> memref<128xi32, #tpu.memory_space<vmem>>
    %dma_start3A_1907 = arith.constant 0 : i32
    %dma_start3A_1908 = tpu.memref_slice %arg11[%dma_start3A_1907] : memref<131072xf32, #tpu.memory_space<vmem_shared>> -> memref<131072xf32, #tpu.memory_space<vmem_shared>>
    tpu.enqueue_indirect_dma source(%dma_start3A_1903 : memref<128xf32, #tpu.memory_space<vmem>>) target(%dma_start3A_1908 : memref<131072xf32, #tpu.memory_space<vmem_shared>>) offsets(%dma_start3A_1906 : memref<128xi32, #tpu.memory_space<vmem>>) semaphore(%arg12 : memref<!tpu.dma_semaphore, #tpu.memory_space<semaphore_mem>>) {add = true}
    %dma_start3A_1909 = arith.constant 2 : i32
    %dma_start3A_1910 = arith.constant 2 : i32
    %dma_start3A_1911 = arith.constant 0 : i32
    %dma_start3A_1912 = tpu.memref_slice %arg9[%dma_start3A_1909, %dma_start3A_1911] : memref<10x128xf32, #tpu.memory_space<vmem>> -> memref<1x128xf32, #tpu.memory_space<vmem>>
    %dma_start3A_1913 = tpu.memref_squeeze %dma_start3A_1912 : memref<1x128xf32, #tpu.memory_space<vmem>> -> memref<128xf32, #tpu.memory_space<vmem>>
    %dma_start3A_1914 = arith.constant 0 : i32
    %dma_start3A_1915 = tpu.memref_slice %arg10[%dma_start3A_1910, %dma_start3A_1914] : memref<10x128xi32, #tpu.memory_space<vmem>> -> memref<1x128xi32, #tpu.memory_space<vmem>>
    %dma_start3A_1916 = tpu.memref_squeeze %dma_start3A_1915 : memref<1x128xi32, #tpu.memory_space<vmem>> -> memref<128xi32, #tpu.memory_space<vmem>>
    %dma_start3A_1917 = arith.constant 0 : i32
    %dma_start3A_1918 = tpu.memref_slice %arg11[%dma_start3A_1917] : memref<131072xf32, #tpu.memory_space<vmem_shared>> -> memref<131072xf32, #tpu.memory_space<vmem_shared>>
    tpu.enqueue_indirect_dma source(%dma_start3A_1913 : memref<128xf32, #tpu.memory_space<vmem>>) target(%dma_start3A_1918 : memref<131072xf32, #tpu.memory_space<vmem_shared>>) offsets(%dma_start3A_1916 : memref<128xi32, #tpu.memory_space<vmem>>) semaphore(%arg12 : memref<!tpu.dma_semaphore, #tpu.memory_space<semaphore_mem>>) {add = true}
    %dma_start3A_1919 = arith.constant 3 : i32
    %dma_start3A_1920 = arith.constant 3 : i32
    %dma_start3A_1921 = arith.constant 0 : i32
    %dma_start3A_1922 = tpu.memref_slice %arg9[%dma_start3A_1919, %dma_start3A_1921] : memref<10x128xf32, #tpu.memory_space<vmem>> -> memref<1x128xf32, #tpu.memory_space<vmem>>
    %dma_start3A_1923 = tpu.memref_squeeze %dma_start3A_1922 : memref<1x128xf32, #tpu.memory_space<vmem>> -> memref<128xf32, #tpu.memory_space<vmem>>
    %dma_start3A_1924 = arith.constant 0 : i32
    %dma_start3A_1925 = tpu.memref_slice %arg10[%dma_start3A_1920, %dma_start3A_1924] : memref<10x128xi32, #tpu.memory_space<vmem>> -> memref<1x128xi32, #tpu.memory_space<vmem>>
    %dma_start3A_1926 = tpu.memref_squeeze %dma_start3A_1925 : memref<1x128xi32, #tpu.memory_space<vmem>> -> memref<128xi32, #tpu.memory_space<vmem>>
    %dma_start3A_1927 = arith.constant 0 : i32
    %dma_start3A_1928 = tpu.memref_slice %arg11[%dma_start3A_1927] : memref<131072xf32, #tpu.memory_space<vmem_shared>> -> memref<131072xf32, #tpu.memory_space<vmem_shared>>
    tpu.enqueue_indirect_dma source(%dma_start3A_1923 : memref<128xf32, #tpu.memory_space<vmem>>) target(%dma_start3A_1928 : memref<131072xf32, #tpu.memory_space<vmem_shared>>) offsets(%dma_start3A_1926 : memref<128xi32, #tpu.memory_space<vmem>>) semaphore(%arg12 : memref<!tpu.dma_semaphore, #tpu.memory_space<semaphore_mem>>) {add = true}
    %dma_start3A_1929 = arith.constant 4 : i32
    %dma_start3A_1930 = arith.constant 4 : i32
    %dma_start3A_1931 = arith.constant 0 : i32
    %dma_start3A_1932 = tpu.memref_slice %arg9[%dma_start3A_1929, %dma_start3A_1931] : memref<10x128xf32, #tpu.memory_space<vmem>> -> memref<1x128xf32, #tpu.memory_space<vmem>>
    %dma_start3A_1933 = tpu.memref_squeeze %dma_start3A_1932 : memref<1x128xf32, #tpu.memory_space<vmem>> -> memref<128xf32, #tpu.memory_space<vmem>>
    %dma_start3A_1934 = arith.constant 0 : i32
    %dma_start3A_1935 = tpu.memref_slice %arg10[%dma_start3A_1930, %dma_start3A_1934] : memref<10x128xi32, #tpu.memory_space<vmem>> -> memref<1x128xi32, #tpu.memory_space<vmem>>
    %dma_start3A_1936 = tpu.memref_squeeze %dma_start3A_1935 : memref<1x128xi32, #tpu.memory_space<vmem>> -> memref<128xi32, #tpu.memory_space<vmem>>
    %dma_start3A_1937 = arith.constant 0 : i32
    %dma_start3A_1938 = tpu.memref_slice %arg11[%dma_start3A_1937] : memref<131072xf32, #tpu.memory_space<vmem_shared>> -> memref<131072xf32, #tpu.memory_space<vmem_shared>>
    tpu.enqueue_indirect_dma source(%dma_start3A_1933 : memref<128xf32, #tpu.memory_space<vmem>>) target(%dma_start3A_1938 : memref<131072xf32, #tpu.memory_space<vmem_shared>>) offsets(%dma_start3A_1936 : memref<128xi32, #tpu.memory_space<vmem>>) semaphore(%arg12 : memref<!tpu.dma_semaphore, #tpu.memory_space<semaphore_mem>>) {add = true}
    %dma_start3A_1939 = arith.constant 5 : i32
    %dma_start3A_1940 = arith.constant 5 : i32
    %dma_start3A_1941 = arith.constant 0 : i32
    %dma_start3A_1942 = tpu.memref_slice %arg9[%dma_start3A_1939, %dma_start3A_1941] : memref<10x128xf32, #tpu.memory_space<vmem>> -> memref<1x128xf32, #tpu.memory_space<vmem>>
    %dma_start3A_1943 = tpu.memref_squeeze %dma_start3A_1942 : memref<1x128xf32, #tpu.memory_space<vmem>> -> memref<128xf32, #tpu.memory_space<vmem>>
    %dma_start3A_1944 = arith.constant 0 : i32
    %dma_start3A_1945 = tpu.memref_slice %arg10[%dma_start3A_1940, %dma_start3A_1944] : memref<10x128xi32, #tpu.memory_space<vmem>> -> memref<1x128xi32, #tpu.memory_space<vmem>>
    %dma_start3A_1946 = tpu.memref_squeeze %dma_start3A_1945 : memref<1x128xi32, #tpu.memory_space<vmem>> -> memref<128xi32, #tpu.memory_space<vmem>>
    %dma_start3A_1947 = arith.constant 0 : i32
    %dma_start3A_1948 = tpu.memref_slice %arg11[%dma_start3A_1947] : memref<131072xf32, #tpu.memory_space<vmem_shared>> -> memref<131072xf32, #tpu.memory_space<vmem_shared>>
    tpu.enqueue_indirect_dma source(%dma_start3A_1943 : memref<128xf32, #tpu.memory_space<vmem>>) target(%dma_start3A_1948 : memref<131072xf32, #tpu.memory_space<vmem_shared>>) offsets(%dma_start3A_1946 : memref<128xi32, #tpu.memory_space<vmem>>) semaphore(%arg12 : memref<!tpu.dma_semaphore, #tpu.memory_space<semaphore_mem>>) {add = true}
    %dma_start3A_1949 = arith.constant 6 : i32
    %dma_start3A_1950 = arith.constant 6 : i32
    %dma_start3A_1951 = arith.constant 0 : i32
    %dma_start3A_1952 = tpu.memref_slice %arg9[%dma_start3A_1949, %dma_start3A_1951] : memref<10x128xf32, #tpu.memory_space<vmem>> -> memref<1x128xf32, #tpu.memory_space<vmem>>
    %dma_start3A_1953 = tpu.memref_squeeze %dma_start3A_1952 : memref<1x128xf32, #tpu.memory_space<vmem>> -> memref<128xf32, #tpu.memory_space<vmem>>
    %dma_start3A_1954 = arith.constant 0 : i32
    %dma_start3A_1955 = tpu.memref_slice %arg10[%dma_start3A_1950, %dma_start3A_1954] : memref<10x128xi32, #tpu.memory_space<vmem>> -> memref<1x128xi32, #tpu.memory_space<vmem>>
    %dma_start3A_1956 = tpu.memref_squeeze %dma_start3A_1955 : memref<1x128xi32, #tpu.memory_space<vmem>> -> memref<128xi32, #tpu.memory_space<vmem>>
    %dma_start3A_1957 = arith.constant 0 : i32
    %dma_start3A_1958 = tpu.memref_slice %arg11[%dma_start3A_1957] : memref<131072xf32, #tpu.memory_space<vmem_shared>> -> memref<131072xf32, #tpu.memory_space<vmem_shared>>
    tpu.enqueue_indirect_dma source(%dma_start3A_1953 : memref<128xf32, #tpu.memory_space<vmem>>) target(%dma_start3A_1958 : memref<131072xf32, #tpu.memory_space<vmem_shared>>) offsets(%dma_start3A_1956 : memref<128xi32, #tpu.memory_space<vmem>>) semaphore(%arg12 : memref<!tpu.dma_semaphore, #tpu.memory_space<semaphore_mem>>) {add = true}
    %dma_start3A_1959 = arith.constant 7 : i32
    %dma_start3A_1960 = arith.constant 7 : i32
    %dma_start3A_1961 = arith.constant 0 : i32
    %dma_start3A_1962 = tpu.memref_slice %arg9[%dma_start3A_1959, %dma_start3A_1961] : memref<10x128xf32, #tpu.memory_space<vmem>> -> memref<1x128xf32, #tpu.memory_space<vmem>>
    %dma_start3A_1963 = tpu.memref_squeeze %dma_start3A_1962 : memref<1x128xf32, #tpu.memory_space<vmem>> -> memref<128xf32, #tpu.memory_space<vmem>>
    %dma_start3A_1964 = arith.constant 0 : i32
    %dma_start3A_1965 = tpu.memref_slice %arg10[%dma_start3A_1960, %dma_start3A_1964] : memref<10x128xi32, #tpu.memory_space<vmem>> -> memref<1x128xi32, #tpu.memory_space<vmem>>
    %dma_start3A_1966 = tpu.memref_squeeze %dma_start3A_1965 : memref<1x128xi32, #tpu.memory_space<vmem>> -> memref<128xi32, #tpu.memory_space<vmem>>
    %dma_start3A_1967 = arith.constant 0 : i32
    %dma_start3A_1968 = tpu.memref_slice %arg11[%dma_start3A_1967] : memref<131072xf32, #tpu.memory_space<vmem_shared>> -> memref<131072xf32, #tpu.memory_space<vmem_shared>>
    tpu.enqueue_indirect_dma source(%dma_start3A_1963 : memref<128xf32, #tpu.memory_space<vmem>>) target(%dma_start3A_1968 : memref<131072xf32, #tpu.memory_space<vmem_shared>>) offsets(%dma_start3A_1966 : memref<128xi32, #tpu.memory_space<vmem>>) semaphore(%arg12 : memref<!tpu.dma_semaphore, #tpu.memory_space<semaphore_mem>>) {add = true}
    %dma_start3A_1969 = arith.constant 8 : i32
    %dma_start3A_1970 = arith.constant 8 : i32
    %dma_start3A_1971 = arith.constant 0 : i32
    %dma_start3A_1972 = tpu.memref_slice %arg9[%dma_start3A_1969, %dma_start3A_1971] : memref<10x128xf32, #tpu.memory_space<vmem>> -> memref<1x128xf32, #tpu.memory_space<vmem>>
    %dma_start3A_1973 = tpu.memref_squeeze %dma_start3A_1972 : memref<1x128xf32, #tpu.memory_space<vmem>> -> memref<128xf32, #tpu.memory_space<vmem>>
    %dma_start3A_1974 = arith.constant 0 : i32
    %dma_start3A_1975 = tpu.memref_slice %arg10[%dma_start3A_1970, %dma_start3A_1974] : memref<10x128xi32, #tpu.memory_space<vmem>> -> memref<1x128xi32, #tpu.memory_space<vmem>>
    %dma_start3A_1976 = tpu.memref_squeeze %dma_start3A_1975 : memref<1x128xi32, #tpu.memory_space<vmem>> -> memref<128xi32, #tpu.memory_space<vmem>>
    %dma_start3A_1977 = arith.constant 0 : i32
    %dma_start3A_1978 = tpu.memref_slice %arg11[%dma_start3A_1977] : memref<131072xf32, #tpu.memory_space<vmem_shared>> -> memref<131072xf32, #tpu.memory_space<vmem_shared>>
    tpu.enqueue_indirect_dma source(%dma_start3A_1973 : memref<128xf32, #tpu.memory_space<vmem>>) target(%dma_start3A_1978 : memref<131072xf32, #tpu.memory_space<vmem_shared>>) offsets(%dma_start3A_1976 : memref<128xi32, #tpu.memory_space<vmem>>) semaphore(%arg12 : memref<!tpu.dma_semaphore, #tpu.memory_space<semaphore_mem>>) {add = true}
    %dma_start3A_1979 = arith.constant 9 : i32
    %dma_start3A_1980 = arith.constant 9 : i32
    %dma_start3A_1981 = arith.constant 0 : i32
    %dma_start3A_1982 = tpu.memref_slice %arg9[%dma_start3A_1979, %dma_start3A_1981] : memref<10x128xf32, #tpu.memory_space<vmem>> -> memref<1x128xf32, #tpu.memory_space<vmem>>
    %dma_start3A_1983 = tpu.memref_squeeze %dma_start3A_1982 : memref<1x128xf32, #tpu.memory_space<vmem>> -> memref<128xf32, #tpu.memory_space<vmem>>
    %dma_start3A_1984 = arith.constant 0 : i32
    %dma_start3A_1985 = tpu.memref_slice %arg10[%dma_start3A_1980, %dma_start3A_1984] : memref<10x128xi32, #tpu.memory_space<vmem>> -> memref<1x128xi32, #tpu.memory_space<vmem>>
    %dma_start3A_1986 = tpu.memref_squeeze %dma_start3A_1985 : memref<1x128xi32, #tpu.memory_space<vmem>> -> memref<128xi32, #tpu.memory_space<vmem>>
    %dma_start3A_1987 = arith.constant 0 : i32
    %dma_start3A_1988 = tpu.memref_slice %arg11[%dma_start3A_1987] : memref<131072xf32, #tpu.memory_space<vmem_shared>> -> memref<131072xf32, #tpu.memory_space<vmem_shared>>
    tpu.enqueue_indirect_dma source(%dma_start3A_1983 : memref<128xf32, #tpu.memory_space<vmem>>) target(%dma_start3A_1988 : memref<131072xf32, #tpu.memory_space<vmem_shared>>) offsets(%dma_start3A_1986 : memref<128xi32, #tpu.memory_space<vmem>>) semaphore(%arg12 : memref<!tpu.dma_semaphore, #tpu.memory_space<semaphore_mem>>) {add = true}
    %dma_wait3A_1989 = arith.constant 0 : i32
    %dma_wait3A_1990 = arith.constant 0 : i32
    %dma_wait3A_1991 = arith.constant 0 : i32
    %dma_wait3A_1992 = tpu.memref_slice %arg9[%dma_wait3A_1989, %dma_wait3A_1991] : memref<10x128xf32, #tpu.memory_space<vmem>> -> memref<1x128xf32, #tpu.memory_space<vmem>>
    %dma_wait3A_1993 = tpu.memref_squeeze %dma_wait3A_1992 : memref<1x128xf32, #tpu.memory_space<vmem>> -> memref<128xf32, #tpu.memory_space<vmem>>
    %dma_wait3A_1994 = arith.constant 0 : i32
    %dma_wait3A_1995 = tpu.memref_slice %arg10[%dma_wait3A_1990, %dma_wait3A_1994] : memref<10x128xi32, #tpu.memory_space<vmem>> -> memref<1x128xi32, #tpu.memory_space<vmem>>
    %dma_wait3A_1996 = tpu.memref_squeeze %dma_wait3A_1995 : memref<1x128xi32, #tpu.memory_space<vmem>> -> memref<128xi32, #tpu.memory_space<vmem>>
    %dma_wait3A_1997 = arith.constant 0 : i32
    %dma_wait3A_1998 = tpu.memref_slice %arg11[%dma_wait3A_1997] : memref<131072xf32, #tpu.memory_space<vmem_shared>> -> memref<131072xf32, #tpu.memory_space<vmem_shared>>
    tpu.wait_indirect_dma semaphore(%arg12 : memref<!tpu.dma_semaphore, #tpu.memory_space<semaphore_mem>>) src(%dma_wait3A_1993 : memref<128xf32, #tpu.memory_space<vmem>>) dst(%dma_wait3A_1998 : memref<131072xf32, #tpu.memory_space<vmem_shared>>)
    %dma_wait3A_1999 = arith.constant 1 : i32
    %dma_wait3A_2000 = arith.constant 1 : i32
    %dma_wait3A_2001 = arith.constant 0 : i32
    %dma_wait3A_2002 = tpu.memref_slice %arg9[%dma_wait3A_1999, %dma_wait3A_2001] : memref<10x128xf32, #tpu.memory_space<vmem>> -> memref<1x128xf32, #tpu.memory_space<vmem>>
    %dma_wait3A_2003 = tpu.memref_squeeze %dma_wait3A_2002 : memref<1x128xf32, #tpu.memory_space<vmem>> -> memref<128xf32, #tpu.memory_space<vmem>>
    %dma_wait3A_2004 = arith.constant 0 : i32
    %dma_wait3A_2005 = tpu.memref_slice %arg10[%dma_wait3A_2000, %dma_wait3A_2004] : memref<10x128xi32, #tpu.memory_space<vmem>> -> memref<1x128xi32, #tpu.memory_space<vmem>>
    %dma_wait3A_2006 = tpu.memref_squeeze %dma_wait3A_2005 : memref<1x128xi32, #tpu.memory_space<vmem>> -> memref<128xi32, #tpu.memory_space<vmem>>
    %dma_wait3A_2007 = arith.constant 0 : i32
    %dma_wait3A_2008 = tpu.memref_slice %arg11[%dma_wait3A_2007] : memref<131072xf32, #tpu.memory_space<vmem_shared>> -> memref<131072xf32, #tpu.memory_space<vmem_shared>>
    tpu.wait_indirect_dma semaphore(%arg12 : memref<!tpu.dma_semaphore, #tpu.memory_space<semaphore_mem>>) src(%dma_wait3A_2003 : memref<128xf32, #tpu.memory_space<vmem>>) dst(%dma_wait3A_2008 : memref<131072xf32, #tpu.memory_space<vmem_shared>>)
    %dma_wait3A_2009 = arith.constant 2 : i32
    %dma_wait3A_2010 = arith.constant 2 : i32
    %dma_wait3A_2011 = arith.constant 0 : i32
    %dma_wait3A_2012 = tpu.memref_slice %arg9[%dma_wait3A_2009, %dma_wait3A_2011] : memref<10x128xf32, #tpu.memory_space<vmem>> -> memref<1x128xf32, #tpu.memory_space<vmem>>
    %dma_wait3A_2013 = tpu.memref_squeeze %dma_wait3A_2012 : memref<1x128xf32, #tpu.memory_space<vmem>> -> memref<128xf32, #tpu.memory_space<vmem>>
    %dma_wait3A_2014 = arith.constant 0 : i32
    %dma_wait3A_2015 = tpu.memref_slice %arg10[%dma_wait3A_2010, %dma_wait3A_2014] : memref<10x128xi32, #tpu.memory_space<vmem>> -> memref<1x128xi32, #tpu.memory_space<vmem>>
    %dma_wait3A_2016 = tpu.memref_squeeze %dma_wait3A_2015 : memref<1x128xi32, #tpu.memory_space<vmem>> -> memref<128xi32, #tpu.memory_space<vmem>>
    %dma_wait3A_2017 = arith.constant 0 : i32
    %dma_wait3A_2018 = tpu.memref_slice %arg11[%dma_wait3A_2017] : memref<131072xf32, #tpu.memory_space<vmem_shared>> -> memref<131072xf32, #tpu.memory_space<vmem_shared>>
    tpu.wait_indirect_dma semaphore(%arg12 : memref<!tpu.dma_semaphore, #tpu.memory_space<semaphore_mem>>) src(%dma_wait3A_2013 : memref<128xf32, #tpu.memory_space<vmem>>) dst(%dma_wait3A_2018 : memref<131072xf32, #tpu.memory_space<vmem_shared>>)
    %dma_wait3A_2019 = arith.constant 3 : i32
    %dma_wait3A_2020 = arith.constant 3 : i32
    %dma_wait3A_2021 = arith.constant 0 : i32
    %dma_wait3A_2022 = tpu.memref_slice %arg9[%dma_wait3A_2019, %dma_wait3A_2021] : memref<10x128xf32, #tpu.memory_space<vmem>> -> memref<1x128xf32, #tpu.memory_space<vmem>>
    %dma_wait3A_2023 = tpu.memref_squeeze %dma_wait3A_2022 : memref<1x128xf32, #tpu.memory_space<vmem>> -> memref<128xf32, #tpu.memory_space<vmem>>
    %dma_wait3A_2024 = arith.constant 0 : i32
    %dma_wait3A_2025 = tpu.memref_slice %arg10[%dma_wait3A_2020, %dma_wait3A_2024] : memref<10x128xi32, #tpu.memory_space<vmem>> -> memref<1x128xi32, #tpu.memory_space<vmem>>
    %dma_wait3A_2026 = tpu.memref_squeeze %dma_wait3A_2025 : memref<1x128xi32, #tpu.memory_space<vmem>> -> memref<128xi32, #tpu.memory_space<vmem>>
    %dma_wait3A_2027 = arith.constant 0 : i32
    %dma_wait3A_2028 = tpu.memref_slice %arg11[%dma_wait3A_2027] : memref<131072xf32, #tpu.memory_space<vmem_shared>> -> memref<131072xf32, #tpu.memory_space<vmem_shared>>
    tpu.wait_indirect_dma semaphore(%arg12 : memref<!tpu.dma_semaphore, #tpu.memory_space<semaphore_mem>>) src(%dma_wait3A_2023 : memref<128xf32, #tpu.memory_space<vmem>>) dst(%dma_wait3A_2028 : memref<131072xf32, #tpu.memory_space<vmem_shared>>)
    %dma_wait3A_2029 = arith.constant 4 : i32
    %dma_wait3A_2030 = arith.constant 4 : i32
    %dma_wait3A_2031 = arith.constant 0 : i32
    %dma_wait3A_2032 = tpu.memref_slice %arg9[%dma_wait3A_2029, %dma_wait3A_2031] : memref<10x128xf32, #tpu.memory_space<vmem>> -> memref<1x128xf32, #tpu.memory_space<vmem>>
    %dma_wait3A_2033 = tpu.memref_squeeze %dma_wait3A_2032 : memref<1x128xf32, #tpu.memory_space<vmem>> -> memref<128xf32, #tpu.memory_space<vmem>>
    %dma_wait3A_2034 = arith.constant 0 : i32
    %dma_wait3A_2035 = tpu.memref_slice %arg10[%dma_wait3A_2030, %dma_wait3A_2034] : memref<10x128xi32, #tpu.memory_space<vmem>> -> memref<1x128xi32, #tpu.memory_space<vmem>>
    %dma_wait3A_2036 = tpu.memref_squeeze %dma_wait3A_2035 : memref<1x128xi32, #tpu.memory_space<vmem>> -> memref<128xi32, #tpu.memory_space<vmem>>
    %dma_wait3A_2037 = arith.constant 0 : i32
    %dma_wait3A_2038 = tpu.memref_slice %arg11[%dma_wait3A_2037] : memref<131072xf32, #tpu.memory_space<vmem_shared>> -> memref<131072xf32, #tpu.memory_space<vmem_shared>>
    tpu.wait_indirect_dma semaphore(%arg12 : memref<!tpu.dma_semaphore, #tpu.memory_space<semaphore_mem>>) src(%dma_wait3A_2033 : memref<128xf32, #tpu.memory_space<vmem>>) dst(%dma_wait3A_2038 : memref<131072xf32, #tpu.memory_space<vmem_shared>>)
    %dma_wait3A_2039 = arith.constant 5 : i32
    %dma_wait3A_2040 = arith.constant 5 : i32
    %dma_wait3A_2041 = arith.constant 0 : i32
    %dma_wait3A_2042 = tpu.memref_slice %arg9[%dma_wait3A_2039, %dma_wait3A_2041] : memref<10x128xf32, #tpu.memory_space<vmem>> -> memref<1x128xf32, #tpu.memory_space<vmem>>
    %dma_wait3A_2043 = tpu.memref_squeeze %dma_wait3A_2042 : memref<1x128xf32, #tpu.memory_space<vmem>> -> memref<128xf32, #tpu.memory_space<vmem>>
    %dma_wait3A_2044 = arith.constant 0 : i32
    %dma_wait3A_2045 = tpu.memref_slice %arg10[%dma_wait3A_2040, %dma_wait3A_2044] : memref<10x128xi32, #tpu.memory_space<vmem>> -> memref<1x128xi32, #tpu.memory_space<vmem>>
    %dma_wait3A_2046 = tpu.memref_squeeze %dma_wait3A_2045 : memref<1x128xi32, #tpu.memory_space<vmem>> -> memref<128xi32, #tpu.memory_space<vmem>>
    %dma_wait3A_2047 = arith.constant 0 : i32
    %dma_wait3A_2048 = tpu.memref_slice %arg11[%dma_wait3A_2047] : memref<131072xf32, #tpu.memory_space<vmem_shared>> -> memref<131072xf32, #tpu.memory_space<vmem_shared>>
    tpu.wait_indirect_dma semaphore(%arg12 : memref<!tpu.dma_semaphore, #tpu.memory_space<semaphore_mem>>) src(%dma_wait3A_2043 : memref<128xf32, #tpu.memory_space<vmem>>) dst(%dma_wait3A_2048 : memref<131072xf32, #tpu.memory_space<vmem_shared>>)
    %dma_wait3A_2049 = arith.constant 6 : i32
    %dma_wait3A_2050 = arith.constant 6 : i32
    %dma_wait3A_2051 = arith.constant 0 : i32
    %dma_wait3A_2052 = tpu.memref_slice %arg9[%dma_wait3A_2049, %dma_wait3A_2051] : memref<10x128xf32, #tpu.memory_space<vmem>> -> memref<1x128xf32, #tpu.memory_space<vmem>>
    %dma_wait3A_2053 = tpu.memref_squeeze %dma_wait3A_2052 : memref<1x128xf32, #tpu.memory_space<vmem>> -> memref<128xf32, #tpu.memory_space<vmem>>
    %dma_wait3A_2054 = arith.constant 0 : i32
    %dma_wait3A_2055 = tpu.memref_slice %arg10[%dma_wait3A_2050, %dma_wait3A_2054] : memref<10x128xi32, #tpu.memory_space<vmem>> -> memref<1x128xi32, #tpu.memory_space<vmem>>
    %dma_wait3A_2056 = tpu.memref_squeeze %dma_wait3A_2055 : memref<1x128xi32, #tpu.memory_space<vmem>> -> memref<128xi32, #tpu.memory_space<vmem>>
    %dma_wait3A_2057 = arith.constant 0 : i32
    %dma_wait3A_2058 = tpu.memref_slice %arg11[%dma_wait3A_2057] : memref<131072xf32, #tpu.memory_space<vmem_shared>> -> memref<131072xf32, #tpu.memory_space<vmem_shared>>
    tpu.wait_indirect_dma semaphore(%arg12 : memref<!tpu.dma_semaphore, #tpu.memory_space<semaphore_mem>>) src(%dma_wait3A_2053 : memref<128xf32, #tpu.memory_space<vmem>>) dst(%dma_wait3A_2058 : memref<131072xf32, #tpu.memory_space<vmem_shared>>)
    %dma_wait3A_2059 = arith.constant 7 : i32
    %dma_wait3A_2060 = arith.constant 7 : i32
    %dma_wait3A_2061 = arith.constant 0 : i32
    %dma_wait3A_2062 = tpu.memref_slice %arg9[%dma_wait3A_2059, %dma_wait3A_2061] : memref<10x128xf32, #tpu.memory_space<vmem>> -> memref<1x128xf32, #tpu.memory_space<vmem>>
    %dma_wait3A_2063 = tpu.memref_squeeze %dma_wait3A_2062 : memref<1x128xf32, #tpu.memory_space<vmem>> -> memref<128xf32, #tpu.memory_space<vmem>>
    %dma_wait3A_2064 = arith.constant 0 : i32
    %dma_wait3A_2065 = tpu.memref_slice %arg10[%dma_wait3A_2060, %dma_wait3A_2064] : memref<10x128xi32, #tpu.memory_space<vmem>> -> memref<1x128xi32, #tpu.memory_space<vmem>>
    %dma_wait3A_2066 = tpu.memref_squeeze %dma_wait3A_2065 : memref<1x128xi32, #tpu.memory_space<vmem>> -> memref<128xi32, #tpu.memory_space<vmem>>
    %dma_wait3A_2067 = arith.constant 0 : i32
    %dma_wait3A_2068 = tpu.memref_slice %arg11[%dma_wait3A_2067] : memref<131072xf32, #tpu.memory_space<vmem_shared>> -> memref<131072xf32, #tpu.memory_space<vmem_shared>>
    tpu.wait_indirect_dma semaphore(%arg12 : memref<!tpu.dma_semaphore, #tpu.memory_space<semaphore_mem>>) src(%dma_wait3A_2063 : memref<128xf32, #tpu.memory_space<vmem>>) dst(%dma_wait3A_2068 : memref<131072xf32, #tpu.memory_space<vmem_shared>>)
    %dma_wait3A_2069 = arith.constant 8 : i32
    %dma_wait3A_2070 = arith.constant 8 : i32
    %dma_wait3A_2071 = arith.constant 0 : i32
    %dma_wait3A_2072 = tpu.memref_slice %arg9[%dma_wait3A_2069, %dma_wait3A_2071] : memref<10x128xf32, #tpu.memory_space<vmem>> -> memref<1x128xf32, #tpu.memory_space<vmem>>
    %dma_wait3A_2073 = tpu.memref_squeeze %dma_wait3A_2072 : memref<1x128xf32, #tpu.memory_space<vmem>> -> memref<128xf32, #tpu.memory_space<vmem>>
    %dma_wait3A_2074 = arith.constant 0 : i32
    %dma_wait3A_2075 = tpu.memref_slice %arg10[%dma_wait3A_2070, %dma_wait3A_2074] : memref<10x128xi32, #tpu.memory_space<vmem>> -> memref<1x128xi32, #tpu.memory_space<vmem>>
    %dma_wait3A_2076 = tpu.memref_squeeze %dma_wait3A_2075 : memref<1x128xi32, #tpu.memory_space<vmem>> -> memref<128xi32, #tpu.memory_space<vmem>>
    %dma_wait3A_2077 = arith.constant 0 : i32
    %dma_wait3A_2078 = tpu.memref_slice %arg11[%dma_wait3A_2077] : memref<131072xf32, #tpu.memory_space<vmem_shared>> -> memref<131072xf32, #tpu.memory_space<vmem_shared>>
    tpu.wait_indirect_dma semaphore(%arg12 : memref<!tpu.dma_semaphore, #tpu.memory_space<semaphore_mem>>) src(%dma_wait3A_2073 : memref<128xf32, #tpu.memory_space<vmem>>) dst(%dma_wait3A_2078 : memref<131072xf32, #tpu.memory_space<vmem_shared>>)
    %dma_wait3A_2079 = arith.constant 9 : i32
    %dma_wait3A_2080 = arith.constant 9 : i32
    %dma_wait3A_2081 = arith.constant 0 : i32
    %dma_wait3A_2082 = tpu.memref_slice %arg9[%dma_wait3A_2079, %dma_wait3A_2081] : memref<10x128xf32, #tpu.memory_space<vmem>> -> memref<1x128xf32, #tpu.memory_space<vmem>>
    %dma_wait3A_2083 = tpu.memref_squeeze %dma_wait3A_2082 : memref<1x128xf32, #tpu.memory_space<vmem>> -> memref<128xf32, #tpu.memory_space<vmem>>
    %dma_wait3A_2084 = arith.constant 0 : i32
    %dma_wait3A_2085 = tpu.memref_slice %arg10[%dma_wait3A_2080, %dma_wait3A_2084] : memref<10x128xi32, #tpu.memory_space<vmem>> -> memref<1x128xi32, #tpu.memory_space<vmem>>
    %dma_wait3A_2086 = tpu.memref_squeeze %dma_wait3A_2085 : memref<1x128xi32, #tpu.memory_space<vmem>> -> memref<128xi32, #tpu.memory_space<vmem>>
    %dma_wait3A_2087 = arith.constant 0 : i32
    %dma_wait3A_2088 = tpu.memref_slice %arg11[%dma_wait3A_2087] : memref<131072xf32, #tpu.memory_space<vmem_shared>> -> memref<131072xf32, #tpu.memory_space<vmem_shared>>
    tpu.wait_indirect_dma semaphore(%arg12 : memref<!tpu.dma_semaphore, #tpu.memory_space<semaphore_mem>>) src(%dma_wait3A_2083 : memref<128xf32, #tpu.memory_space<vmem>>) dst(%dma_wait3A_2088 : memref<131072xf32, #tpu.memory_space<vmem_shared>>)
    %barrier3A_2089 = arith.constant 0 : index
    tpu.barrier barrier_id(%barrier3A_2089)
    %mul3A_2090 = arith.constant 8192 : i32
    %mul3A_2091 = arith.muli %arg1, %mul3A_2090 : i32
    %mul3A_2092 = arith.constant 8192 : i32
    %mul3A_2093 = arith.muli %arg1, %mul3A_2092 : i32
    "tpu.region"() ({
      %run_scoped3A = tpu.sem_alloc : memref<!tpu.dma_semaphore, #tpu.memory_space<semaphore_mem>>
      %dma_start3A_2094 = tpu.memref_slice %arg6[%arg0, %mul3A_2093] : memref<2x131072xf32, #tpu.memory_space<hbm>> -> memref<1x8192xf32, #tpu.memory_space<hbm>>
      %dma_start3A_2095 = tpu.memref_squeeze %dma_start3A_2094 : memref<1x8192xf32, #tpu.memory_space<hbm>> -> memref<8192xf32, #tpu.memory_space<hbm>>
      %dma_start3A_2096 = tpu.memref_slice %arg11[%mul3A_2091] : memref<131072xf32, #tpu.memory_space<vmem_shared>> -> memref<8192xf32, #tpu.memory_space<vmem_shared>>
      tpu.enqueue_dma source(%dma_start3A_2096 : memref<8192xf32, #tpu.memory_space<vmem_shared>>) target(%dma_start3A_2095 : memref<8192xf32, #tpu.memory_space<hbm>>) target_semaphore(%run_scoped3A : memref<!tpu.dma_semaphore, #tpu.memory_space<semaphore_mem>>)
      %dma_wait3A_2097 = tpu.memref_slice %arg6[%arg0, %mul3A_2093] : memref<2x131072xf32, #tpu.memory_space<hbm>> -> memref<1x8192xf32, #tpu.memory_space<hbm>>
      %dma_wait3A_2098 = tpu.memref_squeeze %dma_wait3A_2097 : memref<1x8192xf32, #tpu.memory_space<hbm>> -> memref<8192xf32, #tpu.memory_space<hbm>>
      %dma_wait3A_2099 = tpu.memref_slice %arg11[%mul3A_2091] : memref<131072xf32, #tpu.memory_space<vmem_shared>> -> memref<8192xf32, #tpu.memory_space<vmem_shared>>
      tpu.wait_dma2 semaphore(%run_scoped3A : memref<!tpu.dma_semaphore, #tpu.memory_space<semaphore_mem>>) src(%dma_wait3A_2099 : memref<8192xf32, #tpu.memory_space<vmem_shared>>) dst(%dma_wait3A_2098 : memref<8192xf32, #tpu.memory_space<hbm>>)
      tpu.yield
    }) : () -> ()
    return
  }
}

module attributes {stable_mosaic.version = 14 : i64} {
  func.func @body(%arg0: memref<2x2x256x256xf32, #tpu.memory_space<vmem>>, %arg1: memref<200x512xf32, #tpu.memory_space<vmem>>, %arg2: memref<200x512xf32, #tpu.memory_space<vmem>>, %arg3: memref<3x512x256xf32, #tpu.memory_space<vmem>>, %arg4: memref<256xf32, #tpu.memory_space<vmem>>, %arg5: memref<3x256x2xf32, #tpu.memory_space<vmem>>, %arg6: memref<2xf32, #tpu.memory_space<vmem>>, %arg7: memref<200x100xf32, #tpu.memory_space<vmem>>, %arg8: memref<100xf32, #tpu.memory_space<vmem>>, %arg9: memref<100x50xf32, #tpu.memory_space<vmem>>, %arg10: memref<50xf32, #tpu.memory_space<vmem>>, %arg11: memref<50x1xf32, #tpu.memory_space<vmem>>, %arg12: memref<1xf32, #tpu.memory_space<vmem>>, %arg13: memref<2x1xf32, #tpu.memory_space<vmem>>, %arg14: memref<2x1xf32, #tpu.memory_space<vmem>>) attributes {dimension_semantics = [], scalar_prefetch = 0 : i64, scratch_operands = 0 : i64, tpu.core_type = #tpu.core_type<tc>} {
    %get3A = arith.constant 0 : index
    %get3A_0 = vector.load %arg4[%get3A] : memref<256xf32, #tpu.memory_space<vmem>>, vector<256xf32>
    %get3A_1 = arith.constant 0 : index
    %get3A_2 = vector.load %arg6[%get3A_1] : memref<2xf32, #tpu.memory_space<vmem>>, vector<2xf32>
    %get3A_3 = arith.constant 0 : index
    %get3A_4 = arith.constant 0 : index
    %get3A_5 = vector.load %arg7[%get3A_3, %get3A_4] : memref<200x100xf32, #tpu.memory_space<vmem>>, vector<200x100xf32>
    %jit3A = arith.constant 0 : i32
    %convert_element_type3A = arith.sitofp %jit3A : i32 to f32
    %pad3A = vector.broadcast %convert_element_type3A : f32 to vector<56x100xf32>
    %pad3A_6 = tpu.concatenate %get3A_5, %pad3A in 0 : vector<200x100xf32>, vector<56x100xf32> -> vector<256x100xf32>
    %get3A_7 = arith.constant 0 : index
    %get3A_8 = arith.constant 0 : index
    %get3A_9 = vector.load %arg9[%get3A_7, %get3A_8] : memref<100x50xf32, #tpu.memory_space<vmem>>, vector<100x50xf32>
    %get3A_10 = arith.constant 0 : index
    %get3A_11 = arith.constant 0 : index
    %get3A_12 = vector.load %arg11[%get3A_10, %get3A_11] : memref<50x1xf32, #tpu.memory_space<vmem>>, vector<50x1xf32>
    %get3A_13 = arith.constant 0 : index
    %get3A_14 = vector.load %arg8[%get3A_13] : memref<100xf32, #tpu.memory_space<vmem>>, vector<100xf32>
    %get3A_15 = arith.constant 0 : index
    %get3A_16 = vector.load %arg10[%get3A_15] : memref<50xf32, #tpu.memory_space<vmem>>, vector<50xf32>
    %get3A_17 = arith.constant 0 : index
    %get3A_18 = vector.load %arg12[%get3A_17] : memref<1xf32, #tpu.memory_space<vmem>>, vector<1xf32>
    %get3A_19 = arith.constant 0 : index
    %get3A_20 = arith.constant 0 : index
    %get3A_21 = arith.constant 0 : index
    %get3A_22 = arith.constant 0 : index
    %get3A_23 = vector.load %arg0[%get3A_19, %get3A_20, %get3A_21, %get3A_22] : memref<2x2x256x256xf32, #tpu.memory_space<vmem>>, vector<1x1x256x256xf32>
    %get3A_24 = vector.shape_cast %get3A_23 : vector<1x1x256x256xf32> to vector<256x256xf32>
    %get3A_25 = arith.constant 1 : index
    %get3A_26 = arith.constant 0 : index
    %get3A_27 = arith.constant 0 : index
    %get3A_28 = arith.constant 0 : index
    %get3A_29 = vector.load %arg0[%get3A_25, %get3A_26, %get3A_27, %get3A_28] : memref<2x2x256x256xf32, #tpu.memory_space<vmem>>, vector<1x1x256x256xf32>
    %get3A_30 = vector.shape_cast %get3A_29 : vector<1x1x256x256xf32> to vector<256x256xf32>
    %add3A = arith.addf %get3A_24, %get3A_30 : vector<256x256xf32>
    %get3A_31 = arith.constant 0 : index
    %get3A_32 = arith.constant 1 : index
    %get3A_33 = arith.constant 0 : index
    %get3A_34 = arith.constant 0 : index
    %get3A_35 = vector.load %arg0[%get3A_31, %get3A_32, %get3A_33, %get3A_34] : memref<2x2x256x256xf32, #tpu.memory_space<vmem>>, vector<1x1x256x256xf32>
    %get3A_36 = vector.shape_cast %get3A_35 : vector<1x1x256x256xf32> to vector<256x256xf32>
    %get3A_37 = arith.constant 1 : index
    %get3A_38 = arith.constant 1 : index
    %get3A_39 = arith.constant 0 : index
    %get3A_40 = arith.constant 0 : index
    %get3A_41 = vector.load %arg0[%get3A_37, %get3A_38, %get3A_39, %get3A_40] : memref<2x2x256x256xf32, #tpu.memory_space<vmem>>, vector<1x1x256x256xf32>
    %get3A_42 = vector.shape_cast %get3A_41 : vector<1x1x256x256xf32> to vector<256x256xf32>
    %add3A_43 = arith.addf %get3A_36, %get3A_42 : vector<256x256xf32>
    %get3A_44 = arith.constant 0 : index
    %get3A_45 = arith.constant 0 : index
    %get3A_46 = vector.load %arg1[%get3A_44, %get3A_45] : memref<200x512xf32, #tpu.memory_space<vmem>>, vector<200x512xf32>
    %jit3A_47 = arith.constant 0 : i32
    %convert_element_type3A_48 = arith.sitofp %jit3A_47 : i32 to f32
    %pad3A_49 = vector.broadcast %convert_element_type3A_48 : f32 to vector<56x512xf32>
    %pad3A_50 = tpu.concatenate %get3A_46, %pad3A_49 in 0 : vector<200x512xf32>, vector<56x512xf32> -> vector<256x512xf32>
    %reduce_sum3A = arith.constant dense<0.000000e+00> : vector<256xf32>
    %reduce_sum3A_51 = vector.multi_reduction <add>, %add3A, %reduce_sum3A [0] : vector<256x256xf32> to vector<256xf32>
    %gt3A = arith.constant 0.000000e+00 : f32
    %gt3A_52 = vector.broadcast %gt3A : f32 to vector<256xf32>
    %gt3A_53 = arith.cmpf ogt, %reduce_sum3A_51, %gt3A_52 : vector<256xf32>
    %rsqrt3A = math.rsqrt %reduce_sum3A_51 : vector<256xf32>
    %jit3A_54 = arith.constant 0.000000e+00 : f32
    %broadcast_in_dim3A = vector.broadcast %jit3A_54 : f32 to vector<256xf32>
    %select_n3A = arith.select %gt3A_53, %rsqrt3A, %broadcast_in_dim3A : vector<256xi1>, vector<256xf32>
    %broadcast_in_dim3A_55 = vector.shape_cast %select_n3A : vector<256xf32> to vector<256x1xf32>
    %mul3A = vector.broadcast %broadcast_in_dim3A_55 : vector<256x1xf32> to vector<256x256xf32>
    %mul3A_56 = arith.mulf %mul3A, %add3A : vector<256x256xf32>
    %broadcast_in_dim3A_57 = vector.shape_cast %select_n3A : vector<256xf32> to vector<1x256xf32>
    %mul3A_58 = vector.broadcast %broadcast_in_dim3A_57 : vector<1x256xf32> to vector<256x256xf32>
    %mul3A_59 = arith.mulf %mul3A_56, %mul3A_58 : vector<256x256xf32>
    %neg3A = arith.constant 0.000000e+00 : f32
    %neg3A_60 = vector.broadcast %neg3A : f32 to vector<256x256xf32>
    %neg3A_61 = arith.subf %neg3A_60, %mul3A_59 : vector<256x256xf32>
    %dot_general3A = arith.constant dense<0.000000e+00> : vector<256x512xf32>
    %dot_general3A_62 = tpu.matmul %neg3A_61, %pad3A_50, %dot_general3A {dimension_numbers = #tpu.dot_dimension_numbers<[1], [0], [0], [1], [0, 0, 1, 1], [], []>, transpose_lhs_hint = false} : vector<256x256xf32>, vector<256x512xf32>, vector<256x512xf32> -> vector<256x512xf32>
    %dot_general3A_63 = arith.constant dense<0.000000e+00> : vector<256x512xf32>
    %dot_general3A_64 = tpu.matmul %neg3A_61, %dot_general3A_62, %dot_general3A_63 {dimension_numbers = #tpu.dot_dimension_numbers<[1], [0], [0], [1], [0, 0, 1, 1], [], []>, transpose_lhs_hint = false} : vector<256x256xf32>, vector<256x512xf32>, vector<256x512xf32> -> vector<256x512xf32>
    %mul3A_65 = arith.constant 2.000000e+00 : f32
    %mul3A_66 = vector.broadcast %mul3A_65 : f32 to vector<256x512xf32>
    %mul3A_67 = arith.mulf %mul3A_66, %dot_general3A_64 : vector<256x512xf32>
    %sub3A = arith.subf %mul3A_67, %pad3A_50 : vector<256x512xf32>
    %get3A_68 = arith.constant 0 : index
    %get3A_69 = arith.constant 0 : index
    %get3A_70 = arith.constant 0 : index
    %get3A_71 = vector.load %arg3[%get3A_68, %get3A_69, %get3A_70] : memref<3x512x256xf32, #tpu.memory_space<vmem>>, vector<1x512x256xf32>
    %get3A_72 = vector.shape_cast %get3A_71 : vector<1x512x256xf32> to vector<512x256xf32>
    %dot_general3A_73 = arith.constant dense<0.000000e+00> : vector<256x256xf32>
    %dot_general3A_74 = tpu.matmul %pad3A_50, %get3A_72, %dot_general3A_73 {dimension_numbers = #tpu.dot_dimension_numbers<[1], [0], [0], [1], [0, 0, 1, 1], [], []>, transpose_lhs_hint = false} : vector<256x512xf32>, vector<512x256xf32>, vector<256x256xf32> -> vector<256x256xf32>
    %get3A_75 = arith.constant 1 : index
    %get3A_76 = arith.constant 0 : index
    %get3A_77 = arith.constant 0 : index
    %get3A_78 = vector.load %arg3[%get3A_75, %get3A_76, %get3A_77] : memref<3x512x256xf32, #tpu.memory_space<vmem>>, vector<1x512x256xf32>
    %get3A_79 = vector.shape_cast %get3A_78 : vector<1x512x256xf32> to vector<512x256xf32>
    %dot_general3A_80 = arith.constant dense<0.000000e+00> : vector<256x256xf32>
    %dot_general3A_81 = tpu.matmul %dot_general3A_62, %get3A_79, %dot_general3A_80 {dimension_numbers = #tpu.dot_dimension_numbers<[1], [0], [0], [1], [0, 0, 1, 1], [], []>, transpose_lhs_hint = false} : vector<256x512xf32>, vector<512x256xf32>, vector<256x256xf32> -> vector<256x256xf32>
    %add3A_82 = arith.addf %dot_general3A_74, %dot_general3A_81 : vector<256x256xf32>
    %get3A_83 = arith.constant 2 : index
    %get3A_84 = arith.constant 0 : index
    %get3A_85 = arith.constant 0 : index
    %get3A_86 = vector.load %arg3[%get3A_83, %get3A_84, %get3A_85] : memref<3x512x256xf32, #tpu.memory_space<vmem>>, vector<1x512x256xf32>
    %get3A_87 = vector.shape_cast %get3A_86 : vector<1x512x256xf32> to vector<512x256xf32>
    %dot_general3A_88 = arith.constant dense<0.000000e+00> : vector<256x256xf32>
    %dot_general3A_89 = tpu.matmul %sub3A, %get3A_87, %dot_general3A_88 {dimension_numbers = #tpu.dot_dimension_numbers<[1], [0], [0], [1], [0, 0, 1, 1], [], []>, transpose_lhs_hint = false} : vector<256x512xf32>, vector<512x256xf32>, vector<256x256xf32> -> vector<256x256xf32>
    %add3A_90 = arith.addf %add3A_82, %dot_general3A_89 : vector<256x256xf32>
    %broadcast_in_dim3A_91 = vector.shape_cast %get3A_0 : vector<256xf32> to vector<1x256xf32>
    %add3A_92 = vector.broadcast %broadcast_in_dim3A_91 : vector<1x256xf32> to vector<256x256xf32>
    %add3A_93 = arith.addf %add3A_90, %add3A_92 : vector<256x256xf32>
    %max3A = arith.constant 0.000000e+00 : f32
    %max3A_94 = vector.broadcast %max3A : f32 to vector<256x256xf32>
    %max3A_95 = arith.maximumf %add3A_93, %max3A_94 : vector<256x256xf32>
    %dot_general3A_96 = arith.constant dense<0.000000e+00> : vector<256x256xf32>
    %dot_general3A_97 = tpu.matmul %neg3A_61, %max3A_95, %dot_general3A_96 {dimension_numbers = #tpu.dot_dimension_numbers<[1], [0], [0], [1], [0, 0, 1, 1], [], []>, transpose_lhs_hint = false} : vector<256x256xf32>, vector<256x256xf32>, vector<256x256xf32> -> vector<256x256xf32>
    %dot_general3A_98 = arith.constant dense<0.000000e+00> : vector<256x256xf32>
    %dot_general3A_99 = tpu.matmul %neg3A_61, %dot_general3A_97, %dot_general3A_98 {dimension_numbers = #tpu.dot_dimension_numbers<[1], [0], [0], [1], [0, 0, 1, 1], [], []>, transpose_lhs_hint = false} : vector<256x256xf32>, vector<256x256xf32>, vector<256x256xf32> -> vector<256x256xf32>
    %mul3A_100 = arith.constant 2.000000e+00 : f32
    %mul3A_101 = vector.broadcast %mul3A_100 : f32 to vector<256x256xf32>
    %mul3A_102 = arith.mulf %mul3A_101, %dot_general3A_99 : vector<256x256xf32>
    %sub3A_103 = arith.subf %mul3A_102, %max3A_95 : vector<256x256xf32>
    %get3A_104 = arith.constant 0 : index
    %get3A_105 = arith.constant 0 : index
    %get3A_106 = arith.constant 0 : index
    %get3A_107 = vector.load %arg5[%get3A_104, %get3A_105, %get3A_106] : memref<3x256x2xf32, #tpu.memory_space<vmem>>, vector<1x256x2xf32>
    %get3A_108 = vector.shape_cast %get3A_107 : vector<1x256x2xf32> to vector<256x2xf32>
    %dot_general3A_109 = arith.constant dense<0.000000e+00> : vector<256x2xf32>
    %dot_general3A_110 = tpu.matmul %max3A_95, %get3A_108, %dot_general3A_109 {dimension_numbers = #tpu.dot_dimension_numbers<[1], [0], [0], [1], [0, 0, 1, 1], [], []>, transpose_lhs_hint = false} : vector<256x256xf32>, vector<256x2xf32>, vector<256x2xf32> -> vector<256x2xf32>
    %get3A_111 = arith.constant 1 : index
    %get3A_112 = arith.constant 0 : index
    %get3A_113 = arith.constant 0 : index
    %get3A_114 = vector.load %arg5[%get3A_111, %get3A_112, %get3A_113] : memref<3x256x2xf32, #tpu.memory_space<vmem>>, vector<1x256x2xf32>
    %get3A_115 = vector.shape_cast %get3A_114 : vector<1x256x2xf32> to vector<256x2xf32>
    %dot_general3A_116 = arith.constant dense<0.000000e+00> : vector<256x2xf32>
    %dot_general3A_117 = tpu.matmul %dot_general3A_97, %get3A_115, %dot_general3A_116 {dimension_numbers = #tpu.dot_dimension_numbers<[1], [0], [0], [1], [0, 0, 1, 1], [], []>, transpose_lhs_hint = false} : vector<256x256xf32>, vector<256x2xf32>, vector<256x2xf32> -> vector<256x2xf32>
    %add3A_118 = arith.addf %dot_general3A_110, %dot_general3A_117 : vector<256x2xf32>
    %get3A_119 = arith.constant 2 : index
    %get3A_120 = arith.constant 0 : index
    %get3A_121 = arith.constant 0 : index
    %get3A_122 = vector.load %arg5[%get3A_119, %get3A_120, %get3A_121] : memref<3x256x2xf32, #tpu.memory_space<vmem>>, vector<1x256x2xf32>
    %get3A_123 = vector.shape_cast %get3A_122 : vector<1x256x2xf32> to vector<256x2xf32>
    %dot_general3A_124 = arith.constant dense<0.000000e+00> : vector<256x2xf32>
    %dot_general3A_125 = tpu.matmul %sub3A_103, %get3A_123, %dot_general3A_124 {dimension_numbers = #tpu.dot_dimension_numbers<[1], [0], [0], [1], [0, 0, 1, 1], [], []>, transpose_lhs_hint = false} : vector<256x256xf32>, vector<256x2xf32>, vector<256x2xf32> -> vector<256x2xf32>
    %add3A_126 = arith.addf %add3A_118, %dot_general3A_125 : vector<256x2xf32>
    %broadcast_in_dim3A_127 = vector.shape_cast %get3A_2 : vector<2xf32> to vector<1x2xf32>
    %add3A_128 = vector.broadcast %broadcast_in_dim3A_127 : vector<1x2xf32> to vector<256x2xf32>
    %add3A_129 = arith.addf %add3A_126, %add3A_128 : vector<256x2xf32>
    %dot_general3A_130 = arith.constant dense<0.000000e+00> : vector<2x100xf32>
    %dot_general3A_131 = tpu.matmul %add3A_129, %pad3A_6, %dot_general3A_130 {dimension_numbers = #tpu.dot_dimension_numbers<[0], [0], [1], [1], [0, 1, 1, 1], [], []>, transpose_lhs_hint = false} : vector<256x2xf32>, vector<256x100xf32>, vector<2x100xf32> -> vector<2x100xf32>
    %broadcast_in_dim3A_132 = vector.shape_cast %get3A_14 : vector<100xf32> to vector<1x100xf32>
    %add3A_133 = vector.broadcast %broadcast_in_dim3A_132 : vector<1x100xf32> to vector<2x100xf32>
    %add3A_134 = arith.addf %dot_general3A_131, %add3A_133 : vector<2x100xf32>
    %max3A_135 = arith.constant 0.000000e+00 : f32
    %max3A_136 = vector.broadcast %max3A_135 : f32 to vector<2x100xf32>
    %max3A_137 = arith.maximumf %add3A_134, %max3A_136 : vector<2x100xf32>
    %dot_general3A_138 = arith.constant dense<0.000000e+00> : vector<2x50xf32>
    %dot_general3A_139 = tpu.matmul %max3A_137, %get3A_9, %dot_general3A_138 {dimension_numbers = #tpu.dot_dimension_numbers<[1], [0], [0], [1], [0, 0, 1, 1], [], []>, transpose_lhs_hint = false} : vector<2x100xf32>, vector<100x50xf32>, vector<2x50xf32> -> vector<2x50xf32>
    %broadcast_in_dim3A_140 = vector.shape_cast %get3A_16 : vector<50xf32> to vector<1x50xf32>
    %add3A_141 = vector.broadcast %broadcast_in_dim3A_140 : vector<1x50xf32> to vector<2x50xf32>
    %add3A_142 = arith.addf %dot_general3A_139, %add3A_141 : vector<2x50xf32>
    %max3A_143 = arith.constant 0.000000e+00 : f32
    %max3A_144 = vector.broadcast %max3A_143 : f32 to vector<2x50xf32>
    %max3A_145 = arith.maximumf %add3A_142, %max3A_144 : vector<2x50xf32>
    %dot_general3A_146 = arith.constant dense<0.000000e+00> : vector<2x1xf32>
    %dot_general3A_147 = tpu.matmul %max3A_145, %get3A_12, %dot_general3A_146 {dimension_numbers = #tpu.dot_dimension_numbers<[1], [0], [0], [1], [0, 0, 1, 1], [], []>, transpose_lhs_hint = false} : vector<2x50xf32>, vector<50x1xf32>, vector<2x1xf32> -> vector<2x1xf32>
    %broadcast_in_dim3A_148 = vector.shape_cast %get3A_18 : vector<1xf32> to vector<1x1xf32>
    %add3A_149 = vector.broadcast %broadcast_in_dim3A_148 : vector<1x1xf32> to vector<2x1xf32>
    %add3A_150 = arith.addf %dot_general3A_147, %add3A_149 : vector<2x1xf32>
    %swap3A = arith.constant 0 : index
    %swap3A_151 = arith.constant 0 : index
    %swap3A_152 = vector.load %arg13[%swap3A, %swap3A_151] : memref<2x1xf32, #tpu.memory_space<vmem>>, vector<2x1xf32>
    tpu.vector_store %arg13[%swap3A, %swap3A_151], %add3A_150 {strides = array<i32>} : memref<2x1xf32, #tpu.memory_space<vmem>>, vector<2x1xf32>,
    %get3A_153 = arith.constant 0 : index
    %get3A_154 = arith.constant 0 : index
    %get3A_155 = vector.load %arg2[%get3A_153, %get3A_154] : memref<200x512xf32, #tpu.memory_space<vmem>>, vector<200x512xf32>
    %jit3A_156 = arith.constant 0 : i32
    %convert_element_type3A_157 = arith.sitofp %jit3A_156 : i32 to f32
    %pad3A_158 = vector.broadcast %convert_element_type3A_157 : f32 to vector<56x512xf32>
    %pad3A_159 = tpu.concatenate %get3A_155, %pad3A_158 in 0 : vector<200x512xf32>, vector<56x512xf32> -> vector<256x512xf32>
    %reduce_sum3A_160 = arith.constant dense<0.000000e+00> : vector<256xf32>
    %reduce_sum3A_161 = vector.multi_reduction <add>, %add3A_43, %reduce_sum3A_160 [0] : vector<256x256xf32> to vector<256xf32>
    %gt3A_162 = arith.constant 0.000000e+00 : f32
    %gt3A_163 = vector.broadcast %gt3A_162 : f32 to vector<256xf32>
    %gt3A_164 = arith.cmpf ogt, %reduce_sum3A_161, %gt3A_163 : vector<256xf32>
    %rsqrt3A_165 = math.rsqrt %reduce_sum3A_161 : vector<256xf32>
    %jit3A_166 = arith.constant 0.000000e+00 : f32
    %broadcast_in_dim3A_167 = vector.broadcast %jit3A_166 : f32 to vector<256xf32>
    %select_n3A_168 = arith.select %gt3A_164, %rsqrt3A_165, %broadcast_in_dim3A_167 : vector<256xi1>, vector<256xf32>
    %broadcast_in_dim3A_169 = vector.shape_cast %select_n3A_168 : vector<256xf32> to vector<256x1xf32>
    %mul3A_170 = vector.broadcast %broadcast_in_dim3A_169 : vector<256x1xf32> to vector<256x256xf32>
    %mul3A_171 = arith.mulf %mul3A_170, %add3A_43 : vector<256x256xf32>
    %broadcast_in_dim3A_172 = vector.shape_cast %select_n3A_168 : vector<256xf32> to vector<1x256xf32>
    %mul3A_173 = vector.broadcast %broadcast_in_dim3A_172 : vector<1x256xf32> to vector<256x256xf32>
    %mul3A_174 = arith.mulf %mul3A_171, %mul3A_173 : vector<256x256xf32>
    %neg3A_175 = arith.constant 0.000000e+00 : f32
    %neg3A_176 = vector.broadcast %neg3A_175 : f32 to vector<256x256xf32>
    %neg3A_177 = arith.subf %neg3A_176, %mul3A_174 : vector<256x256xf32>
    %dot_general3A_178 = arith.constant dense<0.000000e+00> : vector<256x512xf32>
    %dot_general3A_179 = tpu.matmul %neg3A_177, %pad3A_159, %dot_general3A_178 {dimension_numbers = #tpu.dot_dimension_numbers<[1], [0], [0], [1], [0, 0, 1, 1], [], []>, transpose_lhs_hint = false} : vector<256x256xf32>, vector<256x512xf32>, vector<256x512xf32> -> vector<256x512xf32>
    %dot_general3A_180 = arith.constant dense<0.000000e+00> : vector<256x512xf32>
    %dot_general3A_181 = tpu.matmul %neg3A_177, %dot_general3A_179, %dot_general3A_180 {dimension_numbers = #tpu.dot_dimension_numbers<[1], [0], [0], [1], [0, 0, 1, 1], [], []>, transpose_lhs_hint = false} : vector<256x256xf32>, vector<256x512xf32>, vector<256x512xf32> -> vector<256x512xf32>
    %mul3A_182 = arith.constant 2.000000e+00 : f32
    %mul3A_183 = vector.broadcast %mul3A_182 : f32 to vector<256x512xf32>
    %mul3A_184 = arith.mulf %mul3A_183, %dot_general3A_181 : vector<256x512xf32>
    %sub3A_185 = arith.subf %mul3A_184, %pad3A_159 : vector<256x512xf32>
    %get3A_186 = arith.constant 0 : index
    %get3A_187 = arith.constant 0 : index
    %get3A_188 = arith.constant 0 : index
    %get3A_189 = vector.load %arg3[%get3A_186, %get3A_187, %get3A_188] : memref<3x512x256xf32, #tpu.memory_space<vmem>>, vector<1x512x256xf32>
    %get3A_190 = vector.shape_cast %get3A_189 : vector<1x512x256xf32> to vector<512x256xf32>
    %dot_general3A_191 = arith.constant dense<0.000000e+00> : vector<256x256xf32>
    %dot_general3A_192 = tpu.matmul %pad3A_159, %get3A_190, %dot_general3A_191 {dimension_numbers = #tpu.dot_dimension_numbers<[1], [0], [0], [1], [0, 0, 1, 1], [], []>, transpose_lhs_hint = false} : vector<256x512xf32>, vector<512x256xf32>, vector<256x256xf32> -> vector<256x256xf32>
    %get3A_193 = arith.constant 1 : index
    %get3A_194 = arith.constant 0 : index
    %get3A_195 = arith.constant 0 : index
    %get3A_196 = vector.load %arg3[%get3A_193, %get3A_194, %get3A_195] : memref<3x512x256xf32, #tpu.memory_space<vmem>>, vector<1x512x256xf32>
    %get3A_197 = vector.shape_cast %get3A_196 : vector<1x512x256xf32> to vector<512x256xf32>
    %dot_general3A_198 = arith.constant dense<0.000000e+00> : vector<256x256xf32>
    %dot_general3A_199 = tpu.matmul %dot_general3A_179, %get3A_197, %dot_general3A_198 {dimension_numbers = #tpu.dot_dimension_numbers<[1], [0], [0], [1], [0, 0, 1, 1], [], []>, transpose_lhs_hint = false} : vector<256x512xf32>, vector<512x256xf32>, vector<256x256xf32> -> vector<256x256xf32>
    %add3A_200 = arith.addf %dot_general3A_192, %dot_general3A_199 : vector<256x256xf32>
    %get3A_201 = arith.constant 2 : index
    %get3A_202 = arith.constant 0 : index
    %get3A_203 = arith.constant 0 : index
    %get3A_204 = vector.load %arg3[%get3A_201, %get3A_202, %get3A_203] : memref<3x512x256xf32, #tpu.memory_space<vmem>>, vector<1x512x256xf32>
    %get3A_205 = vector.shape_cast %get3A_204 : vector<1x512x256xf32> to vector<512x256xf32>
    %dot_general3A_206 = arith.constant dense<0.000000e+00> : vector<256x256xf32>
    %dot_general3A_207 = tpu.matmul %sub3A_185, %get3A_205, %dot_general3A_206 {dimension_numbers = #tpu.dot_dimension_numbers<[1], [0], [0], [1], [0, 0, 1, 1], [], []>, transpose_lhs_hint = false} : vector<256x512xf32>, vector<512x256xf32>, vector<256x256xf32> -> vector<256x256xf32>
    %add3A_208 = arith.addf %add3A_200, %dot_general3A_207 : vector<256x256xf32>
    %broadcast_in_dim3A_209 = vector.shape_cast %get3A_0 : vector<256xf32> to vector<1x256xf32>
    %add3A_210 = vector.broadcast %broadcast_in_dim3A_209 : vector<1x256xf32> to vector<256x256xf32>
    %add3A_211 = arith.addf %add3A_208, %add3A_210 : vector<256x256xf32>
    %max3A_212 = arith.constant 0.000000e+00 : f32
    %max3A_213 = vector.broadcast %max3A_212 : f32 to vector<256x256xf32>
    %max3A_214 = arith.maximumf %add3A_211, %max3A_213 : vector<256x256xf32>
    %dot_general3A_215 = arith.constant dense<0.000000e+00> : vector<256x256xf32>
    %dot_general3A_216 = tpu.matmul %neg3A_177, %max3A_214, %dot_general3A_215 {dimension_numbers = #tpu.dot_dimension_numbers<[1], [0], [0], [1], [0, 0, 1, 1], [], []>, transpose_lhs_hint = false} : vector<256x256xf32>, vector<256x256xf32>, vector<256x256xf32> -> vector<256x256xf32>
    %dot_general3A_217 = arith.constant dense<0.000000e+00> : vector<256x256xf32>
    %dot_general3A_218 = tpu.matmul %neg3A_177, %dot_general3A_216, %dot_general3A_217 {dimension_numbers = #tpu.dot_dimension_numbers<[1], [0], [0], [1], [0, 0, 1, 1], [], []>, transpose_lhs_hint = false} : vector<256x256xf32>, vector<256x256xf32>, vector<256x256xf32> -> vector<256x256xf32>
    %mul3A_219 = arith.constant 2.000000e+00 : f32
    %mul3A_220 = vector.broadcast %mul3A_219 : f32 to vector<256x256xf32>
    %mul3A_221 = arith.mulf %mul3A_220, %dot_general3A_218 : vector<256x256xf32>
    %sub3A_222 = arith.subf %mul3A_221, %max3A_214 : vector<256x256xf32>
    %get3A_223 = arith.constant 0 : index
    %get3A_224 = arith.constant 0 : index
    %get3A_225 = arith.constant 0 : index
    %get3A_226 = vector.load %arg5[%get3A_223, %get3A_224, %get3A_225] : memref<3x256x2xf32, #tpu.memory_space<vmem>>, vector<1x256x2xf32>
    %get3A_227 = vector.shape_cast %get3A_226 : vector<1x256x2xf32> to vector<256x2xf32>
    %dot_general3A_228 = arith.constant dense<0.000000e+00> : vector<256x2xf32>
    %dot_general3A_229 = tpu.matmul %max3A_214, %get3A_227, %dot_general3A_228 {dimension_numbers = #tpu.dot_dimension_numbers<[1], [0], [0], [1], [0, 0, 1, 1], [], []>, transpose_lhs_hint = false} : vector<256x256xf32>, vector<256x2xf32>, vector<256x2xf32> -> vector<256x2xf32>
    %get3A_230 = arith.constant 1 : index
    %get3A_231 = arith.constant 0 : index
    %get3A_232 = arith.constant 0 : index
    %get3A_233 = vector.load %arg5[%get3A_230, %get3A_231, %get3A_232] : memref<3x256x2xf32, #tpu.memory_space<vmem>>, vector<1x256x2xf32>
    %get3A_234 = vector.shape_cast %get3A_233 : vector<1x256x2xf32> to vector<256x2xf32>
    %dot_general3A_235 = arith.constant dense<0.000000e+00> : vector<256x2xf32>
    %dot_general3A_236 = tpu.matmul %dot_general3A_216, %get3A_234, %dot_general3A_235 {dimension_numbers = #tpu.dot_dimension_numbers<[1], [0], [0], [1], [0, 0, 1, 1], [], []>, transpose_lhs_hint = false} : vector<256x256xf32>, vector<256x2xf32>, vector<256x2xf32> -> vector<256x2xf32>
    %add3A_237 = arith.addf %dot_general3A_229, %dot_general3A_236 : vector<256x2xf32>
    %get3A_238 = arith.constant 2 : index
    %get3A_239 = arith.constant 0 : index
    %get3A_240 = arith.constant 0 : index
    %get3A_241 = vector.load %arg5[%get3A_238, %get3A_239, %get3A_240] : memref<3x256x2xf32, #tpu.memory_space<vmem>>, vector<1x256x2xf32>
    %get3A_242 = vector.shape_cast %get3A_241 : vector<1x256x2xf32> to vector<256x2xf32>
    %dot_general3A_243 = arith.constant dense<0.000000e+00> : vector<256x2xf32>
    %dot_general3A_244 = tpu.matmul %sub3A_222, %get3A_242, %dot_general3A_243 {dimension_numbers = #tpu.dot_dimension_numbers<[1], [0], [0], [1], [0, 0, 1, 1], [], []>, transpose_lhs_hint = false} : vector<256x256xf32>, vector<256x2xf32>, vector<256x2xf32> -> vector<256x2xf32>
    %add3A_245 = arith.addf %add3A_237, %dot_general3A_244 : vector<256x2xf32>
    %broadcast_in_dim3A_246 = vector.shape_cast %get3A_2 : vector<2xf32> to vector<1x2xf32>
    %add3A_247 = vector.broadcast %broadcast_in_dim3A_246 : vector<1x2xf32> to vector<256x2xf32>
    %add3A_248 = arith.addf %add3A_245, %add3A_247 : vector<256x2xf32>
    %dot_general3A_249 = arith.constant dense<0.000000e+00> : vector<2x100xf32>
    %dot_general3A_250 = tpu.matmul %add3A_248, %pad3A_6, %dot_general3A_249 {dimension_numbers = #tpu.dot_dimension_numbers<[0], [0], [1], [1], [0, 1, 1, 1], [], []>, transpose_lhs_hint = false} : vector<256x2xf32>, vector<256x100xf32>, vector<2x100xf32> -> vector<2x100xf32>
    %broadcast_in_dim3A_251 = vector.shape_cast %get3A_14 : vector<100xf32> to vector<1x100xf32>
    %add3A_252 = vector.broadcast %broadcast_in_dim3A_251 : vector<1x100xf32> to vector<2x100xf32>
    %add3A_253 = arith.addf %dot_general3A_250, %add3A_252 : vector<2x100xf32>
    %max3A_254 = arith.constant 0.000000e+00 : f32
    %max3A_255 = vector.broadcast %max3A_254 : f32 to vector<2x100xf32>
    %max3A_256 = arith.maximumf %add3A_253, %max3A_255 : vector<2x100xf32>
    %dot_general3A_257 = arith.constant dense<0.000000e+00> : vector<2x50xf32>
    %dot_general3A_258 = tpu.matmul %max3A_256, %get3A_9, %dot_general3A_257 {dimension_numbers = #tpu.dot_dimension_numbers<[1], [0], [0], [1], [0, 0, 1, 1], [], []>, transpose_lhs_hint = false} : vector<2x100xf32>, vector<100x50xf32>, vector<2x50xf32> -> vector<2x50xf32>
    %broadcast_in_dim3A_259 = vector.shape_cast %get3A_16 : vector<50xf32> to vector<1x50xf32>
    %add3A_260 = vector.broadcast %broadcast_in_dim3A_259 : vector<1x50xf32> to vector<2x50xf32>
    %add3A_261 = arith.addf %dot_general3A_258, %add3A_260 : vector<2x50xf32>
    %max3A_262 = arith.constant 0.000000e+00 : f32
    %max3A_263 = vector.broadcast %max3A_262 : f32 to vector<2x50xf32>
    %max3A_264 = arith.maximumf %add3A_261, %max3A_263 : vector<2x50xf32>
    %dot_general3A_265 = arith.constant dense<0.000000e+00> : vector<2x1xf32>
    %dot_general3A_266 = tpu.matmul %max3A_264, %get3A_12, %dot_general3A_265 {dimension_numbers = #tpu.dot_dimension_numbers<[1], [0], [0], [1], [0, 0, 1, 1], [], []>, transpose_lhs_hint = false} : vector<2x50xf32>, vector<50x1xf32>, vector<2x1xf32> -> vector<2x1xf32>
    %broadcast_in_dim3A_267 = vector.shape_cast %get3A_18 : vector<1xf32> to vector<1x1xf32>
    %add3A_268 = vector.broadcast %broadcast_in_dim3A_267 : vector<1x1xf32> to vector<2x1xf32>
    %add3A_269 = arith.addf %dot_general3A_266, %add3A_268 : vector<2x1xf32>
    %swap3A_270 = arith.constant 0 : index
    %swap3A_271 = arith.constant 0 : index
    %swap3A_272 = vector.load %arg14[%swap3A_270, %swap3A_271] : memref<2x1xf32, #tpu.memory_space<vmem>>, vector<2x1xf32>
    tpu.vector_store %arg14[%swap3A_270, %swap3A_271], %add3A_269 {strides = array<i32>} : memref<2x1xf32, #tpu.memory_space<vmem>>, vector<2x1xf32>,
    return
  }
}

</mosaic_0001>

<sc_bundles>
// kernel: kernel.4.cloned.1.call-start
scs
__scs_entry_jumppad:
0x0: {  	(pc) =	sbr.rel $0x88, $3  }
0x1: {  	(tag) =	ssettag $0x0;
	lr =	simm.s32 $0x1  }
0x2: {  	[smem:$0x3F91] =	sst lr;
	_ =	strace $0xD0000000  }
0x3: {  	_ = 	snop  }
0x4: {  	_ = 	snop  }
0x5: {  	_ = 	snop  }
0x6: {  	_ = 	snop  }
0x7: {  	_ = 	snop  }
__scs_overlays_trampoline_lowered:
0x8: {  	[smem:$0x3FA0] =	sst s0  }
0x9: {  	[smem:$0x3FA1] =	sst s1  }
0xa: {  	[smem:$0x3FA2] =	sst s2  }
0xb: {  	[smem:$0x3FA3] =	sst s3  }
0xc: {  	[smem:$0x3FA4] =	sst s4  }
0xd: {  	[smem:$0x3FA5] =	sst s5  }
0xe: {  	[smem:$0x3FA6] =	sst s6  }
0xf: {  	[smem:$0x3FA7] =	sst s7  }
0x10: {  	[smem:$0x3FA8] =	sst s8  }
0x11: {  	[smem:$0x3FA9] =	sst s9;
	s0 =	simm.s32 @!p0 $0x0  }
0x12: {  	s1 =	sld [smem:$0x3F8F];
	s0 =	simm.s32 @p0 $0x1  }
0x13: {  	[smem:$0x3FAA] =	sst s0;
	s0 =	simm.s32 @!p1 $0x0  }
0x14: {  	s2 =	sld [smem:$0x3F8E];
	s0 =	simm.s32 @p1 $0x1  }
0x15: {  	[smem:$0x3FAB] =	sst s0;
	s0 =	simm.s32 @!p2 $0x0  }
0x16: {  	s3 =	sld [smem:$0x3FDB];
	s0 =	simm.s32 @p2 $0x1  }
0x17: {  	s4 =	simm.s32 $0x1BF5;
	[smem:$0x3FAD] =	sst s0  }
0x18: {  	s0 =	sld [smem:$0x3F90];
	_ =	swait.ge [sflag:s4], $0x0  }
0x19: {  	s7 =	sld [smem:$0x3F91]  }
0x1a: {  	s8 =	sadd.s32 $0xFFFFE003, lr  }
0x1b: {  	s9 =	sadd.s32 $0xFFFFFEF7, lr;
	s5 =	simm.s32 $0xFFFFFFFF;
	p2 =	slt.u32 s8, $0xFFFFF086  }
0x1c: {  	p1 =	slt.u32 s9, $0xF7A;
	s5 =	simm.s32 @!p2 $0x0  }
0x1d: {  	s5 =	simm.s32 @p1 $0x1;
	p0 =	seq.s32 s7, s2  }
0x1e: {  	s7 =	smul.u32 @!p0 $0xF7A, s2;
	p2 =	seq.s32 @!p0 s5, $0x0  }
0x1f: {  	s9 =	smul.u32 $0xF7A, s1;
	s8 =	simm.s32 @!p0 $0x1BF5;
	p2 =	por !p2, p0  }
0x20: {  	[sflag:s8] =	ssyncset.s32 @!p0 $0xFFFFF086;
	s6 =	sadd.s32 @!p0 s3, s7;
	s7 =	simm.s32 @!p0 $0x108  }
0x21: {  	s3 =	sadd.s32 s3, s9;
	s6 =	sadd.s32 @!p0 $0x88, s6;
	s7 =	simm.s32 @p2 $0x1082  }
0x22: {  	[simem:s7], [sflag:s8] =	dma.local @!p0 [hbm:s6], $0xF7A  }
0x23: {  	s9 =	sor.u32 $0xD0000000, s2;
	s6 =	simm.s32 $0x108;
	_ =	swait.ge @!p0 [sflag:s8], $0x0  }
0x24: {  	s3 =	sadd.s32 $0x88, s3;
	s6 =	simm.s32 @!p1 $0x1082;
	[sflag:s4] =	ssyncset.s32 $0xFFFFF086  }
0x25: {  	[simem:s6], [sflag:s4] =	dma.local [hbm:s3], $0xF7A  }
0x26: {  	[smem:$0x3F91] =	sst s1;
	(tag) =	ssettag s2;
	_ =	strace s9  }
0x27: {  	s1 =	sld [smem:$0x3FA1]  }
0x28: {  	s2 =	sld [smem:$0x3FA2]  }
0x29: {  	s4 =	sld [smem:$0x3FA4]  }
0x2a: {  	p0 =	seq.s32 s5, $0x0;
	s5 =	sld [smem:$0x3FA5]  }
0x2b: {  	s6 =	sld [smem:$0x3FA6]  }
0x2c: {  	s7 =	sld [smem:$0x3FA7]  }
0x2d: {  	s3 =	simm.s32 $0x108;
	s8 =	sld [smem:$0x3FA8]  }
0x2e: {  	s3 =	simm.s32 @!p0 $0x1082;
	s9 =	sld [smem:$0x3FA9]  }
0x2f: {  	lr =	sadd.s32 s0, s3;
	s0 =	sld [smem:$0x3FA0]  }
0x30: {  	s3 =	sld [smem:$0x3FA3]  }
0x31: {  	[smem:$0x3FAC] =	sst s10  }
0x32: {  	s10 =	sld [smem:$0x3FAA];
	_ =	sdelay $0x3  }
0x33: {  	p0 =	seq.s32 s10, $0x1;
	s10 =	sld [smem:$0x3FAC];
	_ =	sdelay $0x3  }
0x34: {  	[smem:$0x3FAC] =	sst s10  }
0x35: {  	s10 =	sld [smem:$0x3FAB];
	_ =	sdelay $0x3  }
0x36: {  	p1 =	seq.s32 s10, $0x1;
	s10 =	sld [smem:$0x3FAC];
	_ =	sdelay $0x3  }
0x37: {  	[smem:$0x3FAC] =	sst s10  }
0x38: {  	s10 =	sld [smem:$0x3FAD]  }
0x39: {  	_ = 	snop;
	(pc) =	sbr.ind lr, $3  }
0x3a: {  	_ = 	snop  }
0x3b: {  	_ = 	snop  }
0x3c: {  	p2 =	seq.s32 s10, $0x1;
	s10 =	sld [smem:$0x3FAC]  }
0x3d: {  	_ =	shalt  }
0x3e: {  	_ =	shalt  }
0x3f: {  	_ =	shalt  }
0x40: {  	_ =	shalt  }
0x41: {  	_ =	shalt  }
0x42: {  	_ =	shalt  }
0x43: {  	_ =	shalt  }
0x44: {  	_ =	shalt  }
0x45: {  	_ =	shalt  }
0x46: {  	_ =	shalt  }
0x47: {  	_ =	shalt  }
0x48: {  	_ =	shalt  }
0x49: {  	_ =	shalt  }
0x4a: {  	_ =	shalt  }
0x4b: {  	_ =	shalt  }
0x4c: {  	_ =	shalt  }
0x4d: {  	_ =	shalt  }
0x4e: {  	_ =	shalt  }
0x4f: {  	_ =	shalt  }
0x50: {  	_ =	shalt  }
0x51: {  	_ =	shalt  }
0x52: {  	_ =	shalt  }
0x53: {  	_ =	shalt  }
0x54: {  	_ =	shalt  }
0x55: {  	_ =	shalt  }
0x56: {  	_ =	shalt  }
0x57: {  	_ =	shalt  }
0x58: {  	_ =	shalt  }
0x59: {  	_ =	shalt  }
0x5a: {  	_ =	shalt  }
0x5b: {  	_ =	shalt  }
0x5c: {  	_ =	shalt  }
0x5d: {  	_ =	shalt  }
0x5e: {  	_ =	shalt  }
0x5f: {  	_ =	shalt  }
0x60: {  	_ =	shalt  }
0x61: {  	_ =	shalt  }
0x62: {  	_ =	shalt  }
0x63: {  	_ =	shalt  }
0x64: {  	_ =	shalt  }
0x65: {  	_ =	shalt  }
0x66: {  	_ =	shalt  }
0x67: {  	_ =	shalt  }
0x68: {  	_ =	shalt  }
0x69: {  	_ =	shalt  }
0x6a: {  	_ =	shalt  }
0x6b: {  	_ =	shalt  }
0x6c: {  	_ =	shalt  }
0x6d: {  	_ =	shalt  }
0x6e: {  	_ =	shalt  }
0x6f: {  	_ =	shalt  }
0x70: {  	_ =	shalt  }
0x71: {  	_ =	shalt  }
0x72: {  	_ =	shalt  }
0x73: {  	_ =	shalt  }
0x74: {  	_ =	shalt  }
0x75: {  	_ =	shalt  }
0x76: {  	_ =	shalt  }
0x77: {  	_ =	shalt  }
0x78: {  	_ =	shalt  }
0x79: {  	_ =	shalt  }
0x7a: {  	_ =	shalt  }
0x7b: {  	_ =	shalt  }
0x7c: {  	_ =	shalt  }
0x7d: {  	_ =	shalt  }
0x7e: {  	_ =	shalt  }
0x7f: {  	_ =	shalt  }
0x80: {  	_ =	shalt  }
0x81: {  	_ =	shalt  }
0x82: {  	_ =	shalt  }
0x83: {  	_ =	shalt  }
0x84: {  	_ =	shalt  }
0x85: {  	_ =	shalt  }
0x86: {  	_ =	shalt  }
0x87: {  	_ =	shalt  }
.Lfunc_end0:
.L_simem_size_0:
called_computation_lowered:
.L_overlay_start_0:
0x88: {  	s2 =	sld [smem:$0x3FD9]  }
0x89: {  	s3 =	sld [smem:$0x3FFE];
	_ =	sdelay $0x1  }
0x8a: {  	s1 =	srdreg.scid  }
0x8b: {  	s0 =	sand.u32 $0x1, s1  }
0x8c: {  	s16 =	sshll.u32 s0, $0xA;
	s2 =	sadd.s32 s3, s2  }
0x8d: {  	s2 =	sadd.s32 s2, s16  }
0x8e: {  	[smem:$0x3FB8] =	sst s2  }
0x8f: {  	_ = 	snop  }
0x90: {  	(tm) =	ssettm $0x1  }
0x91: {  	s17 =	sld [smem:$0x3FFB];
	_ =	sdelay $0x3  }
0x92: {  	_ =	strace s17  }
0x93: {  	s2 =	sld [smem:$0x3FFC];
	_ =	sdelay $0x3  }
0x94: {  	_ =	strace s2  }
0x95: {  	s2 =	sld [smem:$0x3FFD];
	_ =	sdelay $0x3  }
0x96: {  	_ =	strace s2  }
0x97: {  	_ =	strace $0x8FFFFFFF  }
0x98: {  	s18 =	sld [smem:$0x3FDB];
	_ =	sdelay $0x1  }
0x99: {  	s19 =	simm.s32 $_scs_section_size  }
0x9a: {  	s4 =	simm.s32 $_size__tile_overlayer_lowered;
	s5 =	simm.s32 $_tile_overlayer_lowered  }
0x9b: {  	s22 =	simm.s32 $0x1BFF;
	s21 =	sshll.u32 s5, $0x1;
	s2 =	sadd.s32 s19, s18  }
0x9c: {  	s6 =	simm.s32 $0x0;
	s20 =	sshll.u32 s4, $0x1;
	s4 =	sadd.s32 s21, s2  }
0x9d: {  	[timem:s6], [sflag:s22] =	dma.local [hbm:s4], s20  }
0x9e: {  	_ =	swait.ge [sflag:s22], s20  }
0x9f: {  	s3 =	ssub.s32 $0x0, s20;
	[sflag:s22] =	ssyncset.done $0x0  }
0xa0: {  	[sflag:s22] =	ssyncadd.s32 s3;
	_ =	sdelay $0x1  }
0xa1: {  	s23 =	simm.s32 $0x1B8B  }
0xa2: {  	_ =	swait.ge [sflag:s23], $0x1  }
0xa3: {  	[sflag:s23] =	ssyncset.done $0x0  }
0xa4: {  	s25 =	simm.s32 $0x1B8E;
	s24 =	sld [smem:$0x3FFE];
	[sflag:s23] =	ssyncadd.s32 $0xFFFFFFFF  }
0xa5: {  	s26 =	simm.s32 $execute0_lowered;
	[smem:$0x3FD2] =	sst s25  }
0xa6: {  	s4 =	sshll.u32 s26, $0x1;
	_ =	strace $0x80000046;
	[dreg:$0x1] =	wrdreg $0xFFFFFFFF  }
0xa7: {  	s28 =	simm.s32 $_size_execute0_lowered;
	s2 =	sadd.s32 s2, s4;
	[dreg:$0x0] =	wrdreg $0x0  }
0xa8: {  	s4 =	sshll.u32 s28, $0x1;
	[dreg:$0x2] =	wrdreg s2  }
0xa9: {  	[dreg:$0x3] =	wrdreg s4  }
0xaa: {  	[dreg:$0x4] =	wrdreg $0xC0  }
0xab: {  	_ =	task [dreg:s6], $0x5FFFF  }
0xac: {  	[dreg:$0x1] =	wrdreg $0xFFFFFFFF  }
0xad: {  	[dreg:$0x0] =	wrdreg $0x60  }
0xae: {  	[dreg:$0x2] =	wrdreg s24  }
0xaf: {  	[dreg:$0x3] =	wrdreg $0x20000  }
0xb0: {  	[dreg:$0x4] =	wrdreg $0x9  }
0xb1: {  	_ =	task.clear_ibuf [dreg:s6], $0x5FFFF;
	_ =	strace $0x90000046  }
0xb2: {  	s29 =	simm.s32 $0x9;
	_ =	strace $0x80000048  }
0xb3: {  	_ =	swait.ge [sflag:s29], $0x1  }
0xb4: {  	[sflag:s29] =	ssyncadd.s32 $0xFFFFFFFF  }
0xb5: {  	_ =	strace $0x90000048  }
0xb6: {  	_ =	sfence  }
0xb7: {  	s30 =	sld [smem:$0x0];
	_ =	sdelay $0x2  }
0xb8: {  	s31 =	sshll.u32 s1, $0xD;
	s1 =	sshrl.u32 s1, $0x2  }
0xb9: {  	s3 =	sand.u32 $0x4000, s31;
	s1 =	sadd.s32 s1, s30  }
0xba: {  	s0 =	sor.u32 s3, s0;
	s1 =	sshll.u32 s1, $0x11  }
0xbb: {  	s0 =	sor.u32 s1, s0  }
0xbc: {  	s0 =	sadd.s32 $0x8F2B, s0  }
0xbd: {  	[sflag:s0] =	ssyncadd.remote.s32 $0x1  }
0xbe: {  	_ =	sfence.sel $0xFFFF  }
0xbf: {  	[dreg:$0x0] =	wrdreg $0xFFFFFFFF;
	(pc) =	sbr.abs _section_cstart, $3  }
0xc0: {  	[dreg:$0x1] =	wrdreg $0xFFFFFFFF  }
0xc1: {  	_ =	task.clear_ibuf [dreg:s6], $0x2FFFF;
	_ =	strace $0x9FFFFFFF  }
0xc2: {  	(tm) =	ssettm $0x7FFFFFFF  }
0xc3: {  	_ =	shalt  }
tec
execute0_lowered:
.L_overlay_start_1:
0x0: {  	(tag) =	ssettag $0x1  }
0x1: {  	s5 =	rddreg [dreg:$0x0]  }
0x2: {  	s2 =	rddreg [dreg:$0x1];
	s3 =	srdreg.scid  }
0x3: {  	s0 =	stileid.u32;
	s25 =	simm.s32 $0x800;
	s26 =	simm.s32 $0x1800  }
0x4: {  	s11 =	simm.s32 $0x1080;
	s12 =	simm.s32 $0x1900;
	s13 =	simm.s32 $0x1100  }
0x5: {  	s14 =	simm.s32 $0x1980;
	s15 =	simm.s32 $0x1180;
	s16 =	simm.s32 $0x1A00  }
0x6: {  	s17 =	simm.s32 $0x1200;
	s18 =	simm.s32 $0x1A80;
	s28 =	simm.s32 $0x1480  }
0x7: {  	s29 =	simm.s32 $0x20;
	s30 =	simm.s32 $0x10;
	s31 =	simm.s32 $0x2  }
0x8: {  	s6 =	sand.u32 $0x1, s3;
	s3 =	simm.s32 $0x0;
	s4 =	sshll.u32 s0, $0x9  }
0x9: {  	s19 =	sadd.s32 $0x7000, s5;
	s10 =	sshll.u32 s0, $0xB;
	s23 =	sshll.u32 s0, $0xD  }
0xa: {  	s7 =	sshll.u32 s6, $0x8;
	[smem:$0x7FF] =	sst s3;
	s8 =	sshll.u32 s6, $0x4  }
0xb: {  	s6 =	ssub.s32 $0x2, s6;
	_ =	strace $0x80000047;
	[dreg:$0x3] =	wrdreg s19  }
0xc: {  	s24 =	sadd.s32 s23, s2;
	s23 =	simm.s32 $0x1380;
	[dreg:$0x9] =	wrdreg s25  }
0xd: {  	s4 =	sor.u32 s7, s4;
	s9 =	sshrl.u32 s6, $0x1;
	[dreg:$0xa] =	wrdreg s26  }
0xe: {  	s19 =	simm.s32 $0x1280;
	s7 =	sadd.s32 s4, s5;
	s4 =	sshll.u32 s0, $0x6  }
0xf: {  	s25 =	simm.s32 $0x1400;
	s26 =	simm.s32 $0x1C80;
	s20 =	sor.u32 $0x1C01, s4  }
0x10: {  	s5 =	sadd.s32 s8, s5;
	s21 =	sadd.s32 $0x3000, s7;
	[dreg:$0x4] =	wrdreg s20  }
0x11: {  	s6 =	ssub.s32 s6, s9;
	s22 =	sadd.s32 $0x5000, s7;
	[dreg:$0x5] =	wrdreg s21  }
0x12: {  	s8 =	simm.s32 $0x1;
	s7 =	sadd.s32 $0x1000, s7;
	[dreg:$0x6] =	wrdreg s22  }
0x13: {  	s9 =	simm.s32 $0x80;
	s5 =	sadd.s32 s10, s5;
	[dreg:$0x7] =	wrdreg s7  }
0x14: {  	s5 =	sadd.s32 $0x7400, s5;
	s7 =	simm.s32 $0x1000;
	s20 =	simm.s32 $0x1B00  }
0x15: {  	s21 =	simm.s32 $0x1300;
	s22 =	simm.s32 $0x1B80;
	[dreg:$0x8] =	wrdreg s5  }
0x16: {  	s5 =	smax.u32 s6, $0x1;
	s6 =	sshrl.u32 s24, $0x3;
	s24 =	simm.s32 $0x1C00  }
.LBB2_1:
0x17: {  	s0 =	rddreg [dreg:$0x3]  }
0x18: {  	s1 =	rddreg [dreg:$0x4]  }
0x19: {  	[spmem:s6], [sflag:s1] =	dma.local [hbm:s0], $0x400  }
0x1a: {  	s0 =	rddreg [dreg:$0x5]  }
0x1b: {  	s1 =	rddreg [dreg:$0x6]  }
0x1c: {  	[tilespmem:s3], [sflag:$0x1] =	stream.linear.gather [hbm4b:s0+s3], $0x500, $0x38;
	[tilespmem:$0x4000] =	vst v63  }
0x1d: {  	s10 =	rddreg [dreg:$0x9]  }
0x1e: {  	[tilespmem:s10], [sflag:$0x1] =	stream.linear.gather [hbm4b:s1+s3], $0x500, $0x38;
	[tilespmem:$0x4000] =	vst v63  }
0x1f: {  	s0 =	rddreg [dreg:$0x7]  }
0x20: {  	[tilespmem:s7], [sflag:$0x1] =	stream.linear.gather [hbm4b:s0+s3], $0x500, $0x38;
	[tilespmem:$0x4000] =	vst v63  }
0x21: {  	_ =	swait.ge [sflag:s8], $0x400  }
0x22: {  	[sflag:s8] =	ssyncset.done $0x0  }
0x23: {  	[sflag:s8] =	ssyncadd.s32 $0xFFFFFC00  }
0x24: {  	_ =	swait.ge [sflag:s8], $0x500  }
0x25: {  	[sflag:s8] =	ssyncset.done $0x0  }
0x26: {  	[sflag:s8] =	ssyncadd.s32 $0xFFFFFB00  }
0x27: {  	_ =	swait.ge [sflag:s8], $0x500  }
0x28: {  	[sflag:s8] =	ssyncset.done $0x0  }
0x29: {  	[sflag:s8] =	ssyncadd.s32 $0xFFFFFB00  }
0x2a: {  	_ =	swait.ge [sflag:s8], $0x500  }
0x2b: {  	[sflag:s8] =	ssyncset.done $0x0  }
0x2c: {  	[sflag:s8] =	ssyncadd.s32 $0xFFFFFB00  }
0x2d: {  	v0 =	vld [tilespmem:$0x1E0];
	_ =	sdelay $0x4  }
0x2e: {  	[tilespmem:$0x1FE90] =	vst v0;
	v0 =	vld [tilespmem:$0x210];
	_ =	sdelay $0x4  }
0x2f: {  	[tilespmem:$0x1FED0] =	vst v0;
	v0 =	vld [tilespmem:$0xA10];
	_ =	sdelay $0x4  }
0x30: {  	[tilespmem:$0x1FEC0] =	vst v0;
	v0 =	vld [tilespmem:$0x220];
	_ =	sdelay $0x3  }
0x31: {  	v1 =	vld [tilespmem:$0x0]  }
0x32: {  	[tilespmem:$0x1FEF0] =	vst v0;
	v0 =	vld [tilespmem:$0xA20]  }
0x33: {  	v3 =	vld [tilespmem:$0x800]  }
0x34: {  	v7 =	vld [tilespmem:$0x10]  }
0x35: {  	v10 =	vld [tilespmem:$0x810]  }
0x36: {  	v11 =	vld [tilespmem:$0x20]  }
0x37: {  	[tilespmem:$0x1FEE0] =	vst v0;
	v0 =	vld [tilespmem:$0x230]  }
0x38: {  	v15 =	vld [tilespmem:$0x820]  }
0x39: {  	v18 =	vld [tilespmem:$0x30]  }
0x3a: {  	v21 =	vld [tilespmem:$0x830]  }
0x3b: {  	v22 =	vld [tilespmem:$0x40]  }
0x3c: {  	[tilespmem:$0x1FF10] =	vst v0;
	v0 =	vld [tilespmem:$0xA30]  }
0x3d: {  	v25 =	vld [tilespmem:$0x840]  }
0x3e: {  	v28 =	vld [tilespmem:$0x50]  }
0x3f: {  	v31 =	vld [tilespmem:$0x850]  }
0x40: {  	v32 =	vld [tilespmem:$0x60]  }
0x41: {  	[tilespmem:$0x1FF00] =	vst v0;
	v0 =	vld [tilespmem:$0x240]  }
0x42: {  	v35 =	vld [tilespmem:$0x860]  }
0x43: {  	v38 =	vld [tilespmem:$0x70]  }
0x44: {  	v41 =	vld [tilespmem:$0x870]  }
0x45: {  	v42 =	vld [tilespmem:$0x80]  }
0x46: {  	[tilespmem:$0x1FF30] =	vst v0;
	v0 =	vld [tilespmem:$0xA40]  }
0x47: {  	v45 =	vld [tilespmem:$0x880]  }
0x48: {  	v48 =	vld [tilespmem:$0x90]  }
0x49: {  	v51 =	vld [tilespmem:$0x890]  }
0x4a: {  	v55 =	vld [tilespmem:$0xA0]  }
0x4b: {  	[tilespmem:$0x1FF20] =	vst v0;
	v0 =	vld [tilespmem:$0x250]  }
0x4c: {  	v63 =	vld [tilespmem:$0x8A0]  }
0x4d: {  	v6 =	vld [tilespmem:$0xB0]  }
0x4e: {  	v2 =	vld [tilespmem:$0x8B0]  }
0x4f: {  	v9 =	vld [tilespmem:$0xC0]  }
0x50: {  	[tilespmem:$0x1FF50] =	vst v0;
	v0 =	vld [tilespmem:$0xA50]  }
0x51: {  	v4 =	vld [tilespmem:$0x8C0]  }
0x52: {  	v13 =	vld [tilespmem:$0xD0]  }
0x53: {  	v5 =	vld [tilespmem:$0x8D0]  }
0x54: {  	v16 =	vld [tilespmem:$0xE0]  }
0x55: {  	[tilespmem:$0x1FF40] =	vst v0;
	v0 =	vld [tilespmem:$0x260]  }
0x56: {  	v8 =	vld [tilespmem:$0x8E0]  }
0x57: {  	v19 =	vld [tilespmem:$0xF0]  }
0x58: {  	v12 =	vld [tilespmem:$0x8F0]  }
0x59: {  	v23 =	vld [tilespmem:$0x100]  }
0x5a: {  	[tilespmem:$0x1FF70] =	vst v0;
	v0 =	vld [tilespmem:$0xA60]  }
0x5b: {  	v14 =	vld [tilespmem:$0x900]  }
0x5c: {  	v26 =	vld [tilespmem:$0x110]  }
0x5d: {  	v17 =	vld [tilespmem:$0x910]  }
0x5e: {  	v29 =	vld [tilespmem:$0x120]  }
0x5f: {  	[tilespmem:$0x1FF60] =	vst v0;
	v0 =	vld [tilespmem:$0x270]  }
0x60: {  	v20 =	vld [tilespmem:$0x920]  }
0x61: {  	v33 =	vld [tilespmem:$0x130]  }
0x62: {  	v24 =	vld [tilespmem:$0x930]  }
0x63: {  	v36 =	vld [tilespmem:$0x140]  }
0x64: {  	[tilespmem:$0x1FFA0] =	vst v0;
	v0 =	vld [tilespmem:$0xA70]  }
0x65: {  	v27 =	vld [tilespmem:$0x940]  }
0x66: {  	v60 =	vld [tilespmem:$0x150]  }
0x67: {  	v30 =	vld [tilespmem:$0x950]  }
0x68: {  	v52 =	vld [tilespmem:$0x160]  }
0x69: {  	[tilespmem:$0x1FF80] =	vst v0;
	v0 =	vld [tilespmem:$0x280]  }
0x6a: {  	v34 =	vld [tilespmem:$0x960]  }
0x6b: {  	v58 =	vld [tilespmem:$0x170]  }
0x6c: {  	v62 =	vld [tilespmem:$0x970]  }
0x6d: {  	v56 =	vld [tilespmem:$0x180]  }
0x6e: {  	[tilespmem:$0x1FFB0] =	vst v0;
	v0 =	vld [tilespmem:$0xA80]  }
0x6f: {  	v61 =	vld [tilespmem:$0x980]  }
0x70: {  	v53 =	vld [tilespmem:$0x190]  }
0x71: {  	v59 =	vld [tilespmem:$0x990]  }
0x72: {  	v49 =	vld [tilespmem:$0x1A0]  }
0x73: {  	[tilespmem:$0x1FF90] =	vst v0;
	v0 =	vld [tilespmem:$0x290]  }
0x74: {  	v57 =	vld [tilespmem:$0x9A0]  }
0x75: {  	v46 =	vld [tilespmem:$0x1B0]  }
0x76: {  	v54 =	vld [tilespmem:$0x9B0]  }
0x77: {  	v43 =	vld [tilespmem:$0x1C0]  }
0x78: {  	[tilespmem:$0x1FFD0] =	vst v0;
	v0 =	vld [tilespmem:$0xA90]  }
0x79: {  	v50 =	vld [tilespmem:$0x9C0]  }
0x7a: {  	v39 =	vld [tilespmem:$0x1D0]  }
0x7b: {  	v40 =	vld [tilespmem:$0x1F0]  }
0x7c: {  	v37 =	vld [tilespmem:$0x200]  }
0x7d: {  	[tilespmem:$0x1FFC0] =	vst v0;
	v0 =	vld [tilespmem:$0x2A0]  }
0x7e: {  	v47 =	vld [tilespmem:$0x9D0]  }
0x7f: {  	v44 =	vld [tilespmem:$0x9E0]  }
0x80: {  	[tilespmem:$0x1FEA0] =	vst v40;
	v40 =	vld [tilespmem:$0x9F0]  }
0x81: {  	[tilespmem:$0x1FEB0] =	vst v37;
	v37 =	vld [tilespmem:$0xA00]  }
0x82: {  	[tilespmem:$0x1FFE0] =	vst v0;
	v0 =	vshll.u32 v3, $0x8;
	v3 =	vld [tilespmem:$0xAA0]  }
0x83: {  	v0 =	vadd.s32 v1, v0;
	v1 =	vshll.u32 v10, $0x8;
	v10 =	vld [tilespmem:$0x2B0]  }
0x84: {  	[tilespmem:$0x1800] =	vst v0;
	v0 =	vadd.s32 v7, v1;
	v7 =	vshll.u32 v15, $0x8;
	v1 =	vld [tilespmem:$0x2C0]  }
0x85: {  	v21 =	vshll.u32 v21, $0x8;
	v15 =	vadd.s32 v11, v7;
	v7 =	vld [tilespmem:$0x2D0]  }
0x86: {  	v11 =	vadd.s32 v18, v21;
	[tilespmem:$0x1820] =	vst v15;
	v15 =	vld [tilespmem:$0xAC0]  }
0x87: {  	v18 =	vshll.u32 v25, $0x8;
	[tilespmem:$0x1830] =	vst v11;
	v11 =	vld [tilespmem:$0x2E0]  }
0x88: {  	v21 =	vadd.s32 v22, v18;
	v18 =	vld [tilespmem:$0x2F0]  }
0x89: {  	v22 =	vshll.u32 v31, $0x8;
	[tilespmem:$0x1840] =	vst v21;
	v21 =	vld [tilespmem:$0xAD0]  }
0x8a: {  	v25 =	vadd.s32 v28, v22;
	v22 =	vld [tilespmem:$0x300]  }
0x8b: {  	[tilespmem:$0x1FFF0] =	vst v10;
	v10 =	vld [tilespmem:$0xAB0]  }
0x8c: {  	v28 =	vshll.u32 v35, $0x8;
	[tilespmem:$0x1850] =	vst v25;
	v25 =	vld [tilespmem:$0xAE0]  }
0x8d: {  	v31 =	vadd.s32 v32, v28;
	v28 =	vld [tilespmem:$0x310]  }
0x8e: {  	v32 =	vshll.u32 v41, $0x8;
	[tilespmem:$0x1860] =	vst v31;
	v31 =	vld [tilespmem:$0xAF0]  }
0x8f: {  	v35 =	vadd.s32 v38, v32;
	v38 =	vshll.u32 v45, $0x8;
	v32 =	vld [tilespmem:$0x320]  }
0x90: {  	[tilespmem:$0x1870] =	vst v35;
	v41 =	vadd.s32 v42, v38;
	v35 =	vld [tilespmem:$0xB00]  }
0x91: {  	v42 =	vshll.u32 v51, $0x8;
	v38 =	vshll.u32 v12, $0x8;
	[tilespmem:$0x1880] =	vst v41;
	v41 =	vld [tilespmem:$0xB10]  }
0x92: {  	v45 =	vadd.s32 v48, v42;
	v42 =	vadd.s32 v19, v38;
	v38 =	vld [tilespmem:$0x330]  }
0x93: {  	v19 =	vshll.u32 v62, $0x8;
	v62 =	vshll.u32 v37, $0x8;
	v37 =	vld [tilespmem:$0x1FFC0]  }
0x94: {  	v48 =	vshll.u32 v63, $0x8;
	[tilespmem:$0x1890] =	vst v45;
	v45 =	vld [tilespmem:$0xB20]  }
0x95: {  	v63 =	vshll.u32 v4, $0x8;
	v51 =	vadd.s32 v55, v48;
	v48 =	vshll.u32 v14, $0x8;
	[tilespmem:$0x18F0] =	vst v42;
	v42 =	vld [tilespmem:$0x340]  }
0x96: {  	v4 =	vadd.s32 v9, v63;
	[tilespmem:$0x18A0] =	vst v51;
	v51 =	vadd.s32 v23, v48;
	v48 =	vld [tilespmem:$0x350]  }
0x97: {  	v2 =	vshll.u32 v2, $0x8;
	[tilespmem:$0x18C0] =	vst v4;
	v4 =	vshll.u32 v20, $0x8;
	v20 =	vadd.s32 v58, v19;
	v58 =	vld [tilespmem:$0xB60]  }
0x98: {  	v55 =	vadd.s32 v6, v2;
	v23 =	vshll.u32 v61, $0x8;
	v61 =	vld [tilespmem:$0x1FEA0]  }
0x99: {  	[tilespmem:$0x18B0] =	vst v55;
	v19 =	vld [tilespmem:$0x1FF10]  }
0x9a: {  	v55 =	vshll.u32 v17, $0x8;
	[tilespmem:$0x1900] =	vst v51;
	v51 =	vld [tilespmem:$0xB30]  }
0x9b: {  	v6 =	vshll.u32 v5, $0x8;
	v63 =	vadd.s32 v26, v55;
	v55 =	vld [tilespmem:$0xB40]  }
0x9c: {  	v9 =	vadd.s32 v13, v6;
	v6 =	vshll.u32 v24, $0x8;
	v24 =	vadd.s32 v56, v23;
	v56 =	vld [tilespmem:$0x370]  }
0x9d: {  	v5 =	vadd.s32 v29, v4;
	v4 =	vld [tilespmem:$0xB70]  }
0x9e: {  	v13 =	vshll.u32 v8, $0x8;
	v8 =	vadd.s32 v33, v6;
	v6 =	vld [tilespmem:$0xB90]  }
0x9f: {  	v29 =	vshll.u32 v57, $0x8;
	v57 =	vld [tilespmem:$0x1FE90]  }
0xa0: {  	[tilespmem:$0x1970] =	vst v20;
	v20 =	vld [tilespmem:$0x1FF20]  }
0xa1: {  	v16 =	vadd.s32 v16, v13;
	v23 =	vld [tilespmem:$0x1FF30]  }
0xa2: {  	v13 =	vshll.u32 v30, $0x8;
	v26 =	vshll.u32 v59, $0x8;
	v59 =	vshll.u32 v40, $0x8;
	v40 =	vld [tilespmem:$0x1FFD0]  }
0xa3: {  	v14 =	vadd.s32 v60, v13;
	v60 =	vld [tilespmem:$0xB50]  }
0xa4: {  	[tilespmem:$0x18D0] =	vst v9;
	v30 =	vadd.s32 v49, v29;
	v49 =	vld [tilespmem:$0x380]  }
0xa5: {  	[tilespmem:$0x1920] =	vst v5;
	v5 =	vld [tilespmem:$0xB80]  }
0xa6: {  	v9 =	vshll.u32 v27, $0x8;
	[tilespmem:$0x1930] =	vst v8;
	v8 =	vld [tilespmem:$0x3A0]  }
0xa7: {  	v12 =	vadd.s32 v36, v9;
	v9 =	vld [tilespmem:$0xBA0]  }
0xa8: {  	[tilespmem:$0x1910] =	vst v63;
	v63 =	vld [tilespmem:$0x1FEB0]  }
0xa9: {  	v13 =	vld [tilespmem:$0x1FED0]  }
0xaa: {  	[tilespmem:$0x1980] =	vst v24;
	v24 =	vld [tilespmem:$0x1FF40]  }
0xab: {  	v27 =	vadd.s32 v53, v26;
	v26 =	vld [tilespmem:$0x1FF50]  }
0xac: {  	v33 =	vshll.u32 v54, $0x8;
	v29 =	vld [tilespmem:$0x1FF70]  }
0xad: {  	[tilespmem:$0x18E0] =	vst v16;
	v16 =	vshll.u32 v34, $0x8;
	v34 =	vadd.s32 v46, v33;
	v33 =	vld [tilespmem:$0x1FF90]  }
0xae: {  	v36 =	vshll.u32 v50, $0x8;
	v50 =	vshll.u32 v47, $0x8;
	v47 =	vshll.u32 v10, $0x8;
	v10 =	vld [tilespmem:$0xBF0]  }
0xaf: {  	v17 =	vadd.s32 v52, v16;
	v52 =	vld [tilespmem:$0x360]  }
0xb0: {  	[tilespmem:$0x1810] =	vst v0;
	v46 =	vadd.s32 v43, v36;
	v43 =	vld [tilespmem:$0x390]  }
0xb1: {  	[tilespmem:$0x1940] =	vst v12;
	v12 =	vld [tilespmem:$0x1FEC0]  }
0xb2: {  	[tilespmem:$0x1950] =	vst v14;
	v14 =	vld [tilespmem:$0x1FEE0]  }
0xb3: {  	[tilespmem:$0x1990] =	vst v27;
	v16 =	vld [tilespmem:$0x1FEF0]  }
0xb4: {  	[tilespmem:$0x19A0] =	vst v30;
	v27 =	vld [tilespmem:$0x1FF60]  }
0xb5: {  	[tilespmem:$0x19B0] =	vst v34;
	v30 =	vld [tilespmem:$0x1FF80]  }
0xb6: {  	v34 =	vld [tilespmem:$0x1FFA0];
	[tilespmem:$0x1960] =	vst v17  }
0xb7: {  	v54 =	vshll.u32 v44, $0x8;
	v53 =	vadd.s32 v39, v50;
	v36 =	vld [tilespmem:$0x1FFB0];
	[tilespmem:$0x19C0] =	vst v46  }
0xb8: {  	[tilespmem:$0x19D0] =	vst v53;
	v17 =	vld [tilespmem:$0x1FF00];
	v0 =	vadd.s32 v57, v54  }
0xb9: {  	v46 =	vld [tilespmem:$0x1FFE0];
	v54 =	vshll.u32 v15, $0x8;
	[tilespmem:$0x19E0] =	vst v0;
	v0 =	vadd.s32 v61, v59  }
0xba: {  	v53 =	vld [tilespmem:$0x1FFF0];
	v1 =	vadd.s32 v54, v1;
	[tilespmem:$0x19F0] =	vst v0;
	v0 =	vadd.s32 v63, v62  }
0xbb: {  	v15 =	vld [tilespmem:$0x400];
	v59 =	vshll.u32 v21, $0x8;
	v2 =	vshll.u32 v12, $0x8;
	v61 =	vadd.s32 $0x10000, v1;
	[tilespmem:$0x1A00] =	vst v0  }
0xbc: {  	v12 =	vld [tilespmem:$0x3B0];
	v62 =	vadd.s32 v59, v7;
	v0 =	vadd.s32 v13, v2;
	[tilespmem:$0x1AC0] =	vst v61  }
0xbd: {  	v7 =	vld [tilespmem:$0x410];
	v59 =	vshll.u32 v4, $0x8;
	v2 =	vshll.u32 v14, $0x8;
	v21 =	vadd.s32 $0x10000, v62;
	[tilespmem:$0x1A10] =	vst v0  }
0xbe: {  	v63 =	vshll.u32 v25, $0x8;
	v4 =	vld [tilespmem:$0xC50];
	v61 =	vadd.s32 v59, v56;
	v0 =	vadd.s32 v16, v2;
	[tilespmem:$0x1AD0] =	vst v21  }
0xbf: {  	v13 =	vld [tilespmem:$0xBB0];
	v25 =	vadd.s32 v63, v11;
	v2 =	vshll.u32 v17, $0x8;
	v63 =	vadd.s32 $0x10000, v61;
	[tilespmem:$0x1A20] =	vst v0  }
0xc0: {  	v14 =	vld [tilespmem:$0x3C0];
	v0 =	vadd.s32 v19, v2;
	v2 =	vshll.u32 v20, $0x8;
	[tilespmem:$0x1B70] =	vst v63  }
0xc1: {  	v11 =	vld [tilespmem:$0xC10];
	[tilespmem:$0x1A30] =	vst v0;
	v0 =	vadd.s32 v23, v2;
	v2 =	vshll.u32 v24, $0x8  }
0xc2: {  	v62 =	vshll.u32 v5, $0x8;
	v5 =	vld [tilespmem:$0x460];
	[tilespmem:$0x1A40] =	vst v0;
	v0 =	vadd.s32 v26, v2  }
0xc3: {  	v3 =	vshll.u32 v3, $0x8;
	v16 =	vld [tilespmem:$0xBC0];
	v2 =	vshll.u32 v27, $0x8;
	v27 =	vadd.s32 $0x10000, v25;
	[tilespmem:$0x1A50] =	vst v0  }
0xc4: {  	v17 =	vld [tilespmem:$0x3D0];
	v26 =	vshll.u32 v31, $0x8;
	v0 =	vadd.s32 v29, v2;
	v2 =	vshll.u32 v30, $0x8;
	[tilespmem:$0x1AE0] =	vst v27  }
0xc5: {  	v21 =	vld [tilespmem:$0xC20];
	v20 =	vshll.u32 v33, $0x8;
	v29 =	vadd.s32 v26, v18;
	[tilespmem:$0x1A60] =	vst v0;
	v0 =	vadd.s32 v34, v2  }
0xc6: {  	v19 =	vld [tilespmem:$0xBD0];
	v30 =	vshll.u32 v35, $0x8;
	v2 =	vadd.s32 v20, v36;
	v31 =	vadd.s32 $0x10000, v29;
	[tilespmem:$0x1A70] =	vst v0  }
0xc7: {  	v23 =	vld [tilespmem:$0x3E0];
	v20 =	vshll.u32 v37, $0x8;
	v33 =	vadd.s32 v30, v22;
	v39 =	vadd.s32 $0x10000, v2;
	[tilespmem:$0x1AF0] =	vst v31  }
0xc8: {  	v24 =	vld [tilespmem:$0xBE0];
	v34 =	vshll.u32 v41, $0x8;
	v29 =	vadd.s32 v62, v49;
	v35 =	vadd.s32 $0x10000, v33;
	[tilespmem:$0x1A80] =	vst v39  }
0xc9: {  	v25 =	vld [tilespmem:$0xC30];
	v37 =	vshll.u32 v45, $0x8;
	v2 =	vadd.s32 v20, v40;
	v31 =	vadd.s32 $0x10000, v29;
	[tilespmem:$0x1B00] =	vst v35  }
0xca: {  	v18 =	vld [tilespmem:$0x420];
	v30 =	vshll.u32 v6, $0x8;
	v36 =	vadd.s32 v34, v28;
	v44 =	vadd.s32 $0x10000, v2;
	[tilespmem:$0x1B80] =	vst v31  }
0xcb: {  	v26 =	vld [tilespmem:$0x440];
	v40 =	vadd.s32 v37, v32;
	v32 =	vadd.s32 v30, v43;
	v39 =	vadd.s32 $0x10000, v36;
	[tilespmem:$0x1A90] =	vst v44  }
0xcc: {  	v27 =	vld [tilespmem:$0xC40];
	v2 =	vadd.s32 v3, v46;
	v34 =	vadd.s32 $0x10000, v32;
	[tilespmem:$0x1B10] =	vst v39  }
0xcd: {  	v22 =	vld [tilespmem:$0x430];
	v41 =	vshll.u32 v51, $0x8;
	v50 =	vadd.s32 $0x10000, v2;
	[tilespmem:$0x1B90] =	vst v34  }
0xce: {  	v6 =	vld [tilespmem:$0xC60];
	v45 =	vadd.s32 v41, v38;
	v33 =	vshll.u32 v9, $0x8;
	v44 =	vadd.s32 $0x10000, v40;
	[tilespmem:$0x1AA0] =	vst v50  }
0xcf: {  	v62 =	vld [tilespmem:$0x4B0];
	v35 =	vadd.s32 v33, v8;
	v2 =	vadd.s32 v47, v53;
	v47 =	vadd.s32 $0x10000, v45;
	[tilespmem:$0x1B20] =	vst v44  }
0xd0: {  	v20 =	vld [tilespmem:$0x3F0];
	v46 =	vshll.u32 v55, $0x8;
	v55 =	vshll.u32 v58, $0x8;
	v37 =	vadd.s32 $0x10000, v35;
	[tilespmem:$0x1B30] =	vst v47  }
0xd1: {  	v28 =	vld [tilespmem:$0x450];
	v36 =	vshll.u32 v13, $0x8;
	v58 =	vadd.s32 v55, v52;
	v57 =	vadd.s32 $0x10000, v2;
	[tilespmem:$0x1BA0] =	vst v37  }
0xd2: {  	v51 =	vshll.u32 v60, $0x8;
	v9 =	vld [tilespmem:$0x470];
	v38 =	vadd.s32 v36, v12;
	v60 =	vadd.s32 $0x10000, v58;
	[tilespmem:$0x1AB0] =	vst v57  }
0xd3: {  	v43 =	vld [tilespmem:$0xC80];
	v50 =	vadd.s32 v46, v42;
	v40 =	vadd.s32 $0x10000, v38;
	[tilespmem:$0x1B60] =	vst v60  }
0xd4: {  	v54 =	vadd.s32 v51, v48;
	v30 =	vld [tilespmem:$0xCC0];
	v39 =	vshll.u32 v16, $0x8;
	v53 =	vadd.s32 $0x10000, v50;
	[tilespmem:$0x1BB0] =	vst v40  }
0xd5: {  	v61 =	vshll.u32 v21, $0x8;
	v3 =	vld [tilespmem:$0xC00];
	v41 =	vadd.s32 v39, v14;
	v57 =	vadd.s32 $0x10000, v54;
	[tilespmem:$0x1B40] =	vst v53  }
0xd6: {  	v8 =	vld [tilespmem:$0xC70];
	v42 =	vshll.u32 v19, $0x8;
	v18 =	vadd.s32 v61, v18;
	v44 =	vadd.s32 $0x10000, v41;
	[tilespmem:$0x1B50] =	vst v57  }
0xd7: {  	v12 =	vld [tilespmem:$0x480];
	v46 =	vshll.u32 v24, $0x8;
	v45 =	vadd.s32 v42, v17;
	v21 =	vadd.s32 $0x10000, v18;
	[tilespmem:$0x1BC0] =	vst v44  }
0xd8: {  	v34 =	vld [tilespmem:$0x4D0];
	v19 =	vshll.u32 v25, $0x8;
	v48 =	vadd.s32 v46, v23;
	v47 =	vadd.s32 $0x10000, v45;
	[tilespmem:$0x1C20] =	vst v21  }
0xd9: {  	v49 =	vshll.u32 v10, $0x8;
	v14 =	vld [tilespmem:$0x490];
	v22 =	vadd.s32 v19, v22;
	v51 =	vadd.s32 $0x10000, v48;
	[tilespmem:$0x1BD0] =	vst v47  }
0xda: {  	v58 =	vld [tilespmem:$0xCA0];
	v23 =	vshll.u32 v27, $0x8;
	v52 =	vadd.s32 v49, v20;
	v25 =	vadd.s32 $0x10000, v22;
	[tilespmem:$0x1BE0] =	vst v51  }
0xdb: {  	v29 =	vshll.u32 v4, $0x8;
	v24 =	vld [tilespmem:$0x4C0];
	v27 =	vadd.s32 v23, v26;
	v55 =	vadd.s32 $0x10000, v52;
	[tilespmem:$0x1C30] =	vst v25  }
0xdc: {  	v50 =	vld [tilespmem:$0xC90];
	v33 =	vshll.u32 v6, $0x8;
	v32 =	vadd.s32 v29, v28;
	v31 =	vadd.s32 $0x10000, v27;
	[tilespmem:$0x1BF0] =	vst v55  }
0xdd: {  	v54 =	vld [tilespmem:$0x4A0];
	v57 =	vshll.u32 v11, $0x8;
	v36 =	vadd.s32 v33, v5;
	v35 =	vadd.s32 $0x10000, v32;
	[tilespmem:$0x1C40] =	vst v31  }
0xde: {  	v38 =	vld [tilespmem:$0xCD0];
	v53 =	vshll.u32 v3, $0x8;
	v60 =	vadd.s32 v57, v7;
	v39 =	vadd.s32 $0x10000, v36;
	[tilespmem:$0x1C50] =	vst v35  }
0xdf: {  	v20 =	vld [tilespmem:$0xCB0];
	v37 =	vshll.u32 v8, $0x8;
	v56 =	vadd.s32 v53, v15;
	v63 =	vadd.s32 $0x10000, v60;
	[tilespmem:$0x1C60] =	vst v39  }
0xe0: {  	v46 =	vld [tilespmem:$0xCE0];
	v41 =	vshll.u32 v43, $0x8;
	v40 =	vadd.s32 v37, v9;
	v59 =	vadd.s32 $0x10000, v56;
	[tilespmem:$0x1C10] =	vst v63  }
0xe1: {  	v42 =	vld [tilespmem:$0x4E0];
	v44 =	vadd.s32 v41, v12;
	v43 =	vadd.s32 $0x10000, v40;
	v49 =	vshll.u32 v58, $0x8;
	[tilespmem:$0x1C00] =	vst v59  }
0xe2: {  	v47 =	vadd.s32 $0x10000, v44;
	v45 =	vshll.u32 v50, $0x8;
	[tilespmem:$0x1C70] =	vst v43;
	v50 =	vld [tilespmem:$0xCF0];
	v52 =	vadd.s32 v49, v54  }
0xe3: {  	v56 =	vshll.u32 v30, $0x8;
	[tilespmem:$0x1C80] =	vst v47;
	v54 =	vld [tilespmem:$0x4F0];
	v48 =	vadd.s32 v45, v14;
	v1 =	vadd.s32 $0x10000, v52  }
0xe4: {  	v57 =	vadd.s32 v56, v24;
	v53 =	vshll.u32 v20, $0x8;
	v51 =	vadd.s32 $0x10000, v48;
	[tilespmem:$0x1CA0] =	vst v1  }
0xe5: {  	v60 =	vshll.u32 v46, $0x8;
	v55 =	vadd.s32 v53, v62;
	v1 =	vadd.s32 $0x10000, v57;
	[tilespmem:$0x1C90] =	vst v51  }
0xe6: {  	v58 =	vshll.u32 v38, $0x8;
	v61 =	vadd.s32 v60, v42;
	v0 =	vadd.s32 $0x10000, v55;
	[tilespmem:$0x1CC0] =	vst v1  }
0xe7: {  	v59 =	vadd.s32 v58, v34;
	v1 =	vadd.s32 $0x10000, v61;
	[tilespmem:$0x1CB0] =	vst v0;
	v62 =	vshll.u32 v50, $0x8  }
0xe8: {  	v0 =	vadd.s32 $0x10000, v59;
	[tilespmem:$0x1CE0] =	vst v1;
	v63 =	vadd.s32 v62, v54  }
0xe9: {  	[tilespmem:$0x1CD0] =	vst v0;
	v0 =	vadd.s32 $0x10000, v63  }
0xea: {  	[tilespmem:$0x1CF0] =	vst v0  }
0xeb: {  	[bflag:$0x0] =	sbarrier.arrive $0xFFFF  }
0xec: {  	s1 =	rddreg [dreg:$0xa]  }
0xed: {  	[spmem:s2] =	stream.indirect.scatter.add.f32 [tilespmem:s7], [sflag:$0x1], $0x1, s1, s9, $0xb8;
	[tilespmem:$0x4000] =	vst v63  }
0xee: {  	s10 =	simm.s32 $0x1880  }
0xef: {  	[spmem:s2] =	stream.indirect.scatter.add.f32 [tilespmem:s11], [sflag:$0x1], $0x1, s10, s9, $0xb8;
	[tilespmem:$0x4000] =	vst v63  }
0xf0: {  	_ = 	snop  }
0xf1: {  	[spmem:s2] =	stream.indirect.scatter.add.f32 [tilespmem:s13], [sflag:$0x1], $0x1, s12, s9, $0xb8;
	[tilespmem:$0x4000] =	vst v63  }
0xf2: {  	_ = 	snop  }
0xf3: {  	[spmem:s2] =	stream.indirect.scatter.add.f32 [tilespmem:s15], [sflag:$0x1], $0x1, s14, s9, $0xb8;
	[tilespmem:$0x4000] =	vst v63  }
0xf4: {  	_ = 	snop  }
0xf5: {  	[spmem:s2] =	stream.indirect.scatter.add.f32 [tilespmem:s17], [sflag:$0x1], $0x1, s16, s9, $0xb8;
	[tilespmem:$0x4000] =	vst v63  }
0xf6: {  	_ = 	snop  }
0xf7: {  	[spmem:s2] =	stream.indirect.scatter.add.f32 [tilespmem:s19], [sflag:$0x1], $0x1, s18, s9, $0xb8;
	[tilespmem:$0x4000] =	vst v63  }
0xf8: {  	_ = 	snop  }
0xf9: {  	[spmem:s2] =	stream.indirect.scatter.add.f32 [tilespmem:s21], [sflag:$0x1], $0x1, s20, s9, $0xb8;
	[tilespmem:$0x4000] =	vst v63  }
0xfa: {  	_ = 	snop  }
0xfb: {  	[spmem:s2] =	stream.indirect.scatter.add.f32 [tilespmem:s23], [sflag:$0x1], $0x1, s22, s9, $0xb8;
	[tilespmem:$0x4000] =	vst v63  }
0xfc: {  	_ = 	snop  }
0xfd: {  	[spmem:s2] =	stream.indirect.scatter.add.f32 [tilespmem:s25], [sflag:$0x1], $0x1, s24, s9, $0xb8;
	[tilespmem:$0x4000] =	vst v63  }
0xfe: {  	_ = 	snop  }
0xff: {  	[spmem:s2] =	stream.indirect.scatter.add.f32 [tilespmem:s28], [sflag:$0x1], $0x1, s26, s9, $0xb8;
	[tilespmem:$0x4000] =	vst v63  }
0x100: {  	_ =	swait.ge [sflag:s8], $0x80  }
0x101: {  	[sflag:s8] =	ssyncset.done $0x0  }
0x102: {  	[sflag:s8] =	ssyncadd.s32 $0xFFFFFF80  }
0x103: {  	_ =	swait.ge [sflag:s8], $0x80  }
0x104: {  	[sflag:s8] =	ssyncset.done $0x0  }
0x105: {  	[sflag:s8] =	ssyncadd.s32 $0xFFFFFF80  }
0x106: {  	_ =	swait.ge [sflag:s8], $0x80  }
0x107: {  	[sflag:s8] =	ssyncset.done $0x0  }
0x108: {  	[sflag:s8] =	ssyncadd.s32 $0xFFFFFF80  }
0x109: {  	_ =	swait.ge [sflag:s8], $0x80  }
0x10a: {  	[sflag:s8] =	ssyncset.done $0x0  }
0x10b: {  	[sflag:s8] =	ssyncadd.s32 $0xFFFFFF80  }
0x10c: {  	_ =	swait.ge [sflag:s8], $0x80  }
0x10d: {  	[sflag:s8] =	ssyncset.done $0x0  }
0x10e: {  	[sflag:s8] =	ssyncadd.s32 $0xFFFFFF80  }
0x10f: {  	_ =	swait.ge [sflag:s8], $0x80  }
0x110: {  	[sflag:s8] =	ssyncset.done $0x0  }
0x111: {  	[sflag:s8] =	ssyncadd.s32 $0xFFFFFF80  }
0x112: {  	_ =	swait.ge [sflag:s8], $0x80  }
0x113: {  	[sflag:s8] =	ssyncset.done $0x0  }
0x114: {  	[sflag:s8] =	ssyncadd.s32 $0xFFFFFF80  }
0x115: {  	_ =	swait.ge [sflag:s8], $0x80  }
0x116: {  	[sflag:s8] =	ssyncset.done $0x0  }
0x117: {  	[sflag:s8] =	ssyncadd.s32 $0xFFFFFF80  }
0x118: {  	_ =	swait.ge [sflag:s8], $0x80  }
0x119: {  	[sflag:s8] =	ssyncset.done $0x0  }
0x11a: {  	[sflag:s8] =	ssyncadd.s32 $0xFFFFFF80  }
0x11b: {  	_ =	swait.ge [sflag:s8], $0x80  }
0x11c: {  	[sflag:s8] =	ssyncset.done $0x0  }
0x11d: {  	[sflag:s8] =	ssyncadd.s32 $0xFFFFFF80  }
0x11e: {  	p0 =	sne.s32 s5, $0x1;
	[bflag:$0x0] =	sbarrier.arrive $0xFFFF  }
.Ltmp0:
0x11f: {  	s10 =	sor.u32 $0x1C02, s4;
	s1 =	rddreg [dreg:$0x8];
	(pc) =	sbr.rel @p0 .LBB2_1-.Ltmp0, $4  }
0x120: {  	[hbm:s1@s29], [sflag:s10] =	dma.strided [spmem:s6@s30], $0x400, s8, $0x10   }
0x121: {  	_ =	swait.ge [sflag:s31], $0x400  }
0x122: {  	[sflag:s31] =	ssyncset.done $0x0  }
0x123: {  	s5 =	sadd.s32 $0xFFFFFFFF, s5;
	[sflag:s31] =	ssyncadd.s32 $0xFFFFFC00  }
0x124: {  	_ =	sfence.sel $0x180000  }
0x125: {  	[bflag:$0x0] =	sbarrier.arrive $0xFFFF  }
0x126: {  	_ =	strace $0x90000047  }
0x127: {  	s0 =	stileid.u32;
	[bflag:$0x2] =	sbarrier.arrive $0xFFFF  }
0x128: {  	p0 =	sne.s32 s0, $0x0;
	s0 =	rddreg [dreg:$0x2]  }
0x129: {  	s0 =	sadd.s32 @!p0 $0x100000, s0  }
0x12a: {  	[sflag:s0] =	ssyncadd.tile.s32 @!p0 $0x1;
	_ =	shalt  }
.Lfunc_end2:
_tile_overlayer_lowered:
.L_overlay_start_2:
0x12b: {  	(tag) =	ssettag $0x2  }
0x12c: {  	s0 =	rddreg [dreg:$0x0];
	s2 =	stileid.u32  }
0x12d: {  	s1 =	rddreg [dreg:$0x1];
	p0 =	sne.s32 s2, $0x0  }
0x12e: {  	s3 =	rddreg [dreg:$0x2];
	[bflag:$0x3] =	sbarrier.arrive $0xFFFF;
	s2 =	simm.s32 @!p0 $0x1C02  }
0x12f: {  	[timem:s3], [sflag:s2] =	dma.local @!p0 [hbm:s0], s1  }
0x130: {  	s0 =	simm.s32 @!p0 $0x2  }
0x131: {  	_ =	swait.ge @!p0 [sflag:s0], s1  }
0x132: {  	s1 =	ssub.s32 @!p0 $0x0, s1;
	[sflag:s0] =	ssyncset.done @!p0 $0x0  }
0x133: {  	[sflag:s0] =	ssyncadd.s32 @!p0 s1  }
0x134: {  	[bflag:$0x3] =	sbarrier.arrive $0xFFFF  }
0x135: {  	_ =	shalt  }

</sc_bundles>
